<compile_context>
chip_gen: v7x
topology: tpu7x:2x2x1
jax: 0.10.2.dev20260603
libtpu: 0.0.44.dev20260713+nightly
codegen_flags: <defaults>
</compile_context>

<pallas_src>
import functools

import jax
import jax.numpy as jnp
import numpy as np
from jax import lax
from jax.experimental import pallas as pl
from jax.experimental.pallas import tpu as pltpu
from jax.experimental.pallas import tpu_sc as plsc

N = 10000
E = 320000
D = 128
H = 64
C = 32
G = 64

NC = 2
NS = 16
NW = NC * NS
NPAD = 10240
RPS = NPAD // NS
CHB = 128
NCB = 80
IB = 16
EW = NCB * CHB
EPAD = NW * EW

R = 2048
NB = NPAD // R

_mesh = plsc.VectorSubcoreMesh(core_axis_name="c", subcore_axis_name="s")

_PAD_IDS = (np.arange(EPAD - E, dtype=np.int32) % (NPAD - N) + N)


@functools.partial(
    pl.kernel,
    out_type=jax.ShapeDtypeStruct((NC, NPAD), jnp.float32),
    mesh=_mesh,
    scratch_types=[
        pltpu.VMEM((NCB, CHB), jnp.int32),
        pltpu.VMEM((CHB,), jnp.float32),
        pltpu.VMEM((RPS,), jnp.float32),
        pltpu.VMEM_SHARED((NPAD,), jnp.float32),
    ],
)
def _deg_sc(edges_hbm, out_hbm, dstb_v, ones_v, zbuf_v, deg_sh):
    c = lax.axis_index("c")
    s = lax.axis_index("s")
    wid = c * NS + s

    pltpu.sync_copy(edges_hbm.at[1, pl.ds(wid * NCB, NCB), :], dstb_v)

    def _fill_ones(i, _):
        ones_v[pl.ds(i * 16, 16)] = jnp.ones((16,), jnp.float32)
        return 0

    lax.fori_loop(0, CHB // 16, _fill_ones, 0)

    def _fill_zero(i, _):
        zbuf_v[pl.ds(i * 16, 16)] = jnp.zeros((16,), jnp.float32)
        return 0

    lax.fori_loop(0, RPS // 16, _fill_zero, 0)
    pltpu.sync_copy(zbuf_v, deg_sh.at[pl.ds(s * RPS, RPS)])
    plsc.subcore_barrier()

    def _step(g, _):
        pltpu.sync_copy(ones_v, deg_sh.at[dstb_v.at[g]], add=True)
        return 0

    lax.fori_loop(0, NCB, _step, 0)
    plsc.subcore_barrier()
    pltpu.sync_copy(deg_sh.at[pl.ds(s * RPS, RPS)],
                    out_hbm.at[c, pl.ds(s * RPS, RPS)])


def _make_scatter(dk, ib):
    nblk = NCB // ib
    scratch = [
        pltpu.VMEM((ib, CHB), jnp.int32),
        pltpu.VMEM((ib, CHB), jnp.int32),
        pltpu.VMEM((CHB, dk), jnp.float32),
        pltpu.VMEM((CHB, dk), jnp.float32),
        pltpu.VMEM_SHARED((NPAD, dk), jnp.float32),
        pltpu.SemaphoreType.DMA,
        pltpu.SemaphoreType.DMA,
        pltpu.SemaphoreType.DMA,
        pltpu.SemaphoreType.DMA,
    ]
    if nblk > 1:
        scratch += [
            pltpu.VMEM((ib, CHB), jnp.int32),
            pltpu.VMEM((ib, CHB), jnp.int32),
            pltpu.SemaphoreType.DMA,
            pltpu.SemaphoreType.DMA,
        ]

    @functools.partial(
        pl.kernel,
        out_type=jax.ShapeDtypeStruct((NC, NPAD, dk), jnp.float32),
        mesh=_mesh,
        compiler_params=pltpu.CompilerParams(
            use_tc_tiling_on_sc=(dk % 128 == 0)),
        scratch_types=scratch,
    )
    def _scat(y_hbm, edges_hbm, out_hbm,
              srcb0, dstb0, buf0, buf1, acc_sh,
              semg0, semg1, sems0, sems1,
              srcb1=None, dstb1=None, semis=None, semid=None):
        c = lax.axis_index("c")
        s = lax.axis_index("s")
        wid = c * NS + s

        def _zrow(i, _):
            for j in range(dk // 16):
                buf0[i, pl.ds(j * 16, 16)] = jnp.zeros((16,), jnp.float32)
            return 0

        lax.fori_loop(0, CHB, _zrow, 0)
        for k in range(RPS // CHB):
            pltpu.sync_copy(buf0, acc_sh.at[pl.ds(s * RPS + k * CHB, CHB)])
        plsc.subcore_barrier()

        idxbufs = [(srcb0, dstb0), (srcb1, dstb1)]
        pltpu.sync_copy(edges_hbm.at[0, pl.ds(wid * NCB, ib), :], srcb0)
        pltpu.sync_copy(edges_hbm.at[1, pl.ds(wid * NCB, ib), :], dstb0)

        for b in range(nblk):
            sb, db = idxbufs[b % 2]
            if b + 1 < nblk:
                nsb, ndb = idxbufs[(b + 1) % 2]
                pltpu.async_copy(
                    edges_hbm.at[0, pl.ds(wid * NCB + (b + 1) * ib, ib), :],
                    nsb, semis)
                pltpu.async_copy(
                    edges_hbm.at[1, pl.ds(wid * NCB + (b + 1) * ib, ib), :],
                    ndb, semid)
            pltpu.async_copy(y_hbm.at[sb.at[0]], buf0, semg0)

            if nblk > 1:
                def _step(t, _, sb=sb, db=db):
                    g0 = 2 * t
                    g1 = 2 * t + 1
                    pltpu.make_async_copy(
                        y_hbm.at[sb.at[g0]], buf0, semg0).wait()
                    pltpu.async_copy(y_hbm.at[sb.at[g1]], buf1, semg1)
                    pltpu.sync_copy(buf0, acc_sh.at[db.at[g0]], add=True)
                    pltpu.make_async_copy(
                        y_hbm.at[sb.at[g1]], buf1, semg1).wait()

                    @pl.when(g1 + 1 < ib)
                    def _():
                        pltpu.async_copy(y_hbm.at[sb.at[g1 + 1]], buf0, semg0)

                    pltpu.sync_copy(buf1, acc_sh.at[db.at[g1]], add=True)
                    return 0

                lax.fori_loop(0, ib // 2, _step, 0)
            else:
                pltpu.async_copy(y_hbm.at[sb.at[1]], buf1, semg1)

                def _step(t, _, sb=sb, db=db):
                    g0 = 2 * t
                    g1 = 2 * t + 1
                    pltpu.make_async_copy(
                        y_hbm.at[sb.at[g0]], buf0, semg0).wait()
                    pltpu.async_copy(buf0, acc_sh.at[db.at[g0]], sems0,
                                     add=True)
                    pltpu.make_async_copy(
                        y_hbm.at[sb.at[g1]], buf1, semg1).wait()
                    pltpu.async_copy(buf1, acc_sh.at[db.at[g1]], sems1,
                                     add=True)

                    @pl.when(t + 1 < ib // 2)
                    def _():
                        pltpu.make_async_copy(
                            buf0, acc_sh.at[db.at[g0]], sems0).wait()
                        pltpu.async_copy(y_hbm.at[sb.at[g0 + 2]], buf0, semg0)
                        pltpu.make_async_copy(
                            buf1, acc_sh.at[db.at[g1]], sems1).wait()
                        pltpu.async_copy(y_hbm.at[sb.at[g1 + 2]], buf1, semg1)

                    return 0

                lax.fori_loop(0, ib // 2, _step, 0)
                pltpu.make_async_copy(buf0, acc_sh.at[db.at[ib - 2]],
                                      sems0).wait()
                pltpu.make_async_copy(buf1, acc_sh.at[db.at[ib - 1]],
                                      sems1).wait()
            if b + 1 < nblk:
                pltpu.make_async_copy(
                    edges_hbm.at[0, pl.ds(wid * NCB + (b + 1) * ib, ib), :],
                    nsb, semis).wait()
                pltpu.make_async_copy(
                    edges_hbm.at[1, pl.ds(wid * NCB + (b + 1) * ib, ib), :],
                    ndb, semid).wait()

        plsc.subcore_barrier()
        pltpu.sync_copy(acc_sh.at[pl.ds(s * RPS, RPS)],
                        out_hbm.at[c, pl.ds(s * RPS, RPS)])

    return _scat


_scatter128 = _make_scatter(D, 16)
_scatter64 = _make_scatter(H, 80)


def _ka_body(deg_ref, x_ref, w1_ref, y1_ref, dinv_ref):
    deg = deg_ref[...]
    dinv = lax.rsqrt(deg[:, 0:1] + deg[:, 1:2] + 1.0)
    xw = jnp.dot(x_ref[...], w1_ref[...], preferred_element_type=jnp.float32)
    y1_ref[...] = dinv * xw
    dinv_ref[...] = dinv


def _ka(degt, x_pad, W1):
    return pl.pallas_call(
        _ka_body,
        grid=(NB,),
        in_specs=[
            pl.BlockSpec((R, 2), lambda i: (i, 0)),
            pl.BlockSpec((R, D), lambda i: (i, 0)),
            pl.BlockSpec((D, D), lambda i: (0, 0)),
        ],
        out_specs=[
            pl.BlockSpec((R, D), lambda i: (i, 0)),
            pl.BlockSpec((R, 1), lambda i: (i, 0)),
        ],
        out_shape=[
            jax.ShapeDtypeStruct((NPAD, D), jnp.float32),
            jax.ShapeDtypeStruct((NPAD, 1), jnp.float32),
        ],
    )(degt, x_pad, W1)


def _kb_body(p_ref, y1_ref, dinv_ref, b1_ref, w2_ref, y2_ref):
    p = p_ref[...]
    dinv = dinv_ref[...]
    h1 = jnp.maximum(dinv * (p[0] + p[1] + y1_ref[...]) + b1_ref[...], 0.0)
    y2_ref[...] = dinv * jnp.dot(h1, w2_ref[...],
                                 preferred_element_type=jnp.float32)


def _kb(p, y1, dinv, b1r, W2):
    return pl.pallas_call(
        _kb_body,
        grid=(NB,),
        in_specs=[
            pl.BlockSpec((NC, R, D), lambda i: (0, i, 0)),
            pl.BlockSpec((R, D), lambda i: (i, 0)),
            pl.BlockSpec((R, 1), lambda i: (i, 0)),
            pl.BlockSpec((1, D), lambda i: (0, 0)),
            pl.BlockSpec((D, H), lambda i: (0, 0)),
        ],
        out_specs=pl.BlockSpec((R, H), lambda i: (i, 0)),
        out_shape=jax.ShapeDtypeStruct((NPAD, H), jnp.float32),
    )(p, y1, dinv, b1r, W2)


def _kc_body(q_ref, y2_ref, dinv_ref, b2_ref, batch_ref, w3_ref, b3_ref,
             out_ref, psum):
    i = pl.program_id(0)

    @pl.when(i == 0)
    def _():
        psum[...] = jnp.zeros_like(psum)

    q = q_ref[...]
    dinv = dinv_ref[...]
    h2 = jnp.maximum(dinv * (q[0] + q[1] + y2_ref[...]) + b2_ref[...], 0.0)
    bb = batch_ref[...]
    gid = lax.broadcasted_iota(jnp.int32, (1, G), 1)
    m = (bb == gid).astype(jnp.float32)
    haug = jnp.concatenate([h2, jnp.ones((R, 1), jnp.float32)], axis=1)
    psum[...] += lax.dot_general(m, haug, (((0,), (0,)), ((), ())),
                                 preferred_element_type=jnp.float32)

    @pl.when(i == pl.num_programs(0) - 1)
    def _():
        ps = psum[...]
        pooled = ps[:, :H] / jnp.maximum(ps[:, H:H + 1], 1.0)
        out_ref[...] = jnp.dot(pooled, w3_ref[...],
                               preferred_element_type=jnp.float32) + b3_ref[...]


def _kc(q, y2, dinv, b2r, batch_pad, W3, b3r):
    return pl.pallas_call(
        _kc_body,
        grid=(NB,),
        in_specs=[
            pl.BlockSpec((NC, R, H), lambda i: (0, i, 0)),
            pl.BlockSpec((R, H), lambda i: (i, 0)),
            pl.BlockSpec((R, 1), lambda i: (i, 0)),
            pl.BlockSpec((1, H), lambda i: (0, 0)),
            pl.BlockSpec((R, 1), lambda i: (i, 0)),
            pl.BlockSpec((H, C), lambda i: (0, 0)),
            pl.BlockSpec((1, C), lambda i: (0, 0)),
        ],
        out_specs=pl.BlockSpec((G, C), lambda i: (0, 0)),
        out_shape=jax.ShapeDtypeStruct((G, C), jnp.float32),
        scratch_shapes=[pltpu.VMEM((G, H + 1), jnp.float32)],
    )(q, y2, dinv, b2r, batch_pad, W3, b3r)


def kernel(x, edge_index, batch, W1, b1, W2, b2, W3, b3):
    src = edge_index[0]
    dst = edge_index[1]
    pad_ids = jnp.asarray(_PAD_IDS)[None, :]
    edges = jnp.concatenate(
        [edge_index, jnp.broadcast_to(pad_ids, (2, EPAD - E))],
        axis=1).reshape(2, NW * NCB, CHB)
    x_pad = jnp.pad(x, ((0, NPAD - N), (0, 0)))
    batch_pad = jnp.pad(batch, (0, NPAD - N), constant_values=G)
    batch_pad = batch_pad.reshape(NPAD, 1)

    degp = _deg_sc(edges)
    y1, dinv = _ka(degp.T, x_pad, W1)
    p = _scatter128(y1, edges)
    y2 = _kb(p, y1, dinv, b1.reshape(1, D), W2)
    q = _scatter64(y2, edges)
    return _kc(q, y2, dinv, b2.reshape(1, H), batch_pad, W3,
               b3.reshape(1, C))

# --- scband reference (transcript-rebuilt; emitter-appended) ---
"""Pipeline reference for scband-gcn-53266184405568 (READ-ONLY COPY).

The authoritative reference and input builder live on the scoring server;
editing this copy changes nothing except your own understanding.
"""

import jax, jax.numpy as jnp
import numpy as np

N = 10000
E = 320000
D = 128
H = 64
C = 32
G = 64


def _gcn_conv(x, src, dst, W, b, num_nodes):
    # PyG-style GCNConv: x' = D^{-1/2} (A + I) D^{-1/2} (x W) + b
    loop = jnp.arange(num_nodes, dtype=src.dtype)
    src2 = jnp.concatenate([src, loop])
    dst2 = jnp.concatenate([dst, loop])
    deg = jax.ops.segment_sum(jnp.ones(src2.shape, dtype=x.dtype), dst2, num_segments=num_nodes)
    dinv = jax.lax.rsqrt(jnp.maximum(deg, 1.0))
    xw = x @ W
    norm = (dinv[src2] * dinv[dst2])[:, None]
    msg = jnp.take(xw, src2, axis=0) * norm
    out = jax.ops.segment_sum(msg, dst2, num_segments=num_nodes)
    return out + b


def _global_mean_pool(h, batch, num_graphs):
    summed = jax.ops.segment_sum(h, batch, num_segments=num_graphs)
    counts = jax.ops.segment_sum(jnp.ones(batch.shape, dtype=h.dtype), batch, num_segments=num_graphs)
    return summed / jnp.maximum(counts, 1.0)[:, None]


def setup_inputs(seed: int = 0):
    key = jax.random.key(seed)
    ks = jax.random.split(key, 10)
    x = jax.random.normal(ks[0], (N, D), dtype=jnp.float32)
    edge_index = jax.random.randint(ks[1], (2, E), 0, N, dtype=jnp.int32)
    batch = jnp.sort(jax.random.randint(ks[2], (N,), 0, G, dtype=jnp.int32))
    W1 = jax.random.normal(ks[3], (D, D), dtype=jnp.float32) * (1.0 / np.sqrt(D))
    b1 = jnp.zeros((D,), dtype=jnp.float32)
    W2 = jax.random.normal(ks[4], (D, H), dtype=jnp.float32) * (1.0 / np.sqrt(D))
    b2 = jnp.zeros((H,), dtype=jnp.float32)
    W3 = jax.random.normal(ks[5], (H, C), dtype=jnp.float32) * (1.0 / np.sqrt(H))
    b3 = jnp.zeros((C,), dtype=jnp.float32)
    return {"x": x, "edge_index": edge_index, "batch": batch,
            "W1": W1, "b1": b1, "W2": W2, "b2": b2, "W3": W3, "b3": b3}


def reference(x, edge_index, batch, W1, b1, W2, b2, W3, b3):
    src, dst = edge_index[0], edge_index[1]
    h = _gcn_conv(x, src, dst, W1, b1, N)
    h = jax.nn.relu(h)
    h = _gcn_conv(h, src, dst, W2, b2, N)
    h = jax.nn.relu(h)
    pooled = _global_mean_pool(h, batch, G)
    out = pooled @ W3 + b3
    return out

if __name__ == "__main__":
    import jax
    _d = setup_inputs()
    print(jax.jit(kernel)(*tuple(_d.values())))

</pallas_src>

<mosaic_0001>
#map = affine_map<(d0, d1) -> (0, 0, 0)>
#map1 = affine_map<(d0, d1) -> (0, 0)>
module attributes {stable_mosaic.version = 14 : i64} {
  func.func @_deg_sc(%arg0: i32, %arg1: i32, %arg2: memref<2x2560x128xi32, #tpu.memory_space<hbm>>, %arg3: memref<2x10240xf32, #tpu.memory_space<hbm>>, %arg4: memref<80x128xi32, #tpu.memory_space<vmem>>, %arg5: memref<128xf32, #tpu.memory_space<vmem>>, %arg6: memref<640xf32, #tpu.memory_space<vmem>>, %arg7: memref<10240xf32, #tpu.memory_space<vmem_shared>>) attributes {dimension_semantics = [#tpu.dimension_semantics<core_parallel>, #tpu.dimension_semantics<subcore_parallel>], iteration_bounds = array<i64: 2, 16>, scalar_prefetch = 0 : i64, scratch_operands = 4 : i64, tpu.core_type = #tpu.core_type<sc_vector_subcore>, window_params = [{transform_indices = #map}, {transform_indices = #map1}]} {
    %mul3A = arith.constant 16 : i32
    %mul3A_0 = arith.muli %arg0, %mul3A : i32
    %add3A = arith.addi %mul3A_0, %arg1 : i32
    %mul3A_1 = arith.constant 80 : i32
    %mul3A_2 = arith.muli %add3A, %mul3A_1 : i32
    %run_scoped3A = arith.constant 1 : i32
    "tpu.region"() ({
      %run_scoped3A_30 = tpu.sem_alloc : memref<!tpu.dma_semaphore, #tpu.memory_space<semaphore_mem>>
      %dma_start3A = arith.constant 0 : i32
      %dma_start3A_31 = tpu.memref_slice %arg2[%run_scoped3A, %mul3A_2, %dma_start3A] : memref<2x2560x128xi32, #tpu.memory_space<hbm>> -> memref<1x80x128xi32, #tpu.memory_space<hbm>>
      %dma_start3A_32 = tpu.memref_squeeze %dma_start3A_31 : memref<1x80x128xi32, #tpu.memory_space<hbm>> -> memref<80x128xi32, #tpu.memory_space<hbm>>
      %dma_start3A_33 = arith.constant 0 : i32
      %dma_start3A_34 = tpu.memref_slice %arg2[%run_scoped3A, %mul3A_2, %dma_start3A_33] : memref<2x2560x128xi32, #tpu.memory_space<hbm>> -> memref<1x80x128xi32, #tpu.memory_space<hbm>>
      %dma_start3A_35 = tpu.memref_squeeze %dma_start3A_34 : memref<1x80x128xi32, #tpu.memory_space<hbm>> -> memref<80x128xi32, #tpu.memory_space<hbm>>
      tpu.enqueue_dma source(%dma_start3A_35 : memref<80x128xi32, #tpu.memory_space<hbm>>) target(%arg4 : memref<80x128xi32, #tpu.memory_space<vmem>>) target_semaphore(%run_scoped3A_30 : memref<!tpu.dma_semaphore, #tpu.memory_space<semaphore_mem>>)
      %dma_wait3A = arith.constant 0 : i32
      %dma_wait3A_36 = tpu.memref_slice %arg2[%run_scoped3A, %mul3A_2, %dma_wait3A] : memref<2x2560x128xi32, #tpu.memory_space<hbm>> -> memref<1x80x128xi32, #tpu.memory_space<hbm>>
      %dma_wait3A_37 = tpu.memref_squeeze %dma_wait3A_36 : memref<1x80x128xi32, #tpu.memory_space<hbm>> -> memref<80x128xi32, #tpu.memory_space<hbm>>
      %dma_wait3A_38 = arith.constant 0 : i32
      %dma_wait3A_39 = tpu.memref_slice %arg2[%run_scoped3A, %mul3A_2, %dma_wait3A_38] : memref<2x2560x128xi32, #tpu.memory_space<hbm>> -> memref<1x80x128xi32, #tpu.memory_space<hbm>>
      %dma_wait3A_40 = tpu.memref_squeeze %dma_wait3A_39 : memref<1x80x128xi32, #tpu.memory_space<hbm>> -> memref<80x128xi32, #tpu.memory_space<hbm>>
      tpu.wait_dma2 semaphore(%run_scoped3A_30 : memref<!tpu.dma_semaphore, #tpu.memory_space<semaphore_mem>>) src(%dma_wait3A_40 : memref<80x128xi32, #tpu.memory_space<hbm>>) dst(%arg4 : memref<80x128xi32, #tpu.memory_space<vmem>>)
      tpu.yield
    }) : () -> ()
    %scan3A = arith.constant 0 : i32
    %scan3A_3 = arith.constant 0 : i32
    %scan3A_4 = arith.constant 8 : i32
    %scan3A_5 = arith.addi %scan3A_3, %scan3A_4 : i32
    %scan3A_6 = arith.constant 1 : i32
    %scan3A_7 = scf.for %scan3A_30 = %scan3A_3 to %scan3A_5 step %scan3A_6 iter_args(%scan3A_31 = %scan3A) -> (i32)  : i32 {
      %broadcast_in_dim3A = arith.constant 1.000000e+00 : f32
      %broadcast_in_dim3A_32 = vector.broadcast %broadcast_in_dim3A : f32 to vector<16xf32>
      %mul3A_33 = arith.constant 16 : i32
      %mul3A_34 = arith.muli %scan3A_30, %mul3A_33 : i32
      %swap3A = arith.index_cast %mul3A_34 : i32 to index
      %swap3A_35 = tpu.vector_load %arg5[%swap3A] {strides = array<i32>} : memref<128xf32, #tpu.memory_space<vmem>>, vector<16xf32>,
      %swap3A_36 = vector.shape_cast %swap3A_35 : vector<16xf32> to vector<16xf32>
      %swap3A_37 = vector.shape_cast %broadcast_in_dim3A_32 : vector<16xf32> to vector<16xf32>
      tpu.vector_store %arg5[%swap3A], %swap3A_37 {strides = array<i32>} : memref<128xf32, #tpu.memory_space<vmem>>, vector<16xf32>,
      %scan3A_38 = arith.constant 0 : i32
      scf.yield %scan3A_38 : i32
    }
    %scan3A_8 = arith.constant 8 : i32
    %scan3A_9 = arith.constant 0 : i32
    %scan3A_10 = arith.constant 0 : i32
    %scan3A_11 = arith.constant 40 : i32
    %scan3A_12 = arith.addi %scan3A_10, %scan3A_11 : i32
    %scan3A_13 = arith.constant 1 : i32
    %scan3A_14 = scf.for %scan3A_30 = %scan3A_10 to %scan3A_12 step %scan3A_13 iter_args(%scan3A_31 = %scan3A_9) -> (i32)  : i32 {
      %broadcast_in_dim3A = arith.constant 0.000000e+00 : f32
      %broadcast_in_dim3A_32 = vector.broadcast %broadcast_in_dim3A : f32 to vector<16xf32>
      %mul3A_33 = arith.constant 16 : i32
      %mul3A_34 = arith.muli %scan3A_30, %mul3A_33 : i32
      %swap3A = arith.index_cast %mul3A_34 : i32 to index
      %swap3A_35 = tpu.vector_load %arg6[%swap3A] {strides = array<i32>} : memref<640xf32, #tpu.memory_space<vmem>>, vector<16xf32>,
      %swap3A_36 = vector.shape_cast %swap3A_35 : vector<16xf32> to vector<16xf32>
      %swap3A_37 = vector.shape_cast %broadcast_in_dim3A_32 : vector<16xf32> to vector<16xf32>
      tpu.vector_store %arg6[%swap3A], %swap3A_37 {strides = array<i32>} : memref<640xf32, #tpu.memory_space<vmem>>, vector<16xf32>,
      %scan3A_38 = arith.constant 0 : i32
      scf.yield %scan3A_38 : i32
    }
    %scan3A_15 = arith.constant 40 : i32
    %mul3A_16 = arith.constant 640 : i32
    %mul3A_17 = arith.muli %arg1, %mul3A_16 : i32
    "tpu.region"() ({
      %run_scoped3A_30 = tpu.sem_alloc : memref<!tpu.dma_semaphore, #tpu.memory_space<semaphore_mem>>
      %dma_start3A = tpu.memref_slice %arg7[%mul3A_17] : memref<10240xf32, #tpu.memory_space<vmem_shared>> -> memref<640xf32, #tpu.memory_space<vmem_shared>>
      %dma_start3A_31 = tpu.memref_slice %arg7[%mul3A_17] : memref<10240xf32, #tpu.memory_space<vmem_shared>> -> memref<640xf32, #tpu.memory_space<vmem_shared>>
      tpu.enqueue_dma source(%arg6 : memref<640xf32, #tpu.memory_space<vmem>>) target(%dma_start3A_31 : memref<640xf32, #tpu.memory_space<vmem_shared>>) target_semaphore(%run_scoped3A_30 : memref<!tpu.dma_semaphore, #tpu.memory_space<semaphore_mem>>)
      %dma_wait3A = tpu.memref_slice %arg7[%mul3A_17] : memref<10240xf32, #tpu.memory_space<vmem_shared>> -> memref<640xf32, #tpu.memory_space<vmem_shared>>
      %dma_wait3A_32 = tpu.memref_slice %arg7[%mul3A_17] : memref<10240xf32, #tpu.memory_space<vmem_shared>> -> memref<640xf32, #tpu.memory_space<vmem_shared>>
      tpu.wait_dma2 semaphore(%run_scoped3A_30 : memref<!tpu.dma_semaphore, #tpu.memory_space<semaphore_mem>>) src(%arg6 : memref<640xf32, #tpu.memory_space<vmem>>) dst(%dma_wait3A_32 : memref<640xf32, #tpu.memory_space<vmem_shared>>)
      tpu.yield
    }) : () -> ()
    %barrier3A = arith.constant 0 : index
    tpu.barrier barrier_id(%barrier3A)
    %scan3A_18 = arith.constant 0 : i32
    %scan3A_19 = arith.constant 0 : i32
    %scan3A_20 = arith.constant 80 : i32
    %scan3A_21 = arith.addi %scan3A_19, %scan3A_20 : i32
    %scan3A_22 = arith.constant 1 : i32
    %scan3A_23 = scf.for %scan3A_30 = %scan3A_19 to %scan3A_21 step %scan3A_22 iter_args(%scan3A_31 = %scan3A_18) -> (i32)  : i32 {
      "tpu.region"() ({
        %run_scoped3A_33 = tpu.sem_alloc : memref<!tpu.dma_semaphore, #tpu.memory_space<semaphore_mem>>
        %dma_start3A = arith.constant 0 : i32
        %dma_start3A_34 = tpu.memref_slice %arg4[%scan3A_30, %dma_start3A] : memref<80x128xi32, #tpu.memory_space<vmem>> -> memref<1x128xi32, #tpu.memory_space<vmem>>
        %dma_start3A_35 = tpu.memref_squeeze %dma_start3A_34 : memref<1x128xi32, #tpu.memory_space<vmem>> -> memref<128xi32, #tpu.memory_space<vmem>>
        %dma_start3A_36 = arith.constant 0 : i32
        %dma_start3A_37 = tpu.memref_slice %arg7[%dma_start3A_36] : memref<10240xf32, #tpu.memory_space<vmem_shared>> -> memref<10240xf32, #tpu.memory_space<vmem_shared>>
        tpu.enqueue_indirect_dma source(%arg5 : memref<128xf32, #tpu.memory_space<vmem>>) target(%dma_start3A_37 : memref<10240xf32, #tpu.memory_space<vmem_shared>>) offsets(%dma_start3A_35 : memref<128xi32, #tpu.memory_space<vmem>>) semaphore(%run_scoped3A_33 : memref<!tpu.dma_semaphore, #tpu.memory_space<semaphore_mem>>) {add = true}
        %dma_wait3A = arith.constant 0 : i32
        %dma_wait3A_38 = tpu.memref_slice %arg4[%scan3A_30, %dma_wait3A] : memref<80x128xi32, #tpu.memory_space<vmem>> -> memref<1x128xi32, #tpu.memory_space<vmem>>
        %dma_wait3A_39 = tpu.memref_squeeze %dma_wait3A_38 : memref<1x128xi32, #tpu.memory_space<vmem>> -> memref<128xi32, #tpu.memory_space<vmem>>
        %dma_wait3A_40 = arith.constant 0 : i32
        %dma_wait3A_41 = tpu.memref_slice %arg7[%dma_wait3A_40] : memref<10240xf32, #tpu.memory_space<vmem_shared>> -> memref<10240xf32, #tpu.memory_space<vmem_shared>>
        tpu.wait_indirect_dma semaphore(%run_scoped3A_33 : memref<!tpu.dma_semaphore, #tpu.memory_space<semaphore_mem>>) src(%arg5 : memref<128xf32, #tpu.memory_space<vmem>>) dst(%dma_wait3A_41 : memref<10240xf32, #tpu.memory_space<vmem_shared>>)
        tpu.yield
      }) : () -> ()
      %scan3A_32 = arith.constant 0 : i32
      scf.yield %scan3A_32 : i32
    }
    %scan3A_24 = arith.constant 80 : i32
    %barrier3A_25 = arith.constant 0 : index
    tpu.barrier barrier_id(%barrier3A_25)
    %mul3A_26 = arith.constant 640 : i32
    %mul3A_27 = arith.muli %arg1, %mul3A_26 : i32
    %mul3A_28 = arith.constant 640 : i32
    %mul3A_29 = arith.muli %arg1, %mul3A_28 : i32
    "tpu.region"() ({
      %run_scoped3A_30 = tpu.sem_alloc : memref<!tpu.dma_semaphore, #tpu.memory_space<semaphore_mem>>
      %dma_start3A = tpu.memref_slice %arg3[%arg0, %mul3A_29] : memref<2x10240xf32, #tpu.memory_space<hbm>> -> memref<1x640xf32, #tpu.memory_space<hbm>>
      %dma_start3A_31 = tpu.memref_squeeze %dma_start3A : memref<1x640xf32, #tpu.memory_space<hbm>> -> memref<640xf32, #tpu.memory_space<hbm>>
      %dma_start3A_32 = tpu.memref_slice %arg7[%mul3A_27] : memref<10240xf32, #tpu.memory_space<vmem_shared>> -> memref<640xf32, #tpu.memory_space<vmem_shared>>
      tpu.enqueue_dma source(%dma_start3A_32 : memref<640xf32, #tpu.memory_space<vmem_shared>>) target(%dma_start3A_31 : memref<640xf32, #tpu.memory_space<hbm>>) target_semaphore(%run_scoped3A_30 : memref<!tpu.dma_semaphore, #tpu.memory_space<semaphore_mem>>)
      %dma_wait3A = tpu.memref_slice %arg3[%arg0, %mul3A_29] : memref<2x10240xf32, #tpu.memory_space<hbm>> -> memref<1x640xf32, #tpu.memory_space<hbm>>
      %dma_wait3A_33 = tpu.memref_squeeze %dma_wait3A : memref<1x640xf32, #tpu.memory_space<hbm>> -> memref<640xf32, #tpu.memory_space<hbm>>
      %dma_wait3A_34 = tpu.memref_slice %arg7[%mul3A_27] : memref<10240xf32, #tpu.memory_space<vmem_shared>> -> memref<640xf32, #tpu.memory_space<vmem_shared>>
      tpu.wait_dma2 semaphore(%run_scoped3A_30 : memref<!tpu.dma_semaphore, #tpu.memory_space<semaphore_mem>>) src(%dma_wait3A_34 : memref<640xf32, #tpu.memory_space<vmem_shared>>) dst(%dma_wait3A_33 : memref<640xf32, #tpu.memory_space<hbm>>)
      tpu.yield
    }) : () -> ()
    return
  }
}

#map = affine_map<(d0, d1) -> (0, 0)>
#map1 = affine_map<(d0, d1) -> (0, 0, 0)>
module attributes {stable_mosaic.version = 14 : i64} {
  func.func @_scat(%arg0: i32, %arg1: i32, %arg2: memref<10240x64xf32, #tpu.memory_space<hbm>>, %arg3: memref<2x2560x128xi32, #tpu.memory_space<hbm>>, %arg4: memref<2x10240x64xf32, #tpu.memory_space<hbm>>, %arg5: memref<80x128xi32, #tpu.memory_space<vmem>>, %arg6: memref<80x128xi32, #tpu.memory_space<vmem>>, %arg7: memref<128x64xf32, #tpu.memory_space<vmem>>, %arg8: memref<128x64xf32, #tpu.memory_space<vmem>>, %arg9: memref<10240x64xf32, #tpu.memory_space<vmem_shared>>, %arg10: memref<!tpu.dma_semaphore, #tpu.memory_space<semaphore_mem>>, %arg11: memref<!tpu.dma_semaphore, #tpu.memory_space<semaphore_mem>>, %arg12: memref<!tpu.dma_semaphore, #tpu.memory_space<semaphore_mem>>, %arg13: memref<!tpu.dma_semaphore, #tpu.memory_space<semaphore_mem>>) attributes {dimension_semantics = [#tpu.dimension_semantics<core_parallel>, #tpu.dimension_semantics<subcore_parallel>], iteration_bounds = array<i64: 2, 16>, scalar_prefetch = 0 : i64, scratch_operands = 9 : i64, tpu.core_type = #tpu.core_type<sc_vector_subcore>, window_params = [{transform_indices = #map}, {transform_indices = #map1}, {transform_indices = #map1}]} {
    %mul3A = arith.constant 16 : i32
    %mul3A_0 = arith.muli %arg0, %mul3A : i32
    %add3A = arith.addi %mul3A_0, %arg1 : i32
    %scan3A = arith.constant 0 : i32
    %scan3A_1 = arith.constant 0 : i32
    %scan3A_2 = arith.constant 128 : i32
    %scan3A_3 = arith.addi %scan3A_1, %scan3A_2 : i32
    %scan3A_4 = arith.constant 1 : i32
    %scan3A_5 = scf.for %scan3A_70 = %scan3A_1 to %scan3A_3 step %scan3A_4 iter_args(%scan3A_71 = %scan3A) -> (i32)  : i32 {
      %broadcast_in_dim3A = arith.constant 0.000000e+00 : f32
      %broadcast_in_dim3A_72 = vector.broadcast %broadcast_in_dim3A : f32 to vector<16xf32>
      %swap3A = arith.index_cast %scan3A_70 : i32 to index
      %swap3A_73 = arith.constant 0 : index
      %swap3A_74 = tpu.vector_load %arg7[%swap3A, %swap3A_73] {strides = array<i32>} : memref<128x64xf32, #tpu.memory_space<vmem>>, vector<1x16xf32>,
      %swap3A_75 = vector.shape_cast %swap3A_74 : vector<1x16xf32> to vector<16xf32>
      %swap3A_76 = vector.shape_cast %broadcast_in_dim3A_72 : vector<16xf32> to vector<1x16xf32>
      tpu.vector_store %arg7[%swap3A, %swap3A_73], %swap3A_76 {strides = array<i32>} : memref<128x64xf32, #tpu.memory_space<vmem>>, vector<1x16xf32>,
      %broadcast_in_dim3A_77 = arith.constant 0.000000e+00 : f32
      %broadcast_in_dim3A_78 = vector.broadcast %broadcast_in_dim3A_77 : f32 to vector<16xf32>
      %swap3A_79 = arith.index_cast %scan3A_70 : i32 to index
      %swap3A_80 = arith.constant 16 : index
      %swap3A_81 = tpu.vector_load %arg7[%swap3A_79, %swap3A_80] {strides = array<i32>} : memref<128x64xf32, #tpu.memory_space<vmem>>, vector<1x16xf32>,
      %swap3A_82 = vector.shape_cast %swap3A_81 : vector<1x16xf32> to vector<16xf32>
      %swap3A_83 = vector.shape_cast %broadcast_in_dim3A_78 : vector<16xf32> to vector<1x16xf32>
      tpu.vector_store %arg7[%swap3A_79, %swap3A_80], %swap3A_83 {strides = array<i32>} : memref<128x64xf32, #tpu.memory_space<vmem>>, vector<1x16xf32>,
      %broadcast_in_dim3A_84 = arith.constant 0.000000e+00 : f32
      %broadcast_in_dim3A_85 = vector.broadcast %broadcast_in_dim3A_84 : f32 to vector<16xf32>
      %swap3A_86 = arith.index_cast %scan3A_70 : i32 to index
      %swap3A_87 = arith.constant 32 : index
      %swap3A_88 = tpu.vector_load %arg7[%swap3A_86, %swap3A_87] {strides = array<i32>} : memref<128x64xf32, #tpu.memory_space<vmem>>, vector<1x16xf32>,
      %swap3A_89 = vector.shape_cast %swap3A_88 : vector<1x16xf32> to vector<16xf32>
      %swap3A_90 = vector.shape_cast %broadcast_in_dim3A_85 : vector<16xf32> to vector<1x16xf32>
      tpu.vector_store %arg7[%swap3A_86, %swap3A_87], %swap3A_90 {strides = array<i32>} : memref<128x64xf32, #tpu.memory_space<vmem>>, vector<1x16xf32>,
      %broadcast_in_dim3A_91 = arith.constant 0.000000e+00 : f32
      %broadcast_in_dim3A_92 = vector.broadcast %broadcast_in_dim3A_91 : f32 to vector<16xf32>
      %swap3A_93 = arith.index_cast %scan3A_70 : i32 to index
      %swap3A_94 = arith.constant 48 : index
      %swap3A_95 = tpu.vector_load %arg7[%swap3A_93, %swap3A_94] {strides = array<i32>} : memref<128x64xf32, #tpu.memory_space<vmem>>, vector<1x16xf32>,
      %swap3A_96 = vector.shape_cast %swap3A_95 : vector<1x16xf32> to vector<16xf32>
      %swap3A_97 = vector.shape_cast %broadcast_in_dim3A_92 : vector<16xf32> to vector<1x16xf32>
      tpu.vector_store %arg7[%swap3A_93, %swap3A_94], %swap3A_97 {strides = array<i32>} : memref<128x64xf32, #tpu.memory_space<vmem>>, vector<1x16xf32>,
      %scan3A_98 = arith.constant 0 : i32
      scf.yield %scan3A_98 : i32
    }
    %scan3A_6 = arith.constant 128 : i32
    %mul3A_7 = arith.constant 640 : i32
    %mul3A_8 = arith.muli %arg1, %mul3A_7 : i32
    %add3A_9 = arith.constant 0 : i32
    %add3A_10 = arith.addi %mul3A_8, %add3A_9 : i32
    "tpu.region"() ({
      %run_scoped3A_70 = tpu.sem_alloc : memref<!tpu.dma_semaphore, #tpu.memory_space<semaphore_mem>>
      %dma_start3A_71 = arith.constant 0 : i32
      %dma_start3A_72 = tpu.memref_slice %arg9[%add3A_10, %dma_start3A_71] : memref<10240x64xf32, #tpu.memory_space<vmem_shared>> -> memref<128x64xf32, #tpu.memory_space<vmem_shared>>
      %dma_start3A_73 = arith.constant 0 : i32
      %dma_start3A_74 = tpu.memref_slice %arg9[%add3A_10, %dma_start3A_73] : memref<10240x64xf32, #tpu.memory_space<vmem_shared>> -> memref<128x64xf32, #tpu.memory_space<vmem_shared>>
      tpu.enqueue_dma source(%arg7 : memref<128x64xf32, #tpu.memory_space<vmem>>) target(%dma_start3A_74 : memref<128x64xf32, #tpu.memory_space<vmem_shared>>) target_semaphore(%run_scoped3A_70 : memref<!tpu.dma_semaphore, #tpu.memory_space<semaphore_mem>>)
      %dma_wait3A_75 = arith.constant 0 : i32
      %dma_wait3A_76 = tpu.memref_slice %arg9[%add3A_10, %dma_wait3A_75] : memref<10240x64xf32, #tpu.memory_space<vmem_shared>> -> memref<128x64xf32, #tpu.memory_space<vmem_shared>>
      %dma_wait3A_77 = arith.constant 0 : i32
      %dma_wait3A_78 = tpu.memref_slice %arg9[%add3A_10, %dma_wait3A_77] : memref<10240x64xf32, #tpu.memory_space<vmem_shared>> -> memref<128x64xf32, #tpu.memory_space<vmem_shared>>
      tpu.wait_dma2 semaphore(%run_scoped3A_70 : memref<!tpu.dma_semaphore, #tpu.memory_space<semaphore_mem>>) src(%arg7 : memref<128x64xf32, #tpu.memory_space<vmem>>) dst(%dma_wait3A_78 : memref<128x64xf32, #tpu.memory_space<vmem_shared>>)
      tpu.yield
    }) : () -> ()
    %mul3A_11 = arith.constant 640 : i32
    %mul3A_12 = arith.muli %arg1, %mul3A_11 : i32
    %add3A_13 = arith.constant 128 : i32
    %add3A_14 = arith.addi %mul3A_12, %add3A_13 : i32
    "tpu.region"() ({
      %run_scoped3A_70 = tpu.sem_alloc : memref<!tpu.dma_semaphore, #tpu.memory_space<semaphore_mem>>
      %dma_start3A_71 = arith.constant 0 : i32
      %dma_start3A_72 = tpu.memref_slice %arg9[%add3A_14, %dma_start3A_71] : memref<10240x64xf32, #tpu.memory_space<vmem_shared>> -> memref<128x64xf32, #tpu.memory_space<vmem_shared>>
      %dma_start3A_73 = arith.constant 0 : i32
      %dma_start3A_74 = tpu.memref_slice %arg9[%add3A_14, %dma_start3A_73] : memref<10240x64xf32, #tpu.memory_space<vmem_shared>> -> memref<128x64xf32, #tpu.memory_space<vmem_shared>>
      tpu.enqueue_dma source(%arg7 : memref<128x64xf32, #tpu.memory_space<vmem>>) target(%dma_start3A_74 : memref<128x64xf32, #tpu.memory_space<vmem_shared>>) target_semaphore(%run_scoped3A_70 : memref<!tpu.dma_semaphore, #tpu.memory_space<semaphore_mem>>)
      %dma_wait3A_75 = arith.constant 0 : i32
      %dma_wait3A_76 = tpu.memref_slice %arg9[%add3A_14, %dma_wait3A_75] : memref<10240x64xf32, #tpu.memory_space<vmem_shared>> -> memref<128x64xf32, #tpu.memory_space<vmem_shared>>
      %dma_wait3A_77 = arith.constant 0 : i32
      %dma_wait3A_78 = tpu.memref_slice %arg9[%add3A_14, %dma_wait3A_77] : memref<10240x64xf32, #tpu.memory_space<vmem_shared>> -> memref<128x64xf32, #tpu.memory_space<vmem_shared>>
      tpu.wait_dma2 semaphore(%run_scoped3A_70 : memref<!tpu.dma_semaphore, #tpu.memory_space<semaphore_mem>>) src(%arg7 : memref<128x64xf32, #tpu.memory_space<vmem>>) dst(%dma_wait3A_78 : memref<128x64xf32, #tpu.memory_space<vmem_shared>>)
      tpu.yield
    }) : () -> ()
    %mul3A_15 = arith.constant 640 : i32
    %mul3A_16 = arith.muli %arg1, %mul3A_15 : i32
    %add3A_17 = arith.constant 256 : i32
    %add3A_18 = arith.addi %mul3A_16, %add3A_17 : i32
    "tpu.region"() ({
      %run_scoped3A_70 = tpu.sem_alloc : memref<!tpu.dma_semaphore, #tpu.memory_space<semaphore_mem>>
      %dma_start3A_71 = arith.constant 0 : i32
      %dma_start3A_72 = tpu.memref_slice %arg9[%add3A_18, %dma_start3A_71] : memref<10240x64xf32, #tpu.memory_space<vmem_shared>> -> memref<128x64xf32, #tpu.memory_space<vmem_shared>>
      %dma_start3A_73 = arith.constant 0 : i32
      %dma_start3A_74 = tpu.memref_slice %arg9[%add3A_18, %dma_start3A_73] : memref<10240x64xf32, #tpu.memory_space<vmem_shared>> -> memref<128x64xf32, #tpu.memory_space<vmem_shared>>
      tpu.enqueue_dma source(%arg7 : memref<128x64xf32, #tpu.memory_space<vmem>>) target(%dma_start3A_74 : memref<128x64xf32, #tpu.memory_space<vmem_shared>>) target_semaphore(%run_scoped3A_70 : memref<!tpu.dma_semaphore, #tpu.memory_space<semaphore_mem>>)
      %dma_wait3A_75 = arith.constant 0 : i32
      %dma_wait3A_76 = tpu.memref_slice %arg9[%add3A_18, %dma_wait3A_75] : memref<10240x64xf32, #tpu.memory_space<vmem_shared>> -> memref<128x64xf32, #tpu.memory_space<vmem_shared>>
      %dma_wait3A_77 = arith.constant 0 : i32
      %dma_wait3A_78 = tpu.memref_slice %arg9[%add3A_18, %dma_wait3A_77] : memref<10240x64xf32, #tpu.memory_space<vmem_shared>> -> memref<128x64xf32, #tpu.memory_space<vmem_shared>>
      tpu.wait_dma2 semaphore(%run_scoped3A_70 : memref<!tpu.dma_semaphore, #tpu.memory_space<semaphore_mem>>) src(%arg7 : memref<128x64xf32, #tpu.memory_space<vmem>>) dst(%dma_wait3A_78 : memref<128x64xf32, #tpu.memory_space<vmem_shared>>)
      tpu.yield
    }) : () -> ()
    %mul3A_19 = arith.constant 640 : i32
    %mul3A_20 = arith.muli %arg1, %mul3A_19 : i32
    %add3A_21 = arith.constant 384 : i32
    %add3A_22 = arith.addi %mul3A_20, %add3A_21 : i32
    "tpu.region"() ({
      %run_scoped3A_70 = tpu.sem_alloc : memref<!tpu.dma_semaphore, #tpu.memory_space<semaphore_mem>>
      %dma_start3A_71 = arith.constant 0 : i32
      %dma_start3A_72 = tpu.memref_slice %arg9[%add3A_22, %dma_start3A_71] : memref<10240x64xf32, #tpu.memory_space<vmem_shared>> -> memref<128x64xf32, #tpu.memory_space<vmem_shared>>
      %dma_start3A_73 = arith.constant 0 : i32
      %dma_start3A_74 = tpu.memref_slice %arg9[%add3A_22, %dma_start3A_73] : memref<10240x64xf32, #tpu.memory_space<vmem_shared>> -> memref<128x64xf32, #tpu.memory_space<vmem_shared>>
      tpu.enqueue_dma source(%arg7 : memref<128x64xf32, #tpu.memory_space<vmem>>) target(%dma_start3A_74 : memref<128x64xf32, #tpu.memory_space<vmem_shared>>) target_semaphore(%run_scoped3A_70 : memref<!tpu.dma_semaphore, #tpu.memory_space<semaphore_mem>>)
      %dma_wait3A_75 = arith.constant 0 : i32
      %dma_wait3A_76 = tpu.memref_slice %arg9[%add3A_22, %dma_wait3A_75] : memref<10240x64xf32, #tpu.memory_space<vmem_shared>> -> memref<128x64xf32, #tpu.memory_space<vmem_shared>>
      %dma_wait3A_77 = arith.constant 0 : i32
      %dma_wait3A_78 = tpu.memref_slice %arg9[%add3A_22, %dma_wait3A_77] : memref<10240x64xf32, #tpu.memory_space<vmem_shared>> -> memref<128x64xf32, #tpu.memory_space<vmem_shared>>
      tpu.wait_dma2 semaphore(%run_scoped3A_70 : memref<!tpu.dma_semaphore, #tpu.memory_space<semaphore_mem>>) src(%arg7 : memref<128x64xf32, #tpu.memory_space<vmem>>) dst(%dma_wait3A_78 : memref<128x64xf32, #tpu.memory_space<vmem_shared>>)
      tpu.yield
    }) : () -> ()
    %mul3A_23 = arith.constant 640 : i32
    %mul3A_24 = arith.muli %arg1, %mul3A_23 : i32
    %add3A_25 = arith.constant 512 : i32
    %add3A_26 = arith.addi %mul3A_24, %add3A_25 : i32
    "tpu.region"() ({
      %run_scoped3A_70 = tpu.sem_alloc : memref<!tpu.dma_semaphore, #tpu.memory_space<semaphore_mem>>
      %dma_start3A_71 = arith.constant 0 : i32
      %dma_start3A_72 = tpu.memref_slice %arg9[%add3A_26, %dma_start3A_71] : memref<10240x64xf32, #tpu.memory_space<vmem_shared>> -> memref<128x64xf32, #tpu.memory_space<vmem_shared>>
      %dma_start3A_73 = arith.constant 0 : i32
      %dma_start3A_74 = tpu.memref_slice %arg9[%add3A_26, %dma_start3A_73] : memref<10240x64xf32, #tpu.memory_space<vmem_shared>> -> memref<128x64xf32, #tpu.memory_space<vmem_shared>>
      tpu.enqueue_dma source(%arg7 : memref<128x64xf32, #tpu.memory_space<vmem>>) target(%dma_start3A_74 : memref<128x64xf32, #tpu.memory_space<vmem_shared>>) target_semaphore(%run_scoped3A_70 : memref<!tpu.dma_semaphore, #tpu.memory_space<semaphore_mem>>)
      %dma_wait3A_75 = arith.constant 0 : i32
      %dma_wait3A_76 = tpu.memref_slice %arg9[%add3A_26, %dma_wait3A_75] : memref<10240x64xf32, #tpu.memory_space<vmem_shared>> -> memref<128x64xf32, #tpu.memory_space<vmem_shared>>
      %dma_wait3A_77 = arith.constant 0 : i32
      %dma_wait3A_78 = tpu.memref_slice %arg9[%add3A_26, %dma_wait3A_77] : memref<10240x64xf32, #tpu.memory_space<vmem_shared>> -> memref<128x64xf32, #tpu.memory_space<vmem_shared>>
      tpu.wait_dma2 semaphore(%run_scoped3A_70 : memref<!tpu.dma_semaphore, #tpu.memory_space<semaphore_mem>>) src(%arg7 : memref<128x64xf32, #tpu.memory_space<vmem>>) dst(%dma_wait3A_78 : memref<128x64xf32, #tpu.memory_space<vmem_shared>>)
      tpu.yield
    }) : () -> ()
    %barrier3A = arith.constant 0 : index
    tpu.barrier barrier_id(%barrier3A)
    %mul3A_27 = arith.constant 80 : i32
    %mul3A_28 = arith.muli %add3A, %mul3A_27 : i32
    %run_scoped3A = arith.constant 0 : i32
    "tpu.region"() ({
      %run_scoped3A_70 = tpu.sem_alloc : memref<!tpu.dma_semaphore, #tpu.memory_space<semaphore_mem>>
      %dma_start3A_71 = arith.constant 0 : i32
      %dma_start3A_72 = tpu.memref_slice %arg3[%run_scoped3A, %mul3A_28, %dma_start3A_71] : memref<2x2560x128xi32, #tpu.memory_space<hbm>> -> memref<1x80x128xi32, #tpu.memory_space<hbm>>
      %dma_start3A_73 = tpu.memref_squeeze %dma_start3A_72 : memref<1x80x128xi32, #tpu.memory_space<hbm>> -> memref<80x128xi32, #tpu.memory_space<hbm>>
      %dma_start3A_74 = arith.constant 0 : i32
      %dma_start3A_75 = tpu.memref_slice %arg3[%run_scoped3A, %mul3A_28, %dma_start3A_74] : memref<2x2560x128xi32, #tpu.memory_space<hbm>> -> memref<1x80x128xi32, #tpu.memory_space<hbm>>
      %dma_start3A_76 = tpu.memref_squeeze %dma_start3A_75 : memref<1x80x128xi32, #tpu.memory_space<hbm>> -> memref<80x128xi32, #tpu.memory_space<hbm>>
      tpu.enqueue_dma source(%dma_start3A_76 : memref<80x128xi32, #tpu.memory_space<hbm>>) target(%arg5 : memref<80x128xi32, #tpu.memory_space<vmem>>) target_semaphore(%run_scoped3A_70 : memref<!tpu.dma_semaphore, #tpu.memory_space<semaphore_mem>>)
      %dma_wait3A_77 = arith.constant 0 : i32
      %dma_wait3A_78 = tpu.memref_slice %arg3[%run_scoped3A, %mul3A_28, %dma_wait3A_77] : memref<2x2560x128xi32, #tpu.memory_space<hbm>> -> memref<1x80x128xi32, #tpu.memory_space<hbm>>
      %dma_wait3A_79 = tpu.memref_squeeze %dma_wait3A_78 : memref<1x80x128xi32, #tpu.memory_space<hbm>> -> memref<80x128xi32, #tpu.memory_space<hbm>>
      %dma_wait3A_80 = arith.constant 0 : i32
      %dma_wait3A_81 = tpu.memref_slice %arg3[%run_scoped3A, %mul3A_28, %dma_wait3A_80] : memref<2x2560x128xi32, #tpu.memory_space<hbm>> -> memref<1x80x128xi32, #tpu.memory_space<hbm>>
      %dma_wait3A_82 = tpu.memref_squeeze %dma_wait3A_81 : memref<1x80x128xi32, #tpu.memory_space<hbm>> -> memref<80x128xi32, #tpu.memory_space<hbm>>
      tpu.wait_dma2 semaphore(%run_scoped3A_70 : memref<!tpu.dma_semaphore, #tpu.memory_space<semaphore_mem>>) src(%dma_wait3A_82 : memref<80x128xi32, #tpu.memory_space<hbm>>) dst(%arg5 : memref<80x128xi32, #tpu.memory_space<vmem>>)
      tpu.yield
    }) : () -> ()
    %mul3A_29 = arith.constant 80 : i32
    %mul3A_30 = arith.muli %add3A, %mul3A_29 : i32
    %run_scoped3A_31 = arith.constant 1 : i32
    "tpu.region"() ({
      %run_scoped3A_70 = tpu.sem_alloc : memref<!tpu.dma_semaphore, #tpu.memory_space<semaphore_mem>>
      %dma_start3A_71 = arith.constant 0 : i32
      %dma_start3A_72 = tpu.memref_slice %arg3[%run_scoped3A_31, %mul3A_30, %dma_start3A_71] : memref<2x2560x128xi32, #tpu.memory_space<hbm>> -> memref<1x80x128xi32, #tpu.memory_space<hbm>>
      %dma_start3A_73 = tpu.memref_squeeze %dma_start3A_72 : memref<1x80x128xi32, #tpu.memory_space<hbm>> -> memref<80x128xi32, #tpu.memory_space<hbm>>
      %dma_start3A_74 = arith.constant 0 : i32
      %dma_start3A_75 = tpu.memref_slice %arg3[%run_scoped3A_31, %mul3A_30, %dma_start3A_74] : memref<2x2560x128xi32, #tpu.memory_space<hbm>> -> memref<1x80x128xi32, #tpu.memory_space<hbm>>
      %dma_start3A_76 = tpu.memref_squeeze %dma_start3A_75 : memref<1x80x128xi32, #tpu.memory_space<hbm>> -> memref<80x128xi32, #tpu.memory_space<hbm>>
      tpu.enqueue_dma source(%dma_start3A_76 : memref<80x128xi32, #tpu.memory_space<hbm>>) target(%arg6 : memref<80x128xi32, #tpu.memory_space<vmem>>) target_semaphore(%run_scoped3A_70 : memref<!tpu.dma_semaphore, #tpu.memory_space<semaphore_mem>>)
      %dma_wait3A_77 = arith.constant 0 : i32
      %dma_wait3A_78 = tpu.memref_slice %arg3[%run_scoped3A_31, %mul3A_30, %dma_wait3A_77] : memref<2x2560x128xi32, #tpu.memory_space<hbm>> -> memref<1x80x128xi32, #tpu.memory_space<hbm>>
      %dma_wait3A_79 = tpu.memref_squeeze %dma_wait3A_78 : memref<1x80x128xi32, #tpu.memory_space<hbm>> -> memref<80x128xi32, #tpu.memory_space<hbm>>
      %dma_wait3A_80 = arith.constant 0 : i32
      %dma_wait3A_81 = tpu.memref_slice %arg3[%run_scoped3A_31, %mul3A_30, %dma_wait3A_80] : memref<2x2560x128xi32, #tpu.memory_space<hbm>> -> memref<1x80x128xi32, #tpu.memory_space<hbm>>
      %dma_wait3A_82 = tpu.memref_squeeze %dma_wait3A_81 : memref<1x80x128xi32, #tpu.memory_space<hbm>> -> memref<80x128xi32, #tpu.memory_space<hbm>>
      tpu.wait_dma2 semaphore(%run_scoped3A_70 : memref<!tpu.dma_semaphore, #tpu.memory_space<semaphore_mem>>) src(%dma_wait3A_82 : memref<80x128xi32, #tpu.memory_space<hbm>>) dst(%arg6 : memref<80x128xi32, #tpu.memory_space<vmem>>)
      tpu.yield
    }) : () -> ()
    %dma_start3A = arith.constant 0 : i32
    %dma_start3A_32 = arith.constant 0 : i32
    %dma_start3A_33 = tpu.memref_slice %arg5[%dma_start3A, %dma_start3A_32] : memref<80x128xi32, #tpu.memory_space<vmem>> -> memref<1x128xi32, #tpu.memory_space<vmem>>
    %dma_start3A_34 = tpu.memref_squeeze %dma_start3A_33 : memref<1x128xi32, #tpu.memory_space<vmem>> -> memref<128xi32, #tpu.memory_space<vmem>>
    %dma_start3A_35 = arith.constant 0 : i32
    %dma_start3A_36 = arith.constant 0 : i32
    %dma_start3A_37 = tpu.memref_slice %arg2[%dma_start3A_35, %dma_start3A_36] : memref<10240x64xf32, #tpu.memory_space<hbm>> -> memref<10240x64xf32, #tpu.memory_space<hbm>>
    tpu.enqueue_indirect_dma source(%dma_start3A_37 : memref<10240x64xf32, #tpu.memory_space<hbm>>) target(%arg7 : memref<128x64xf32, #tpu.memory_space<vmem>>) offsets(%dma_start3A_34 : memref<128xi32, #tpu.memory_space<vmem>>) semaphore(%arg10 : memref<!tpu.dma_semaphore, #tpu.memory_space<semaphore_mem>>)
    %dma_start3A_38 = arith.constant 1 : i32
    %dma_start3A_39 = arith.constant 0 : i32
    %dma_start3A_40 = tpu.memref_slice %arg5[%dma_start3A_38, %dma_start3A_39] : memref<80x128xi32, #tpu.memory_space<vmem>> -> memref<1x128xi32, #tpu.memory_space<vmem>>
    %dma_start3A_41 = tpu.memref_squeeze %dma_start3A_40 : memref<1x128xi32, #tpu.memory_space<vmem>> -> memref<128xi32, #tpu.memory_space<vmem>>
    %dma_start3A_42 = arith.constant 0 : i32
    %dma_start3A_43 = arith.constant 0 : i32
    %dma_start3A_44 = tpu.memref_slice %arg2[%dma_start3A_42, %dma_start3A_43] : memref<10240x64xf32, #tpu.memory_space<hbm>> -> memref<10240x64xf32, #tpu.memory_space<hbm>>
    tpu.enqueue_indirect_dma source(%dma_start3A_44 : memref<10240x64xf32, #tpu.memory_space<hbm>>) target(%arg8 : memref<128x64xf32, #tpu.memory_space<vmem>>) offsets(%dma_start3A_41 : memref<128xi32, #tpu.memory_space<vmem>>) semaphore(%arg11 : memref<!tpu.dma_semaphore, #tpu.memory_space<semaphore_mem>>)
    %scan3A_45 = arith.constant 0 : i32
    %scan3A_46 = arith.constant 0 : i32
    %scan3A_47 = arith.constant 40 : i32
    %scan3A_48 = arith.addi %scan3A_46, %scan3A_47 : i32
    %scan3A_49 = arith.constant 1 : i32
    %scan3A_50 = scf.for %scan3A_70 = %scan3A_46 to %scan3A_48 step %scan3A_49 iter_args(%scan3A_71 = %scan3A_45) -> (i32)  : i32 {
      %mul3A_72 = arith.constant 2 : i32
      %mul3A_73 = arith.muli %mul3A_72, %scan3A_70 : i32
      %mul3A_74 = arith.constant 2 : i32
      %mul3A_75 = arith.muli %mul3A_74, %scan3A_70 : i32
      %add3A_76 = arith.constant 1 : i32
      %add3A_77 = arith.addi %mul3A_75, %add3A_76 : i32
      %dma_wait3A_78 = arith.constant 0 : i32
      %dma_wait3A_79 = tpu.memref_slice %arg5[%mul3A_73, %dma_wait3A_78] : memref<80x128xi32, #tpu.memory_space<vmem>> -> memref<1x128xi32, #tpu.memory_space<vmem>>
      %dma_wait3A_80 = tpu.memref_squeeze %dma_wait3A_79 : memref<1x128xi32, #tpu.memory_space<vmem>> -> memref<128xi32, #tpu.memory_space<vmem>>
      %dma_wait3A_81 = arith.constant 0 : i32
      %dma_wait3A_82 = arith.constant 0 : i32
      %dma_wait3A_83 = tpu.memref_slice %arg2[%dma_wait3A_81, %dma_wait3A_82] : memref<10240x64xf32, #tpu.memory_space<hbm>> -> memref<10240x64xf32, #tpu.memory_space<hbm>>
      tpu.wait_indirect_dma semaphore(%arg10 : memref<!tpu.dma_semaphore, #tpu.memory_space<semaphore_mem>>) src(%dma_wait3A_83 : memref<10240x64xf32, #tpu.memory_space<hbm>>) dst(%arg7 : memref<128x64xf32, #tpu.memory_space<vmem>>)
      %dma_start3A_84 = arith.constant 0 : i32
      %dma_start3A_85 = tpu.memref_slice %arg6[%mul3A_73, %dma_start3A_84] : memref<80x128xi32, #tpu.memory_space<vmem>> -> memref<1x128xi32, #tpu.memory_space<vmem>>
      %dma_start3A_86 = tpu.memref_squeeze %dma_start3A_85 : memref<1x128xi32, #tpu.memory_space<vmem>> -> memref<128xi32, #tpu.memory_space<vmem>>
      %dma_start3A_87 = arith.constant 0 : i32
      %dma_start3A_88 = arith.constant 0 : i32
      %dma_start3A_89 = tpu.memref_slice %arg9[%dma_start3A_87, %dma_start3A_88] : memref<10240x64xf32, #tpu.memory_space<vmem_shared>> -> memref<10240x64xf32, #tpu.memory_space<vmem_shared>>
      tpu.enqueue_indirect_dma source(%arg7 : memref<128x64xf32, #tpu.memory_space<vmem>>) target(%dma_start3A_89 : memref<10240x64xf32, #tpu.memory_space<vmem_shared>>) offsets(%dma_start3A_86 : memref<128xi32, #tpu.memory_space<vmem>>) semaphore(%arg12 : memref<!tpu.dma_semaphore, #tpu.memory_space<semaphore_mem>>) {add = true}
      %dma_wait3A_90 = arith.constant 0 : i32
      %dma_wait3A_91 = tpu.memref_slice %arg5[%add3A_77, %dma_wait3A_90] : memref<80x128xi32, #tpu.memory_space<vmem>> -> memref<1x128xi32, #tpu.memory_space<vmem>>
      %dma_wait3A_92 = tpu.memref_squeeze %dma_wait3A_91 : memref<1x128xi32, #tpu.memory_space<vmem>> -> memref<128xi32, #tpu.memory_space<vmem>>
      %dma_wait3A_93 = arith.constant 0 : i32
      %dma_wait3A_94 = arith.constant 0 : i32
      %dma_wait3A_95 = tpu.memref_slice %arg2[%dma_wait3A_93, %dma_wait3A_94] : memref<10240x64xf32, #tpu.memory_space<hbm>> -> memref<10240x64xf32, #tpu.memory_space<hbm>>
      tpu.wait_indirect_dma semaphore(%arg11 : memref<!tpu.dma_semaphore, #tpu.memory_space<semaphore_mem>>) src(%dma_wait3A_95 : memref<10240x64xf32, #tpu.memory_space<hbm>>) dst(%arg8 : memref<128x64xf32, #tpu.memory_space<vmem>>)
      %dma_start3A_96 = arith.constant 0 : i32
      %dma_start3A_97 = tpu.memref_slice %arg6[%add3A_77, %dma_start3A_96] : memref<80x128xi32, #tpu.memory_space<vmem>> -> memref<1x128xi32, #tpu.memory_space<vmem>>
      %dma_start3A_98 = tpu.memref_squeeze %dma_start3A_97 : memref<1x128xi32, #tpu.memory_space<vmem>> -> memref<128xi32, #tpu.memory_space<vmem>>
      %dma_start3A_99 = arith.constant 0 : i32
      %dma_start3A_100 = arith.constant 0 : i32
      %dma_start3A_101 = tpu.memref_slice %arg9[%dma_start3A_99, %dma_start3A_100] : memref<10240x64xf32, #tpu.memory_space<vmem_shared>> -> memref<10240x64xf32, #tpu.memory_space<vmem_shared>>
      tpu.enqueue_indirect_dma source(%arg8 : memref<128x64xf32, #tpu.memory_space<vmem>>) target(%dma_start3A_101 : memref<10240x64xf32, #tpu.memory_space<vmem_shared>>) offsets(%dma_start3A_98 : memref<128xi32, #tpu.memory_space<vmem>>) semaphore(%arg13 : memref<!tpu.dma_semaphore, #tpu.memory_space<semaphore_mem>>) {add = true}
      %add3A_102 = arith.constant 1 : i32
      %add3A_103 = arith.addi %scan3A_70, %add3A_102 : i32
      %lt3A = arith.constant 40 : i32
      %lt3A_104 = arith.cmpi slt, %add3A_103, %lt3A : i32
      %convert_element_type3A = arith.extui %lt3A_104 : i1 to i32
      %cond3A = arith.constant 0 : i32
      %cond3A_105 = arith.cmpi ne, %convert_element_type3A, %cond3A : i32
      scf.if %cond3A_105 {
        %dma_wait3A_107 = arith.constant 0 : i32
        %dma_wait3A_108 = tpu.memref_slice %arg6[%mul3A_73, %dma_wait3A_107] : memref<80x128xi32, #tpu.memory_space<vmem>> -> memref<1x128xi32, #tpu.memory_space<vmem>>
        %dma_wait3A_109 = tpu.memref_squeeze %dma_wait3A_108 : memref<1x128xi32, #tpu.memory_space<vmem>> -> memref<128xi32, #tpu.memory_space<vmem>>
        %dma_wait3A_110 = arith.constant 0 : i32
        %dma_wait3A_111 = arith.constant 0 : i32
        %dma_wait3A_112 = tpu.memref_slice %arg9[%dma_wait3A_110, %dma_wait3A_111] : memref<10240x64xf32, #tpu.memory_space<vmem_shared>> -> memref<10240x64xf32, #tpu.memory_space<vmem_shared>>
        tpu.wait_indirect_dma semaphore(%arg12 : memref<!tpu.dma_semaphore, #tpu.memory_space<semaphore_mem>>) src(%arg7 : memref<128x64xf32, #tpu.memory_space<vmem>>) dst(%dma_wait3A_112 : memref<10240x64xf32, #tpu.memory_space<vmem_shared>>)
        %add3A_113 = arith.constant 2 : i32
        %add3A_114 = arith.addi %mul3A_73, %add3A_113 : i32
        %dma_start3A_115 = arith.constant 0 : i32
        %dma_start3A_116 = tpu.memref_slice %arg5[%add3A_114, %dma_start3A_115] : memref<80x128xi32, #tpu.memory_space<vmem>> -> memref<1x128xi32, #tpu.memory_space<vmem>>
        %dma_start3A_117 = tpu.memref_squeeze %dma_start3A_116 : memref<1x128xi32, #tpu.memory_space<vmem>> -> memref<128xi32, #tpu.memory_space<vmem>>
        %dma_start3A_118 = arith.constant 0 : i32
        %dma_start3A_119 = arith.constant 0 : i32
        %dma_start3A_120 = tpu.memref_slice %arg2[%dma_start3A_118, %dma_start3A_119] : memref<10240x64xf32, #tpu.memory_space<hbm>> -> memref<10240x64xf32, #tpu.memory_space<hbm>>
        tpu.enqueue_indirect_dma source(%dma_start3A_120 : memref<10240x64xf32, #tpu.memory_space<hbm>>) target(%arg7 : memref<128x64xf32, #tpu.memory_space<vmem>>) offsets(%dma_start3A_117 : memref<128xi32, #tpu.memory_space<vmem>>) semaphore(%arg10 : memref<!tpu.dma_semaphore, #tpu.memory_space<semaphore_mem>>)
        %dma_wait3A_121 = arith.constant 0 : i32
        %dma_wait3A_122 = tpu.memref_slice %arg6[%add3A_77, %dma_wait3A_121] : memref<80x128xi32, #tpu.memory_space<vmem>> -> memref<1x128xi32, #tpu.memory_space<vmem>>
        %dma_wait3A_123 = tpu.memref_squeeze %dma_wait3A_122 : memref<1x128xi32, #tpu.memory_space<vmem>> -> memref<128xi32, #tpu.memory_space<vmem>>
        %dma_wait3A_124 = arith.constant 0 : i32
        %dma_wait3A_125 = arith.constant 0 : i32
        %dma_wait3A_126 = tpu.memref_slice %arg9[%dma_wait3A_124, %dma_wait3A_125] : memref<10240x64xf32, #tpu.memory_space<vmem_shared>> -> memref<10240x64xf32, #tpu.memory_space<vmem_shared>>
        tpu.wait_indirect_dma semaphore(%arg13 : memref<!tpu.dma_semaphore, #tpu.memory_space<semaphore_mem>>) src(%arg8 : memref<128x64xf32, #tpu.memory_space<vmem>>) dst(%dma_wait3A_126 : memref<10240x64xf32, #tpu.memory_space<vmem_shared>>)
        %add3A_127 = arith.constant 2 : i32
        %add3A_128 = arith.addi %add3A_77, %add3A_127 : i32
        %dma_start3A_129 = arith.constant 0 : i32
        %dma_start3A_130 = tpu.memref_slice %arg5[%add3A_128, %dma_start3A_129] : memref<80x128xi32, #tpu.memory_space<vmem>> -> memref<1x128xi32, #tpu.memory_space<vmem>>
        %dma_start3A_131 = tpu.memref_squeeze %dma_start3A_130 : memref<1x128xi32, #tpu.memory_space<vmem>> -> memref<128xi32, #tpu.memory_space<vmem>>
        %dma_start3A_132 = arith.constant 0 : i32
        %dma_start3A_133 = arith.constant 0 : i32
        %dma_start3A_134 = tpu.memref_slice %arg2[%dma_start3A_132, %dma_start3A_133] : memref<10240x64xf32, #tpu.memory_space<hbm>> -> memref<10240x64xf32, #tpu.memory_space<hbm>>
        tpu.enqueue_indirect_dma source(%dma_start3A_134 : memref<10240x64xf32, #tpu.memory_space<hbm>>) target(%arg8 : memref<128x64xf32, #tpu.memory_space<vmem>>) offsets(%dma_start3A_131 : memref<128xi32, #tpu.memory_space<vmem>>) semaphore(%arg11 : memref<!tpu.dma_semaphore, #tpu.memory_space<semaphore_mem>>)
      } else {
      }
      %scan3A_106 = arith.constant 0 : i32
      scf.yield %scan3A_106 : i32
    }
    %scan3A_51 = arith.constant 40 : i32
    %dma_wait3A = arith.constant 78 : i32
    %dma_wait3A_52 = arith.constant 0 : i32
    %dma_wait3A_53 = tpu.memref_slice %arg6[%dma_wait3A, %dma_wait3A_52] : memref<80x128xi32, #tpu.memory_space<vmem>> -> memref<1x128xi32, #tpu.memory_space<vmem>>
    %dma_wait3A_54 = tpu.memref_squeeze %dma_wait3A_53 : memref<1x128xi32, #tpu.memory_space<vmem>> -> memref<128xi32, #tpu.memory_space<vmem>>
    %dma_wait3A_55 = arith.constant 0 : i32
    %dma_wait3A_56 = arith.constant 0 : i32
    %dma_wait3A_57 = tpu.memref_slice %arg9[%dma_wait3A_55, %dma_wait3A_56] : memref<10240x64xf32, #tpu.memory_space<vmem_shared>> -> memref<10240x64xf32, #tpu.memory_space<vmem_shared>>
    tpu.wait_indirect_dma semaphore(%arg12 : memref<!tpu.dma_semaphore, #tpu.memory_space<semaphore_mem>>) src(%arg7 : memref<128x64xf32, #tpu.memory_space<vmem>>) dst(%dma_wait3A_57 : memref<10240x64xf32, #tpu.memory_space<vmem_shared>>)
    %dma_wait3A_58 = arith.constant 79 : i32
    %dma_wait3A_59 = arith.constant 0 : i32
    %dma_wait3A_60 = tpu.memref_slice %arg6[%dma_wait3A_58, %dma_wait3A_59] : memref<80x128xi32, #tpu.memory_space<vmem>> -> memref<1x128xi32, #tpu.memory_space<vmem>>
    %dma_wait3A_61 = tpu.memref_squeeze %dma_wait3A_60 : memref<1x128xi32, #tpu.memory_space<vmem>> -> memref<128xi32, #tpu.memory_space<vmem>>
    %dma_wait3A_62 = arith.constant 0 : i32
    %dma_wait3A_63 = arith.constant 0 : i32
    %dma_wait3A_64 = tpu.memref_slice %arg9[%dma_wait3A_62, %dma_wait3A_63] : memref<10240x64xf32, #tpu.memory_space<vmem_shared>> -> memref<10240x64xf32, #tpu.memory_space<vmem_shared>>
    tpu.wait_indirect_dma semaphore(%arg13 : memref<!tpu.dma_semaphore, #tpu.memory_space<semaphore_mem>>) src(%arg8 : memref<128x64xf32, #tpu.memory_space<vmem>>) dst(%dma_wait3A_64 : memref<10240x64xf32, #tpu.memory_space<vmem_shared>>)
    %barrier3A_65 = arith.constant 0 : index
    tpu.barrier barrier_id(%barrier3A_65)
    %mul3A_66 = arith.constant 640 : i32
    %mul3A_67 = arith.muli %arg1, %mul3A_66 : i32
    %mul3A_68 = arith.constant 640 : i32
    %mul3A_69 = arith.muli %arg1, %mul3A_68 : i32
    "tpu.region"() ({
      %run_scoped3A_70 = tpu.sem_alloc : memref<!tpu.dma_semaphore, #tpu.memory_space<semaphore_mem>>
      %dma_start3A_71 = arith.constant 0 : i32
      %dma_start3A_72 = tpu.memref_slice %arg4[%arg0, %mul3A_69, %dma_start3A_71] : memref<2x10240x64xf32, #tpu.memory_space<hbm>> -> memref<1x640x64xf32, #tpu.memory_space<hbm>>
      %dma_start3A_73 = tpu.memref_squeeze %dma_start3A_72 : memref<1x640x64xf32, #tpu.memory_space<hbm>> -> memref<640x64xf32, #tpu.memory_space<hbm>>
      %dma_start3A_74 = arith.constant 0 : i32
      %dma_start3A_75 = tpu.memref_slice %arg9[%mul3A_67, %dma_start3A_74] : memref<10240x64xf32, #tpu.memory_space<vmem_shared>> -> memref<640x64xf32, #tpu.memory_space<vmem_shared>>
      tpu.enqueue_dma source(%dma_start3A_75 : memref<640x64xf32, #tpu.memory_space<vmem_shared>>) target(%dma_start3A_73 : memref<640x64xf32, #tpu.memory_space<hbm>>) target_semaphore(%run_scoped3A_70 : memref<!tpu.dma_semaphore, #tpu.memory_space<semaphore_mem>>)
      %dma_wait3A_76 = arith.constant 0 : i32
      %dma_wait3A_77 = tpu.memref_slice %arg4[%arg0, %mul3A_69, %dma_wait3A_76] : memref<2x10240x64xf32, #tpu.memory_space<hbm>> -> memref<1x640x64xf32, #tpu.memory_space<hbm>>
      %dma_wait3A_78 = tpu.memref_squeeze %dma_wait3A_77 : memref<1x640x64xf32, #tpu.memory_space<hbm>> -> memref<640x64xf32, #tpu.memory_space<hbm>>
      %dma_wait3A_79 = arith.constant 0 : i32
      %dma_wait3A_80 = tpu.memref_slice %arg9[%mul3A_67, %dma_wait3A_79] : memref<10240x64xf32, #tpu.memory_space<vmem_shared>> -> memref<640x64xf32, #tpu.memory_space<vmem_shared>>
      tpu.wait_dma2 semaphore(%run_scoped3A_70 : memref<!tpu.dma_semaphore, #tpu.memory_space<semaphore_mem>>) src(%dma_wait3A_80 : memref<640x64xf32, #tpu.memory_space<vmem_shared>>) dst(%dma_wait3A_78 : memref<640x64xf32, #tpu.memory_space<hbm>>)
      tpu.yield
    }) : () -> ()
    return
  }
}

#map = affine_map<(d0, d1) -> (0, 0)>
#map1 = affine_map<(d0, d1) -> (0, 0, 0)>
module attributes {stable_mosaic.version = 14 : i64} {
  func.func @_scat(%arg0: i32, %arg1: i32, %arg2: memref<10240x128xf32, #tpu.memory_space<hbm>>, %arg3: memref<2x2560x128xi32, #tpu.memory_space<hbm>>, %arg4: memref<2x10240x128xf32, #tpu.memory_space<hbm>>, %arg5: memref<16x128xi32, #tpu.memory_space<vmem>>, %arg6: memref<16x128xi32, #tpu.memory_space<vmem>>, %arg7: memref<128x128xf32, #tpu.memory_space<vmem>>, %arg8: memref<128x128xf32, #tpu.memory_space<vmem>>, %arg9: memref<10240x128xf32, #tpu.memory_space<vmem_shared>>, %arg10: memref<!tpu.dma_semaphore, #tpu.memory_space<semaphore_mem>>, %arg11: memref<!tpu.dma_semaphore, #tpu.memory_space<semaphore_mem>>, %arg12: memref<!tpu.dma_semaphore, #tpu.memory_space<semaphore_mem>>, %arg13: memref<!tpu.dma_semaphore, #tpu.memory_space<semaphore_mem>>, %arg14: memref<16x128xi32, #tpu.memory_space<vmem>>, %arg15: memref<16x128xi32, #tpu.memory_space<vmem>>, %arg16: memref<!tpu.dma_semaphore, #tpu.memory_space<semaphore_mem>>, %arg17: memref<!tpu.dma_semaphore, #tpu.memory_space<semaphore_mem>>) attributes {dimension_semantics = [#tpu.dimension_semantics<core_parallel>, #tpu.dimension_semantics<subcore_parallel>], iteration_bounds = array<i64: 2, 16>, scalar_prefetch = 0 : i64, scratch_operands = 13 : i64, tpu.core_type = #tpu.core_type<sc_vector_subcore>, window_params = [{transform_indices = #map}, {transform_indices = #map1}, {transform_indices = #map1}]} {
    %mul3A = arith.constant 16 : i32
    %mul3A_0 = arith.muli %arg0, %mul3A : i32
    %add3A = arith.addi %mul3A_0, %arg1 : i32
    %scan3A = arith.constant 0 : i32
    %scan3A_1 = arith.constant 0 : i32
    %scan3A_2 = arith.constant 128 : i32
    %scan3A_3 = arith.addi %scan3A_1, %scan3A_2 : i32
    %scan3A_4 = arith.constant 1 : i32
    %scan3A_5 = scf.for %scan3A_281 = %scan3A_1 to %scan3A_3 step %scan3A_4 iter_args(%scan3A_282 = %scan3A) -> (i32)  : i32 {
      %broadcast_in_dim3A = arith.constant 0.000000e+00 : f32
      %broadcast_in_dim3A_283 = vector.broadcast %broadcast_in_dim3A : f32 to vector<16xf32>
      %swap3A = arith.index_cast %scan3A_281 : i32 to index
      %swap3A_284 = arith.constant 0 : index
      %swap3A_285 = tpu.vector_load %arg7[%swap3A, %swap3A_284] {strides = array<i32>} : memref<128x128xf32, #tpu.memory_space<vmem>>, vector<1x16xf32>,
      %swap3A_286 = vector.shape_cast %swap3A_285 : vector<1x16xf32> to vector<16xf32>
      %swap3A_287 = vector.shape_cast %broadcast_in_dim3A_283 : vector<16xf32> to vector<1x16xf32>
      tpu.vector_store %arg7[%swap3A, %swap3A_284], %swap3A_287 {strides = array<i32>} : memref<128x128xf32, #tpu.memory_space<vmem>>, vector<1x16xf32>,
      %broadcast_in_dim3A_288 = arith.constant 0.000000e+00 : f32
      %broadcast_in_dim3A_289 = vector.broadcast %broadcast_in_dim3A_288 : f32 to vector<16xf32>
      %swap3A_290 = arith.index_cast %scan3A_281 : i32 to index
      %swap3A_291 = arith.constant 16 : index
      %swap3A_292 = tpu.vector_load %arg7[%swap3A_290, %swap3A_291] {strides = array<i32>} : memref<128x128xf32, #tpu.memory_space<vmem>>, vector<1x16xf32>,
      %swap3A_293 = vector.shape_cast %swap3A_292 : vector<1x16xf32> to vector<16xf32>
      %swap3A_294 = vector.shape_cast %broadcast_in_dim3A_289 : vector<16xf32> to vector<1x16xf32>
      tpu.vector_store %arg7[%swap3A_290, %swap3A_291], %swap3A_294 {strides = array<i32>} : memref<128x128xf32, #tpu.memory_space<vmem>>, vector<1x16xf32>,
      %broadcast_in_dim3A_295 = arith.constant 0.000000e+00 : f32
      %broadcast_in_dim3A_296 = vector.broadcast %broadcast_in_dim3A_295 : f32 to vector<16xf32>
      %swap3A_297 = arith.index_cast %scan3A_281 : i32 to index
      %swap3A_298 = arith.constant 32 : index
      %swap3A_299 = tpu.vector_load %arg7[%swap3A_297, %swap3A_298] {strides = array<i32>} : memref<128x128xf32, #tpu.memory_space<vmem>>, vector<1x16xf32>,
      %swap3A_300 = vector.shape_cast %swap3A_299 : vector<1x16xf32> to vector<16xf32>
      %swap3A_301 = vector.shape_cast %broadcast_in_dim3A_296 : vector<16xf32> to vector<1x16xf32>
      tpu.vector_store %arg7[%swap3A_297, %swap3A_298], %swap3A_301 {strides = array<i32>} : memref<128x128xf32, #tpu.memory_space<vmem>>, vector<1x16xf32>,
      %broadcast_in_dim3A_302 = arith.constant 0.000000e+00 : f32
      %broadcast_in_dim3A_303 = vector.broadcast %broadcast_in_dim3A_302 : f32 to vector<16xf32>
      %swap3A_304 = arith.index_cast %scan3A_281 : i32 to index
      %swap3A_305 = arith.constant 48 : index
      %swap3A_306 = tpu.vector_load %arg7[%swap3A_304, %swap3A_305] {strides = array<i32>} : memref<128x128xf32, #tpu.memory_space<vmem>>, vector<1x16xf32>,
      %swap3A_307 = vector.shape_cast %swap3A_306 : vector<1x16xf32> to vector<16xf32>
      %swap3A_308 = vector.shape_cast %broadcast_in_dim3A_303 : vector<16xf32> to vector<1x16xf32>
      tpu.vector_store %arg7[%swap3A_304, %swap3A_305], %swap3A_308 {strides = array<i32>} : memref<128x128xf32, #tpu.memory_space<vmem>>, vector<1x16xf32>,
      %broadcast_in_dim3A_309 = arith.constant 0.000000e+00 : f32
      %broadcast_in_dim3A_310 = vector.broadcast %broadcast_in_dim3A_309 : f32 to vector<16xf32>
      %swap3A_311 = arith.index_cast %scan3A_281 : i32 to index
      %swap3A_312 = arith.constant 64 : index
      %swap3A_313 = tpu.vector_load %arg7[%swap3A_311, %swap3A_312] {strides = array<i32>} : memref<128x128xf32, #tpu.memory_space<vmem>>, vector<1x16xf32>,
      %swap3A_314 = vector.shape_cast %swap3A_313 : vector<1x16xf32> to vector<16xf32>
      %swap3A_315 = vector.shape_cast %broadcast_in_dim3A_310 : vector<16xf32> to vector<1x16xf32>
      tpu.vector_store %arg7[%swap3A_311, %swap3A_312], %swap3A_315 {strides = array<i32>} : memref<128x128xf32, #tpu.memory_space<vmem>>, vector<1x16xf32>,
      %broadcast_in_dim3A_316 = arith.constant 0.000000e+00 : f32
      %broadcast_in_dim3A_317 = vector.broadcast %broadcast_in_dim3A_316 : f32 to vector<16xf32>
      %swap3A_318 = arith.index_cast %scan3A_281 : i32 to index
      %swap3A_319 = arith.constant 80 : index
      %swap3A_320 = tpu.vector_load %arg7[%swap3A_318, %swap3A_319] {strides = array<i32>} : memref<128x128xf32, #tpu.memory_space<vmem>>, vector<1x16xf32>,
      %swap3A_321 = vector.shape_cast %swap3A_320 : vector<1x16xf32> to vector<16xf32>
      %swap3A_322 = vector.shape_cast %broadcast_in_dim3A_317 : vector<16xf32> to vector<1x16xf32>
      tpu.vector_store %arg7[%swap3A_318, %swap3A_319], %swap3A_322 {strides = array<i32>} : memref<128x128xf32, #tpu.memory_space<vmem>>, vector<1x16xf32>,
      %broadcast_in_dim3A_323 = arith.constant 0.000000e+00 : f32
      %broadcast_in_dim3A_324 = vector.broadcast %broadcast_in_dim3A_323 : f32 to vector<16xf32>
      %swap3A_325 = arith.index_cast %scan3A_281 : i32 to index
      %swap3A_326 = arith.constant 96 : index
      %swap3A_327 = tpu.vector_load %arg7[%swap3A_325, %swap3A_326] {strides = array<i32>} : memref<128x128xf32, #tpu.memory_space<vmem>>, vector<1x16xf32>,
      %swap3A_328 = vector.shape_cast %swap3A_327 : vector<1x16xf32> to vector<16xf32>
      %swap3A_329 = vector.shape_cast %broadcast_in_dim3A_324 : vector<16xf32> to vector<1x16xf32>
      tpu.vector_store %arg7[%swap3A_325, %swap3A_326], %swap3A_329 {strides = array<i32>} : memref<128x128xf32, #tpu.memory_space<vmem>>, vector<1x16xf32>,
      %broadcast_in_dim3A_330 = arith.constant 0.000000e+00 : f32
      %broadcast_in_dim3A_331 = vector.broadcast %broadcast_in_dim3A_330 : f32 to vector<16xf32>
      %swap3A_332 = arith.index_cast %scan3A_281 : i32 to index
      %swap3A_333 = arith.constant 112 : index
      %swap3A_334 = tpu.vector_load %arg7[%swap3A_332, %swap3A_333] {strides = array<i32>} : memref<128x128xf32, #tpu.memory_space<vmem>>, vector<1x16xf32>,
      %swap3A_335 = vector.shape_cast %swap3A_334 : vector<1x16xf32> to vector<16xf32>
      %swap3A_336 = vector.shape_cast %broadcast_in_dim3A_331 : vector<16xf32> to vector<1x16xf32>
      tpu.vector_store %arg7[%swap3A_332, %swap3A_333], %swap3A_336 {strides = array<i32>} : memref<128x128xf32, #tpu.memory_space<vmem>>, vector<1x16xf32>,
      %scan3A_337 = arith.constant 0 : i32
      scf.yield %scan3A_337 : i32
    }
    %scan3A_6 = arith.constant 128 : i32
    %mul3A_7 = arith.constant 640 : i32
    %mul3A_8 = arith.muli %arg1, %mul3A_7 : i32
    %add3A_9 = arith.constant 0 : i32
    %add3A_10 = arith.addi %mul3A_8, %add3A_9 : i32
    "tpu.region"() ({
      %run_scoped3A_281 = tpu.sem_alloc : memref<!tpu.dma_semaphore, #tpu.memory_space<semaphore_mem>>
      %dma_start3A_282 = arith.constant 0 : i32
      %dma_start3A_283 = tpu.memref_slice %arg9[%add3A_10, %dma_start3A_282] : memref<10240x128xf32, #tpu.memory_space<vmem_shared>> -> memref<128x128xf32, #tpu.memory_space<vmem_shared>>
      %dma_start3A_284 = arith.constant 0 : i32
      %dma_start3A_285 = tpu.memref_slice %arg9[%add3A_10, %dma_start3A_284] : memref<10240x128xf32, #tpu.memory_space<vmem_shared>> -> memref<128x128xf32, #tpu.memory_space<vmem_shared>>
      tpu.enqueue_dma source(%arg7 : memref<128x128xf32, #tpu.memory_space<vmem>>) target(%dma_start3A_285 : memref<128x128xf32, #tpu.memory_space<vmem_shared>>) target_semaphore(%run_scoped3A_281 : memref<!tpu.dma_semaphore, #tpu.memory_space<semaphore_mem>>)
      %dma_wait3A_286 = arith.constant 0 : i32
      %dma_wait3A_287 = tpu.memref_slice %arg9[%add3A_10, %dma_wait3A_286] : memref<10240x128xf32, #tpu.memory_space<vmem_shared>> -> memref<128x128xf32, #tpu.memory_space<vmem_shared>>
      %dma_wait3A_288 = arith.constant 0 : i32
      %dma_wait3A_289 = tpu.memref_slice %arg9[%add3A_10, %dma_wait3A_288] : memref<10240x128xf32, #tpu.memory_space<vmem_shared>> -> memref<128x128xf32, #tpu.memory_space<vmem_shared>>
      tpu.wait_dma2 semaphore(%run_scoped3A_281 : memref<!tpu.dma_semaphore, #tpu.memory_space<semaphore_mem>>) src(%arg7 : memref<128x128xf32, #tpu.memory_space<vmem>>) dst(%dma_wait3A_289 : memref<128x128xf32, #tpu.memory_space<vmem_shared>>)
      tpu.yield
    }) : () -> ()
    %mul3A_11 = arith.constant 640 : i32
    %mul3A_12 = arith.muli %arg1, %mul3A_11 : i32
    %add3A_13 = arith.constant 128 : i32
    %add3A_14 = arith.addi %mul3A_12, %add3A_13 : i32
    "tpu.region"() ({
      %run_scoped3A_281 = tpu.sem_alloc : memref<!tpu.dma_semaphore, #tpu.memory_space<semaphore_mem>>
      %dma_start3A_282 = arith.constant 0 : i32
      %dma_start3A_283 = tpu.memref_slice %arg9[%add3A_14, %dma_start3A_282] : memref<10240x128xf32, #tpu.memory_space<vmem_shared>> -> memref<128x128xf32, #tpu.memory_space<vmem_shared>>
      %dma_start3A_284 = arith.constant 0 : i32
      %dma_start3A_285 = tpu.memref_slice %arg9[%add3A_14, %dma_start3A_284] : memref<10240x128xf32, #tpu.memory_space<vmem_shared>> -> memref<128x128xf32, #tpu.memory_space<vmem_shared>>
      tpu.enqueue_dma source(%arg7 : memref<128x128xf32, #tpu.memory_space<vmem>>) target(%dma_start3A_285 : memref<128x128xf32, #tpu.memory_space<vmem_shared>>) target_semaphore(%run_scoped3A_281 : memref<!tpu.dma_semaphore, #tpu.memory_space<semaphore_mem>>)
      %dma_wait3A_286 = arith.constant 0 : i32
      %dma_wait3A_287 = tpu.memref_slice %arg9[%add3A_14, %dma_wait3A_286] : memref<10240x128xf32, #tpu.memory_space<vmem_shared>> -> memref<128x128xf32, #tpu.memory_space<vmem_shared>>
      %dma_wait3A_288 = arith.constant 0 : i32
      %dma_wait3A_289 = tpu.memref_slice %arg9[%add3A_14, %dma_wait3A_288] : memref<10240x128xf32, #tpu.memory_space<vmem_shared>> -> memref<128x128xf32, #tpu.memory_space<vmem_shared>>
      tpu.wait_dma2 semaphore(%run_scoped3A_281 : memref<!tpu.dma_semaphore, #tpu.memory_space<semaphore_mem>>) src(%arg7 : memref<128x128xf32, #tpu.memory_space<vmem>>) dst(%dma_wait3A_289 : memref<128x128xf32, #tpu.memory_space<vmem_shared>>)
      tpu.yield
    }) : () -> ()
    %mul3A_15 = arith.constant 640 : i32
    %mul3A_16 = arith.muli %arg1, %mul3A_15 : i32
    %add3A_17 = arith.constant 256 : i32
    %add3A_18 = arith.addi %mul3A_16, %add3A_17 : i32
    "tpu.region"() ({
      %run_scoped3A_281 = tpu.sem_alloc : memref<!tpu.dma_semaphore, #tpu.memory_space<semaphore_mem>>
      %dma_start3A_282 = arith.constant 0 : i32
      %dma_start3A_283 = tpu.memref_slice %arg9[%add3A_18, %dma_start3A_282] : memref<10240x128xf32, #tpu.memory_space<vmem_shared>> -> memref<128x128xf32, #tpu.memory_space<vmem_shared>>
      %dma_start3A_284 = arith.constant 0 : i32
      %dma_start3A_285 = tpu.memref_slice %arg9[%add3A_18, %dma_start3A_284] : memref<10240x128xf32, #tpu.memory_space<vmem_shared>> -> memref<128x128xf32, #tpu.memory_space<vmem_shared>>
      tpu.enqueue_dma source(%arg7 : memref<128x128xf32, #tpu.memory_space<vmem>>) target(%dma_start3A_285 : memref<128x128xf32, #tpu.memory_space<vmem_shared>>) target_semaphore(%run_scoped3A_281 : memref<!tpu.dma_semaphore, #tpu.memory_space<semaphore_mem>>)
      %dma_wait3A_286 = arith.constant 0 : i32
      %dma_wait3A_287 = tpu.memref_slice %arg9[%add3A_18, %dma_wait3A_286] : memref<10240x128xf32, #tpu.memory_space<vmem_shared>> -> memref<128x128xf32, #tpu.memory_space<vmem_shared>>
      %dma_wait3A_288 = arith.constant 0 : i32
      %dma_wait3A_289 = tpu.memref_slice %arg9[%add3A_18, %dma_wait3A_288] : memref<10240x128xf32, #tpu.memory_space<vmem_shared>> -> memref<128x128xf32, #tpu.memory_space<vmem_shared>>
      tpu.wait_dma2 semaphore(%run_scoped3A_281 : memref<!tpu.dma_semaphore, #tpu.memory_space<semaphore_mem>>) src(%arg7 : memref<128x128xf32, #tpu.memory_space<vmem>>) dst(%dma_wait3A_289 : memref<128x128xf32, #tpu.memory_space<vmem_shared>>)
      tpu.yield
    }) : () -> ()
    %mul3A_19 = arith.constant 640 : i32
    %mul3A_20 = arith.muli %arg1, %mul3A_19 : i32
    %add3A_21 = arith.constant 384 : i32
    %add3A_22 = arith.addi %mul3A_20, %add3A_21 : i32
    "tpu.region"() ({
      %run_scoped3A_281 = tpu.sem_alloc : memref<!tpu.dma_semaphore, #tpu.memory_space<semaphore_mem>>
      %dma_start3A_282 = arith.constant 0 : i32
      %dma_start3A_283 = tpu.memref_slice %arg9[%add3A_22, %dma_start3A_282] : memref<10240x128xf32, #tpu.memory_space<vmem_shared>> -> memref<128x128xf32, #tpu.memory_space<vmem_shared>>
      %dma_start3A_284 = arith.constant 0 : i32
      %dma_start3A_285 = tpu.memref_slice %arg9[%add3A_22, %dma_start3A_284] : memref<10240x128xf32, #tpu.memory_space<vmem_shared>> -> memref<128x128xf32, #tpu.memory_space<vmem_shared>>
      tpu.enqueue_dma source(%arg7 : memref<128x128xf32, #tpu.memory_space<vmem>>) target(%dma_start3A_285 : memref<128x128xf32, #tpu.memory_space<vmem_shared>>) target_semaphore(%run_scoped3A_281 : memref<!tpu.dma_semaphore, #tpu.memory_space<semaphore_mem>>)
      %dma_wait3A_286 = arith.constant 0 : i32
      %dma_wait3A_287 = tpu.memref_slice %arg9[%add3A_22, %dma_wait3A_286] : memref<10240x128xf32, #tpu.memory_space<vmem_shared>> -> memref<128x128xf32, #tpu.memory_space<vmem_shared>>
      %dma_wait3A_288 = arith.constant 0 : i32
      %dma_wait3A_289 = tpu.memref_slice %arg9[%add3A_22, %dma_wait3A_288] : memref<10240x128xf32, #tpu.memory_space<vmem_shared>> -> memref<128x128xf32, #tpu.memory_space<vmem_shared>>
      tpu.wait_dma2 semaphore(%run_scoped3A_281 : memref<!tpu.dma_semaphore, #tpu.memory_space<semaphore_mem>>) src(%arg7 : memref<128x128xf32, #tpu.memory_space<vmem>>) dst(%dma_wait3A_289 : memref<128x128xf32, #tpu.memory_space<vmem_shared>>)
      tpu.yield
    }) : () -> ()
    %mul3A_23 = arith.constant 640 : i32
    %mul3A_24 = arith.muli %arg1, %mul3A_23 : i32
    %add3A_25 = arith.constant 512 : i32
    %add3A_26 = arith.addi %mul3A_24, %add3A_25 : i32
    "tpu.region"() ({
      %run_scoped3A_281 = tpu.sem_alloc : memref<!tpu.dma_semaphore, #tpu.memory_space<semaphore_mem>>
      %dma_start3A_282 = arith.constant 0 : i32
      %dma_start3A_283 = tpu.memref_slice %arg9[%add3A_26, %dma_start3A_282] : memref<10240x128xf32, #tpu.memory_space<vmem_shared>> -> memref<128x128xf32, #tpu.memory_space<vmem_shared>>
      %dma_start3A_284 = arith.constant 0 : i32
      %dma_start3A_285 = tpu.memref_slice %arg9[%add3A_26, %dma_start3A_284] : memref<10240x128xf32, #tpu.memory_space<vmem_shared>> -> memref<128x128xf32, #tpu.memory_space<vmem_shared>>
      tpu.enqueue_dma source(%arg7 : memref<128x128xf32, #tpu.memory_space<vmem>>) target(%dma_start3A_285 : memref<128x128xf32, #tpu.memory_space<vmem_shared>>) target_semaphore(%run_scoped3A_281 : memref<!tpu.dma_semaphore, #tpu.memory_space<semaphore_mem>>)
      %dma_wait3A_286 = arith.constant 0 : i32
      %dma_wait3A_287 = tpu.memref_slice %arg9[%add3A_26, %dma_wait3A_286] : memref<10240x128xf32, #tpu.memory_space<vmem_shared>> -> memref<128x128xf32, #tpu.memory_space<vmem_shared>>
      %dma_wait3A_288 = arith.constant 0 : i32
      %dma_wait3A_289 = tpu.memref_slice %arg9[%add3A_26, %dma_wait3A_288] : memref<10240x128xf32, #tpu.memory_space<vmem_shared>> -> memref<128x128xf32, #tpu.memory_space<vmem_shared>>
      tpu.wait_dma2 semaphore(%run_scoped3A_281 : memref<!tpu.dma_semaphore, #tpu.memory_space<semaphore_mem>>) src(%arg7 : memref<128x128xf32, #tpu.memory_space<vmem>>) dst(%dma_wait3A_289 : memref<128x128xf32, #tpu.memory_space<vmem_shared>>)
      tpu.yield
    }) : () -> ()
    %barrier3A = arith.constant 0 : index
    tpu.barrier barrier_id(%barrier3A)
    %mul3A_27 = arith.constant 80 : i32
    %mul3A_28 = arith.muli %add3A, %mul3A_27 : i32
    %run_scoped3A = arith.constant 0 : i32
    "tpu.region"() ({
      %run_scoped3A_281 = tpu.sem_alloc : memref<!tpu.dma_semaphore, #tpu.memory_space<semaphore_mem>>
      %dma_start3A_282 = arith.constant 0 : i32
      %dma_start3A_283 = tpu.memref_slice %arg3[%run_scoped3A, %mul3A_28, %dma_start3A_282] : memref<2x2560x128xi32, #tpu.memory_space<hbm>> -> memref<1x16x128xi32, #tpu.memory_space<hbm>>
      %dma_start3A_284 = tpu.memref_squeeze %dma_start3A_283 : memref<1x16x128xi32, #tpu.memory_space<hbm>> -> memref<16x128xi32, #tpu.memory_space<hbm>>
      %dma_start3A_285 = arith.constant 0 : i32
      %dma_start3A_286 = tpu.memref_slice %arg3[%run_scoped3A, %mul3A_28, %dma_start3A_285] : memref<2x2560x128xi32, #tpu.memory_space<hbm>> -> memref<1x16x128xi32, #tpu.memory_space<hbm>>
      %dma_start3A_287 = tpu.memref_squeeze %dma_start3A_286 : memref<1x16x128xi32, #tpu.memory_space<hbm>> -> memref<16x128xi32, #tpu.memory_space<hbm>>
      tpu.enqueue_dma source(%dma_start3A_287 : memref<16x128xi32, #tpu.memory_space<hbm>>) target(%arg5 : memref<16x128xi32, #tpu.memory_space<vmem>>) target_semaphore(%run_scoped3A_281 : memref<!tpu.dma_semaphore, #tpu.memory_space<semaphore_mem>>)
      %dma_wait3A_288 = arith.constant 0 : i32
      %dma_wait3A_289 = tpu.memref_slice %arg3[%run_scoped3A, %mul3A_28, %dma_wait3A_288] : memref<2x2560x128xi32, #tpu.memory_space<hbm>> -> memref<1x16x128xi32, #tpu.memory_space<hbm>>
      %dma_wait3A_290 = tpu.memref_squeeze %dma_wait3A_289 : memref<1x16x128xi32, #tpu.memory_space<hbm>> -> memref<16x128xi32, #tpu.memory_space<hbm>>
      %dma_wait3A_291 = arith.constant 0 : i32
      %dma_wait3A_292 = tpu.memref_slice %arg3[%run_scoped3A, %mul3A_28, %dma_wait3A_291] : memref<2x2560x128xi32, #tpu.memory_space<hbm>> -> memref<1x16x128xi32, #tpu.memory_space<hbm>>
      %dma_wait3A_293 = tpu.memref_squeeze %dma_wait3A_292 : memref<1x16x128xi32, #tpu.memory_space<hbm>> -> memref<16x128xi32, #tpu.memory_space<hbm>>
      tpu.wait_dma2 semaphore(%run_scoped3A_281 : memref<!tpu.dma_semaphore, #tpu.memory_space<semaphore_mem>>) src(%dma_wait3A_293 : memref<16x128xi32, #tpu.memory_space<hbm>>) dst(%arg5 : memref<16x128xi32, #tpu.memory_space<vmem>>)
      tpu.yield
    }) : () -> ()
    %mul3A_29 = arith.constant 80 : i32
    %mul3A_30 = arith.muli %add3A, %mul3A_29 : i32
    %run_scoped3A_31 = arith.constant 1 : i32
    "tpu.region"() ({
      %run_scoped3A_281 = tpu.sem_alloc : memref<!tpu.dma_semaphore, #tpu.memory_space<semaphore_mem>>
      %dma_start3A_282 = arith.constant 0 : i32
      %dma_start3A_283 = tpu.memref_slice %arg3[%run_scoped3A_31, %mul3A_30, %dma_start3A_282] : memref<2x2560x128xi32, #tpu.memory_space<hbm>> -> memref<1x16x128xi32, #tpu.memory_space<hbm>>
      %dma_start3A_284 = tpu.memref_squeeze %dma_start3A_283 : memref<1x16x128xi32, #tpu.memory_space<hbm>> -> memref<16x128xi32, #tpu.memory_space<hbm>>
      %dma_start3A_285 = arith.constant 0 : i32
      %dma_start3A_286 = tpu.memref_slice %arg3[%run_scoped3A_31, %mul3A_30, %dma_start3A_285] : memref<2x2560x128xi32, #tpu.memory_space<hbm>> -> memref<1x16x128xi32, #tpu.memory_space<hbm>>
      %dma_start3A_287 = tpu.memref_squeeze %dma_start3A_286 : memref<1x16x128xi32, #tpu.memory_space<hbm>> -> memref<16x128xi32, #tpu.memory_space<hbm>>
      tpu.enqueue_dma source(%dma_start3A_287 : memref<16x128xi32, #tpu.memory_space<hbm>>) target(%arg6 : memref<16x128xi32, #tpu.memory_space<vmem>>) target_semaphore(%run_scoped3A_281 : memref<!tpu.dma_semaphore, #tpu.memory_space<semaphore_mem>>)
      %dma_wait3A_288 = arith.constant 0 : i32
      %dma_wait3A_289 = tpu.memref_slice %arg3[%run_scoped3A_31, %mul3A_30, %dma_wait3A_288] : memref<2x2560x128xi32, #tpu.memory_space<hbm>> -> memref<1x16x128xi32, #tpu.memory_space<hbm>>
      %dma_wait3A_290 = tpu.memref_squeeze %dma_wait3A_289 : memref<1x16x128xi32, #tpu.memory_space<hbm>> -> memref<16x128xi32, #tpu.memory_space<hbm>>
      %dma_wait3A_291 = arith.constant 0 : i32
      %dma_wait3A_292 = tpu.memref_slice %arg3[%run_scoped3A_31, %mul3A_30, %dma_wait3A_291] : memref<2x2560x128xi32, #tpu.memory_space<hbm>> -> memref<1x16x128xi32, #tpu.memory_space<hbm>>
      %dma_wait3A_293 = tpu.memref_squeeze %dma_wait3A_292 : memref<1x16x128xi32, #tpu.memory_space<hbm>> -> memref<16x128xi32, #tpu.memory_space<hbm>>
      tpu.wait_dma2 semaphore(%run_scoped3A_281 : memref<!tpu.dma_semaphore, #tpu.memory_space<semaphore_mem>>) src(%dma_wait3A_293 : memref<16x128xi32, #tpu.memory_space<hbm>>) dst(%arg6 : memref<16x128xi32, #tpu.memory_space<vmem>>)
      tpu.yield
    }) : () -> ()
    %mul3A_32 = arith.constant 80 : i32
    %mul3A_33 = arith.muli %add3A, %mul3A_32 : i32
    %add3A_34 = arith.constant 16 : i32
    %add3A_35 = arith.addi %mul3A_33, %add3A_34 : i32
    %dma_start3A = arith.constant 0 : i32
    %dma_start3A_36 = arith.constant 0 : i32
    %dma_start3A_37 = tpu.memref_slice %arg3[%dma_start3A, %add3A_35, %dma_start3A_36] : memref<2x2560x128xi32, #tpu.memory_space<hbm>> -> memref<1x16x128xi32, #tpu.memory_space<hbm>>
    %dma_start3A_38 = tpu.memref_squeeze %dma_start3A_37 : memref<1x16x128xi32, #tpu.memory_space<hbm>> -> memref<16x128xi32, #tpu.memory_space<hbm>>
    %dma_start3A_39 = arith.constant 0 : i32
    %dma_start3A_40 = tpu.memref_slice %arg3[%dma_start3A, %add3A_35, %dma_start3A_39] : memref<2x2560x128xi32, #tpu.memory_space<hbm>> -> memref<1x16x128xi32, #tpu.memory_space<hbm>>
    %dma_start3A_41 = tpu.memref_squeeze %dma_start3A_40 : memref<1x16x128xi32, #tpu.memory_space<hbm>> -> memref<16x128xi32, #tpu.memory_space<hbm>>
    tpu.enqueue_dma source(%dma_start3A_41 : memref<16x128xi32, #tpu.memory_space<hbm>>) target(%arg14 : memref<16x128xi32, #tpu.memory_space<vmem>>) target_semaphore(%arg16 : memref<!tpu.dma_semaphore, #tpu.memory_space<semaphore_mem>>)
    %mul3A_42 = arith.constant 80 : i32
    %mul3A_43 = arith.muli %add3A, %mul3A_42 : i32
    %add3A_44 = arith.constant 16 : i32
    %add3A_45 = arith.addi %mul3A_43, %add3A_44 : i32
    %dma_start3A_46 = arith.constant 1 : i32
    %dma_start3A_47 = arith.constant 0 : i32
    %dma_start3A_48 = tpu.memref_slice %arg3[%dma_start3A_46, %add3A_45, %dma_start3A_47] : memref<2x2560x128xi32, #tpu.memory_space<hbm>> -> memref<1x16x128xi32, #tpu.memory_space<hbm>>
    %dma_start3A_49 = tpu.memref_squeeze %dma_start3A_48 : memref<1x16x128xi32, #tpu.memory_space<hbm>> -> memref<16x128xi32, #tpu.memory_space<hbm>>
    %dma_start3A_50 = arith.constant 0 : i32
    %dma_start3A_51 = tpu.memref_slice %arg3[%dma_start3A_46, %add3A_45, %dma_start3A_50] : memref<2x2560x128xi32, #tpu.memory_space<hbm>> -> memref<1x16x128xi32, #tpu.memory_space<hbm>>
    %dma_start3A_52 = tpu.memref_squeeze %dma_start3A_51 : memref<1x16x128xi32, #tpu.memory_space<hbm>> -> memref<16x128xi32, #tpu.memory_space<hbm>>
    tpu.enqueue_dma source(%dma_start3A_52 : memref<16x128xi32, #tpu.memory_space<hbm>>) target(%arg15 : memref<16x128xi32, #tpu.memory_space<vmem>>) target_semaphore(%arg17 : memref<!tpu.dma_semaphore, #tpu.memory_space<semaphore_mem>>)
    %dma_start3A_53 = arith.constant 0 : i32
    %dma_start3A_54 = arith.constant 0 : i32
    %dma_start3A_55 = tpu.memref_slice %arg5[%dma_start3A_53, %dma_start3A_54] : memref<16x128xi32, #tpu.memory_space<vmem>> -> memref<1x128xi32, #tpu.memory_space<vmem>>
    %dma_start3A_56 = tpu.memref_squeeze %dma_start3A_55 : memref<1x128xi32, #tpu.memory_space<vmem>> -> memref<128xi32, #tpu.memory_space<vmem>>
    %dma_start3A_57 = arith.constant 0 : i32
    %dma_start3A_58 = arith.constant 0 : i32
    %dma_start3A_59 = tpu.memref_slice %arg2[%dma_start3A_57, %dma_start3A_58] : memref<10240x128xf32, #tpu.memory_space<hbm>> -> memref<10240x128xf32, #tpu.memory_space<hbm>>
    tpu.enqueue_indirect_dma source(%dma_start3A_59 : memref<10240x128xf32, #tpu.memory_space<hbm>>) target(%arg7 : memref<128x128xf32, #tpu.memory_space<vmem>>) offsets(%dma_start3A_56 : memref<128xi32, #tpu.memory_space<vmem>>) semaphore(%arg10 : memref<!tpu.dma_semaphore, #tpu.memory_space<semaphore_mem>>)
    %scan3A_60 = arith.constant 0 : i32
    %scan3A_61 = arith.constant 0 : i32
    %scan3A_62 = arith.constant 8 : i32
    %scan3A_63 = arith.addi %scan3A_61, %scan3A_62 : i32
    %scan3A_64 = arith.constant 1 : i32
    %scan3A_65 = scf.for %scan3A_281 = %scan3A_61 to %scan3A_63 step %scan3A_64 iter_args(%scan3A_282 = %scan3A_60) -> (i32)  : i32 {
      %mul3A_283 = arith.constant 2 : i32
      %mul3A_284 = arith.muli %mul3A_283, %scan3A_281 : i32
      %mul3A_285 = arith.constant 2 : i32
      %mul3A_286 = arith.muli %mul3A_285, %scan3A_281 : i32
      %add3A_287 = arith.constant 1 : i32
      %add3A_288 = arith.addi %mul3A_286, %add3A_287 : i32
      %dma_wait3A_289 = arith.constant 0 : i32
      %dma_wait3A_290 = tpu.memref_slice %arg5[%mul3A_284, %dma_wait3A_289] : memref<16x128xi32, #tpu.memory_space<vmem>> -> memref<1x128xi32, #tpu.memory_space<vmem>>
      %dma_wait3A_291 = tpu.memref_squeeze %dma_wait3A_290 : memref<1x128xi32, #tpu.memory_space<vmem>> -> memref<128xi32, #tpu.memory_space<vmem>>
      %dma_wait3A_292 = arith.constant 0 : i32
      %dma_wait3A_293 = arith.constant 0 : i32
      %dma_wait3A_294 = tpu.memref_slice %arg2[%dma_wait3A_292, %dma_wait3A_293] : memref<10240x128xf32, #tpu.memory_space<hbm>> -> memref<10240x128xf32, #tpu.memory_space<hbm>>
      tpu.wait_indirect_dma semaphore(%arg10 : memref<!tpu.dma_semaphore, #tpu.memory_space<semaphore_mem>>) src(%dma_wait3A_294 : memref<10240x128xf32, #tpu.memory_space<hbm>>) dst(%arg7 : memref<128x128xf32, #tpu.memory_space<vmem>>)
      %dma_start3A_295 = arith.constant 0 : i32
      %dma_start3A_296 = tpu.memref_slice %arg5[%add3A_288, %dma_start3A_295] : memref<16x128xi32, #tpu.memory_space<vmem>> -> memref<1x128xi32, #tpu.memory_space<vmem>>
      %dma_start3A_297 = tpu.memref_squeeze %dma_start3A_296 : memref<1x128xi32, #tpu.memory_space<vmem>> -> memref<128xi32, #tpu.memory_space<vmem>>
      %dma_start3A_298 = arith.constant 0 : i32
      %dma_start3A_299 = arith.constant 0 : i32
      %dma_start3A_300 = tpu.memref_slice %arg2[%dma_start3A_298, %dma_start3A_299] : memref<10240x128xf32, #tpu.memory_space<hbm>> -> memref<10240x128xf32, #tpu.memory_space<hbm>>
      tpu.enqueue_indirect_dma source(%dma_start3A_300 : memref<10240x128xf32, #tpu.memory_space<hbm>>) target(%arg8 : memref<128x128xf32, #tpu.memory_space<vmem>>) offsets(%dma_start3A_297 : memref<128xi32, #tpu.memory_space<vmem>>) semaphore(%arg11 : memref<!tpu.dma_semaphore, #tpu.memory_space<semaphore_mem>>)
      "tpu.region"() ({
        %run_scoped3A_312 = tpu.sem_alloc : memref<!tpu.dma_semaphore, #tpu.memory_space<semaphore_mem>>
        %dma_start3A_313 = arith.constant 0 : i32
        %dma_start3A_314 = tpu.memref_slice %arg6[%mul3A_284, %dma_start3A_313] : memref<16x128xi32, #tpu.memory_space<vmem>> -> memref<1x128xi32, #tpu.memory_space<vmem>>
        %dma_start3A_315 = tpu.memref_squeeze %dma_start3A_314 : memref<1x128xi32, #tpu.memory_space<vmem>> -> memref<128xi32, #tpu.memory_space<vmem>>
        %dma_start3A_316 = arith.constant 0 : i32
        %dma_start3A_317 = arith.constant 0 : i32
        %dma_start3A_318 = tpu.memref_slice %arg9[%dma_start3A_316, %dma_start3A_317] : memref<10240x128xf32, #tpu.memory_space<vmem_shared>> -> memref<10240x128xf32, #tpu.memory_space<vmem_shared>>
        tpu.enqueue_indirect_dma source(%arg7 : memref<128x128xf32, #tpu.memory_space<vmem>>) target(%dma_start3A_318 : memref<10240x128xf32, #tpu.memory_space<vmem_shared>>) offsets(%dma_start3A_315 : memref<128xi32, #tpu.memory_space<vmem>>) semaphore(%run_scoped3A_312 : memref<!tpu.dma_semaphore, #tpu.memory_space<semaphore_mem>>) {add = true}
        %dma_wait3A_319 = arith.constant 0 : i32
        %dma_wait3A_320 = tpu.memref_slice %arg6[%mul3A_284, %dma_wait3A_319] : memref<16x128xi32, #tpu.memory_space<vmem>> -> memref<1x128xi32, #tpu.memory_space<vmem>>
        %dma_wait3A_321 = tpu.memref_squeeze %dma_wait3A_320 : memref<1x128xi32, #tpu.memory_space<vmem>> -> memref<128xi32, #tpu.memory_space<vmem>>
        %dma_wait3A_322 = arith.constant 0 : i32
        %dma_wait3A_323 = arith.constant 0 : i32
        %dma_wait3A_324 = tpu.memref_slice %arg9[%dma_wait3A_322, %dma_wait3A_323] : memref<10240x128xf32, #tpu.memory_space<vmem_shared>> -> memref<10240x128xf32, #tpu.memory_space<vmem_shared>>
        tpu.wait_indirect_dma semaphore(%run_scoped3A_312 : memref<!tpu.dma_semaphore, #tpu.memory_space<semaphore_mem>>) src(%arg7 : memref<128x128xf32, #tpu.memory_space<vmem>>) dst(%dma_wait3A_324 : memref<10240x128xf32, #tpu.memory_space<vmem_shared>>)
        tpu.yield
      }) : () -> ()
      %dma_wait3A_301 = arith.constant 0 : i32
      %dma_wait3A_302 = tpu.memref_slice %arg5[%add3A_288, %dma_wait3A_301] : memref<16x128xi32, #tpu.memory_space<vmem>> -> memref<1x128xi32, #tpu.memory_space<vmem>>
      %dma_wait3A_303 = tpu.memref_squeeze %dma_wait3A_302 : memref<1x128xi32, #tpu.memory_space<vmem>> -> memref<128xi32, #tpu.memory_space<vmem>>
      %dma_wait3A_304 = arith.constant 0 : i32
      %dma_wait3A_305 = arith.constant 0 : i32
      %dma_wait3A_306 = tpu.memref_slice %arg2[%dma_wait3A_304, %dma_wait3A_305] : memref<10240x128xf32, #tpu.memory_space<hbm>> -> memref<10240x128xf32, #tpu.memory_space<hbm>>
      tpu.wait_indirect_dma semaphore(%arg11 : memref<!tpu.dma_semaphore, #tpu.memory_space<semaphore_mem>>) src(%dma_wait3A_306 : memref<10240x128xf32, #tpu.memory_space<hbm>>) dst(%arg8 : memref<128x128xf32, #tpu.memory_space<vmem>>)
      %add3A_307 = arith.constant 1 : i32
      %add3A_308 = arith.addi %add3A_288, %add3A_307 : i32
      %lt3A = arith.constant 16 : i32
      %lt3A_309 = arith.cmpi slt, %add3A_308, %lt3A : i32
      %convert_element_type3A = arith.extui %lt3A_309 : i1 to i32
      %cond3A = arith.constant 0 : i32
      %cond3A_310 = arith.cmpi ne, %convert_element_type3A, %cond3A : i32
      scf.if %cond3A_310 {
        %add3A_312 = arith.constant 1 : i32
        %add3A_313 = arith.addi %add3A_288, %add3A_312 : i32
        %dma_start3A_314 = arith.constant 0 : i32
        %dma_start3A_315 = tpu.memref_slice %arg5[%add3A_313, %dma_start3A_314] : memref<16x128xi32, #tpu.memory_space<vmem>> -> memref<1x128xi32, #tpu.memory_space<vmem>>
        %dma_start3A_316 = tpu.memref_squeeze %dma_start3A_315 : memref<1x128xi32, #tpu.memory_space<vmem>> -> memref<128xi32, #tpu.memory_space<vmem>>
        %dma_start3A_317 = arith.constant 0 : i32
        %dma_start3A_318 = arith.constant 0 : i32
        %dma_start3A_319 = tpu.memref_slice %arg2[%dma_start3A_317, %dma_start3A_318] : memref<10240x128xf32, #tpu.memory_space<hbm>> -> memref<10240x128xf32, #tpu.memory_space<hbm>>
        tpu.enqueue_indirect_dma source(%dma_start3A_319 : memref<10240x128xf32, #tpu.memory_space<hbm>>) target(%arg7 : memref<128x128xf32, #tpu.memory_space<vmem>>) offsets(%dma_start3A_316 : memref<128xi32, #tpu.memory_space<vmem>>) semaphore(%arg10 : memref<!tpu.dma_semaphore, #tpu.memory_space<semaphore_mem>>)
      } else {
      }
      "tpu.region"() ({
        %run_scoped3A_312 = tpu.sem_alloc : memref<!tpu.dma_semaphore, #tpu.memory_space<semaphore_mem>>
        %dma_start3A_313 = arith.constant 0 : i32
        %dma_start3A_314 = tpu.memref_slice %arg6[%add3A_288, %dma_start3A_313] : memref<16x128xi32, #tpu.memory_space<vmem>> -> memref<1x128xi32, #tpu.memory_space<vmem>>
        %dma_start3A_315 = tpu.memref_squeeze %dma_start3A_314 : memref<1x128xi32, #tpu.memory_space<vmem>> -> memref<128xi32, #tpu.memory_space<vmem>>
        %dma_start3A_316 = arith.constant 0 : i32
        %dma_start3A_317 = arith.constant 0 : i32
        %dma_start3A_318 = tpu.memref_slice %arg9[%dma_start3A_316, %dma_start3A_317] : memref<10240x128xf32, #tpu.memory_space<vmem_shared>> -> memref<10240x128xf32, #tpu.memory_space<vmem_shared>>
        tpu.enqueue_indirect_dma source(%arg8 : memref<128x128xf32, #tpu.memory_space<vmem>>) target(%dma_start3A_318 : memref<10240x128xf32, #tpu.memory_space<vmem_shared>>) offsets(%dma_start3A_315 : memref<128xi32, #tpu.memory_space<vmem>>) semaphore(%run_scoped3A_312 : memref<!tpu.dma_semaphore, #tpu.memory_space<semaphore_mem>>) {add = true}
        %dma_wait3A_319 = arith.constant 0 : i32
        %dma_wait3A_320 = tpu.memref_slice %arg6[%add3A_288, %dma_wait3A_319] : memref<16x128xi32, #tpu.memory_space<vmem>> -> memref<1x128xi32, #tpu.memory_space<vmem>>
        %dma_wait3A_321 = tpu.memref_squeeze %dma_wait3A_320 : memref<1x128xi32, #tpu.memory_space<vmem>> -> memref<128xi32, #tpu.memory_space<vmem>>
        %dma_wait3A_322 = arith.constant 0 : i32
        %dma_wait3A_323 = arith.constant 0 : i32
        %dma_wait3A_324 = tpu.memref_slice %arg9[%dma_wait3A_322, %dma_wait3A_323] : memref<10240x128xf32, #tpu.memory_space<vmem_shared>> -> memref<10240x128xf32, #tpu.memory_space<vmem_shared>>
        tpu.wait_indirect_dma semaphore(%run_scoped3A_312 : memref<!tpu.dma_semaphore, #tpu.memory_space<semaphore_mem>>) src(%arg8 : memref<128x128xf32, #tpu.memory_space<vmem>>) dst(%dma_wait3A_324 : memref<10240x128xf32, #tpu.memory_space<vmem_shared>>)
        tpu.yield
      }) : () -> ()
      %scan3A_311 = arith.constant 0 : i32
      scf.yield %scan3A_311 : i32
    }
    %scan3A_66 = arith.constant 8 : i32
    %mul3A_67 = arith.constant 80 : i32
    %mul3A_68 = arith.muli %add3A, %mul3A_67 : i32
    %add3A_69 = arith.constant 16 : i32
    %add3A_70 = arith.addi %mul3A_68, %add3A_69 : i32
    %dma_wait3A = arith.constant 0 : i32
    %dma_wait3A_71 = arith.constant 0 : i32
    %dma_wait3A_72 = tpu.memref_slice %arg3[%dma_wait3A, %add3A_70, %dma_wait3A_71] : memref<2x2560x128xi32, #tpu.memory_space<hbm>> -> memref<1x16x128xi32, #tpu.memory_space<hbm>>
    %dma_wait3A_73 = tpu.memref_squeeze %dma_wait3A_72 : memref<1x16x128xi32, #tpu.memory_space<hbm>> -> memref<16x128xi32, #tpu.memory_space<hbm>>
    %dma_wait3A_74 = arith.constant 0 : i32
    %dma_wait3A_75 = tpu.memref_slice %arg3[%dma_wait3A, %add3A_70, %dma_wait3A_74] : memref<2x2560x128xi32, #tpu.memory_space<hbm>> -> memref<1x16x128xi32, #tpu.memory_space<hbm>>
    %dma_wait3A_76 = tpu.memref_squeeze %dma_wait3A_75 : memref<1x16x128xi32, #tpu.memory_space<hbm>> -> memref<16x128xi32, #tpu.memory_space<hbm>>
    tpu.wait_dma2 semaphore(%arg16 : memref<!tpu.dma_semaphore, #tpu.memory_space<semaphore_mem>>) src(%dma_wait3A_76 : memref<16x128xi32, #tpu.memory_space<hbm>>) dst(%arg14 : memref<16x128xi32, #tpu.memory_space<vmem>>)
    %mul3A_77 = arith.constant 80 : i32
    %mul3A_78 = arith.muli %add3A, %mul3A_77 : i32
    %add3A_79 = arith.constant 16 : i32
    %add3A_80 = arith.addi %mul3A_78, %add3A_79 : i32
    %dma_wait3A_81 = arith.constant 1 : i32
    %dma_wait3A_82 = arith.constant 0 : i32
    %dma_wait3A_83 = tpu.memref_slice %arg3[%dma_wait3A_81, %add3A_80, %dma_wait3A_82] : memref<2x2560x128xi32, #tpu.memory_space<hbm>> -> memref<1x16x128xi32, #tpu.memory_space<hbm>>
    %dma_wait3A_84 = tpu.memref_squeeze %dma_wait3A_83 : memref<1x16x128xi32, #tpu.memory_space<hbm>> -> memref<16x128xi32, #tpu.memory_space<hbm>>
    %dma_wait3A_85 = arith.constant 0 : i32
    %dma_wait3A_86 = tpu.memref_slice %arg3[%dma_wait3A_81, %add3A_80, %dma_wait3A_85] : memref<2x2560x128xi32, #tpu.memory_space<hbm>> -> memref<1x16x128xi32, #tpu.memory_space<hbm>>
    %dma_wait3A_87 = tpu.memref_squeeze %dma_wait3A_86 : memref<1x16x128xi32, #tpu.memory_space<hbm>> -> memref<16x128xi32, #tpu.memory_space<hbm>>
    tpu.wait_dma2 semaphore(%arg17 : memref<!tpu.dma_semaphore, #tpu.memory_space<semaphore_mem>>) src(%dma_wait3A_87 : memref<16x128xi32, #tpu.memory_space<hbm>>) dst(%arg15 : memref<16x128xi32, #tpu.memory_space<vmem>>)
    %mul3A_88 = arith.constant 80 : i32
    %mul3A_89 = arith.muli %add3A, %mul3A_88 : i32
    %add3A_90 = arith.constant 32 : i32
    %add3A_91 = arith.addi %mul3A_89, %add3A_90 : i32
    %dma_start3A_92 = arith.constant 0 : i32
    %dma_start3A_93 = arith.constant 0 : i32
    %dma_start3A_94 = tpu.memref_slice %arg3[%dma_start3A_92, %add3A_91, %dma_start3A_93] : memref<2x2560x128xi32, #tpu.memory_space<hbm>> -> memref<1x16x128xi32, #tpu.memory_space<hbm>>
    %dma_start3A_95 = tpu.memref_squeeze %dma_start3A_94 : memref<1x16x128xi32, #tpu.memory_space<hbm>> -> memref<16x128xi32, #tpu.memory_space<hbm>>
    %dma_start3A_96 = arith.constant 0 : i32
    %dma_start3A_97 = tpu.memref_slice %arg3[%dma_start3A_92, %add3A_91, %dma_start3A_96] : memref<2x2560x128xi32, #tpu.memory_space<hbm>> -> memref<1x16x128xi32, #tpu.memory_space<hbm>>
    %dma_start3A_98 = tpu.memref_squeeze %dma_start3A_97 : memref<1x16x128xi32, #tpu.memory_space<hbm>> -> memref<16x128xi32, #tpu.memory_space<hbm>>
    tpu.enqueue_dma source(%dma_start3A_98 : memref<16x128xi32, #tpu.memory_space<hbm>>) target(%arg5 : memref<16x128xi32, #tpu.memory_space<vmem>>) target_semaphore(%arg16 : memref<!tpu.dma_semaphore, #tpu.memory_space<semaphore_mem>>)
    %mul3A_99 = arith.constant 80 : i32
    %mul3A_100 = arith.muli %add3A, %mul3A_99 : i32
    %add3A_101 = arith.constant 32 : i32
    %add3A_102 = arith.addi %mul3A_100, %add3A_101 : i32
    %dma_start3A_103 = arith.constant 1 : i32
    %dma_start3A_104 = arith.constant 0 : i32
    %dma_start3A_105 = tpu.memref_slice %arg3[%dma_start3A_103, %add3A_102, %dma_start3A_104] : memref<2x2560x128xi32, #tpu.memory_space<hbm>> -> memref<1x16x128xi32, #tpu.memory_space<hbm>>
    %dma_start3A_106 = tpu.memref_squeeze %dma_start3A_105 : memref<1x16x128xi32, #tpu.memory_space<hbm>> -> memref<16x128xi32, #tpu.memory_space<hbm>>
    %dma_start3A_107 = arith.constant 0 : i32
    %dma_start3A_108 = tpu.memref_slice %arg3[%dma_start3A_103, %add3A_102, %dma_start3A_107] : memref<2x2560x128xi32, #tpu.memory_space<hbm>> -> memref<1x16x128xi32, #tpu.memory_space<hbm>>
    %dma_start3A_109 = tpu.memref_squeeze %dma_start3A_108 : memref<1x16x128xi32, #tpu.memory_space<hbm>> -> memref<16x128xi32, #tpu.memory_space<hbm>>
    tpu.enqueue_dma source(%dma_start3A_109 : memref<16x128xi32, #tpu.memory_space<hbm>>) target(%arg6 : memref<16x128xi32, #tpu.memory_space<vmem>>) target_semaphore(%arg17 : memref<!tpu.dma_semaphore, #tpu.memory_space<semaphore_mem>>)
    %dma_start3A_110 = arith.constant 0 : i32
    %dma_start3A_111 = arith.constant 0 : i32
    %dma_start3A_112 = tpu.memref_slice %arg14[%dma_start3A_110, %dma_start3A_111] : memref<16x128xi32, #tpu.memory_space<vmem>> -> memref<1x128xi32, #tpu.memory_space<vmem>>
    %dma_start3A_113 = tpu.memref_squeeze %dma_start3A_112 : memref<1x128xi32, #tpu.memory_space<vmem>> -> memref<128xi32, #tpu.memory_space<vmem>>
    %dma_start3A_114 = arith.constant 0 : i32
    %dma_start3A_115 = arith.constant 0 : i32
    %dma_start3A_116 = tpu.memref_slice %arg2[%dma_start3A_114, %dma_start3A_115] : memref<10240x128xf32, #tpu.memory_space<hbm>> -> memref<10240x128xf32, #tpu.memory_space<hbm>>
    tpu.enqueue_indirect_dma source(%dma_start3A_116 : memref<10240x128xf32, #tpu.memory_space<hbm>>) target(%arg7 : memref<128x128xf32, #tpu.memory_space<vmem>>) offsets(%dma_start3A_113 : memref<128xi32, #tpu.memory_space<vmem>>) semaphore(%arg10 : memref<!tpu.dma_semaphore, #tpu.memory_space<semaphore_mem>>)
    %scan3A_117 = arith.constant 0 : i32
    %scan3A_118 = arith.constant 0 : i32
    %scan3A_119 = arith.constant 8 : i32
    %scan3A_120 = arith.addi %scan3A_118, %scan3A_119 : i32
    %scan3A_121 = arith.constant 1 : i32
    %scan3A_122 = scf.for %scan3A_281 = %scan3A_118 to %scan3A_120 step %scan3A_121 iter_args(%scan3A_282 = %scan3A_117) -> (i32)  : i32 {
      %mul3A_283 = arith.constant 2 : i32
      %mul3A_284 = arith.muli %mul3A_283, %scan3A_281 : i32
      %mul3A_285 = arith.constant 2 : i32
      %mul3A_286 = arith.muli %mul3A_285, %scan3A_281 : i32
      %add3A_287 = arith.constant 1 : i32
      %add3A_288 = arith.addi %mul3A_286, %add3A_287 : i32
      %dma_wait3A_289 = arith.constant 0 : i32
      %dma_wait3A_290 = tpu.memref_slice %arg14[%mul3A_284, %dma_wait3A_289] : memref<16x128xi32, #tpu.memory_space<vmem>> -> memref<1x128xi32, #tpu.memory_space<vmem>>
      %dma_wait3A_291 = tpu.memref_squeeze %dma_wait3A_290 : memref<1x128xi32, #tpu.memory_space<vmem>> -> memref<128xi32, #tpu.memory_space<vmem>>
      %dma_wait3A_292 = arith.constant 0 : i32
      %dma_wait3A_293 = arith.constant 0 : i32
      %dma_wait3A_294 = tpu.memref_slice %arg2[%dma_wait3A_292, %dma_wait3A_293] : memref<10240x128xf32, #tpu.memory_space<hbm>> -> memref<10240x128xf32, #tpu.memory_space<hbm>>
      tpu.wait_indirect_dma semaphore(%arg10 : memref<!tpu.dma_semaphore, #tpu.memory_space<semaphore_mem>>) src(%dma_wait3A_294 : memref<10240x128xf32, #tpu.memory_space<hbm>>) dst(%arg7 : memref<128x128xf32, #tpu.memory_space<vmem>>)
      %dma_start3A_295 = arith.constant 0 : i32
      %dma_start3A_296 = tpu.memref_slice %arg14[%add3A_288, %dma_start3A_295] : memref<16x128xi32, #tpu.memory_space<vmem>> -> memref<1x128xi32, #tpu.memory_space<vmem>>
      %dma_start3A_297 = tpu.memref_squeeze %dma_start3A_296 : memref<1x128xi32, #tpu.memory_space<vmem>> -> memref<128xi32, #tpu.memory_space<vmem>>
      %dma_start3A_298 = arith.constant 0 : i32
      %dma_start3A_299 = arith.constant 0 : i32
      %dma_start3A_300 = tpu.memref_slice %arg2[%dma_start3A_298, %dma_start3A_299] : memref<10240x128xf32, #tpu.memory_space<hbm>> -> memref<10240x128xf32, #tpu.memory_space<hbm>>
      tpu.enqueue_indirect_dma source(%dma_start3A_300 : memref<10240x128xf32, #tpu.memory_space<hbm>>) target(%arg8 : memref<128x128xf32, #tpu.memory_space<vmem>>) offsets(%dma_start3A_297 : memref<128xi32, #tpu.memory_space<vmem>>) semaphore(%arg11 : memref<!tpu.dma_semaphore, #tpu.memory_space<semaphore_mem>>)
      "tpu.region"() ({
        %run_scoped3A_312 = tpu.sem_alloc : memref<!tpu.dma_semaphore, #tpu.memory_space<semaphore_mem>>
        %dma_start3A_313 = arith.constant 0 : i32
        %dma_start3A_314 = tpu.memref_slice %arg15[%mul3A_284, %dma_start3A_313] : memref<16x128xi32, #tpu.memory_space<vmem>> -> memref<1x128xi32, #tpu.memory_space<vmem>>
        %dma_start3A_315 = tpu.memref_squeeze %dma_start3A_314 : memref<1x128xi32, #tpu.memory_space<vmem>> -> memref<128xi32, #tpu.memory_space<vmem>>
        %dma_start3A_316 = arith.constant 0 : i32
        %dma_start3A_317 = arith.constant 0 : i32
        %dma_start3A_318 = tpu.memref_slice %arg9[%dma_start3A_316, %dma_start3A_317] : memref<10240x128xf32, #tpu.memory_space<vmem_shared>> -> memref<10240x128xf32, #tpu.memory_space<vmem_shared>>
        tpu.enqueue_indirect_dma source(%arg7 : memref<128x128xf32, #tpu.memory_space<vmem>>) target(%dma_start3A_318 : memref<10240x128xf32, #tpu.memory_space<vmem_shared>>) offsets(%dma_start3A_315 : memref<128xi32, #tpu.memory_space<vmem>>) semaphore(%run_scoped3A_312 : memref<!tpu.dma_semaphore, #tpu.memory_space<semaphore_mem>>) {add = true}
        %dma_wait3A_319 = arith.constant 0 : i32
        %dma_wait3A_320 = tpu.memref_slice %arg15[%mul3A_284, %dma_wait3A_319] : memref<16x128xi32, #tpu.memory_space<vmem>> -> memref<1x128xi32, #tpu.memory_space<vmem>>
        %dma_wait3A_321 = tpu.memref_squeeze %dma_wait3A_320 : memref<1x128xi32, #tpu.memory_space<vmem>> -> memref<128xi32, #tpu.memory_space<vmem>>
        %dma_wait3A_322 = arith.constant 0 : i32
        %dma_wait3A_323 = arith.constant 0 : i32
        %dma_wait3A_324 = tpu.memref_slice %arg9[%dma_wait3A_322, %dma_wait3A_323] : memref<10240x128xf32, #tpu.memory_space<vmem_shared>> -> memref<10240x128xf32, #tpu.memory_space<vmem_shared>>
        tpu.wait_indirect_dma semaphore(%run_scoped3A_312 : memref<!tpu.dma_semaphore, #tpu.memory_space<semaphore_mem>>) src(%arg7 : memref<128x128xf32, #tpu.memory_space<vmem>>) dst(%dma_wait3A_324 : memref<10240x128xf32, #tpu.memory_space<vmem_shared>>)
        tpu.yield
      }) : () -> ()
      %dma_wait3A_301 = arith.constant 0 : i32
      %dma_wait3A_302 = tpu.memref_slice %arg14[%add3A_288, %dma_wait3A_301] : memref<16x128xi32, #tpu.memory_space<vmem>> -> memref<1x128xi32, #tpu.memory_space<vmem>>
      %dma_wait3A_303 = tpu.memref_squeeze %dma_wait3A_302 : memref<1x128xi32, #tpu.memory_space<vmem>> -> memref<128xi32, #tpu.memory_space<vmem>>
      %dma_wait3A_304 = arith.constant 0 : i32
      %dma_wait3A_305 = arith.constant 0 : i32
      %dma_wait3A_306 = tpu.memref_slice %arg2[%dma_wait3A_304, %dma_wait3A_305] : memref<10240x128xf32, #tpu.memory_space<hbm>> -> memref<10240x128xf32, #tpu.memory_space<hbm>>
      tpu.wait_indirect_dma semaphore(%arg11 : memref<!tpu.dma_semaphore, #tpu.memory_space<semaphore_mem>>) src(%dma_wait3A_306 : memref<10240x128xf32, #tpu.memory_space<hbm>>) dst(%arg8 : memref<128x128xf32, #tpu.memory_space<vmem>>)
      %add3A_307 = arith.constant 1 : i32
      %add3A_308 = arith.addi %add3A_288, %add3A_307 : i32
      %lt3A = arith.constant 16 : i32
      %lt3A_309 = arith.cmpi slt, %add3A_308, %lt3A : i32
      %convert_element_type3A = arith.extui %lt3A_309 : i1 to i32
      %cond3A = arith.constant 0 : i32
      %cond3A_310 = arith.cmpi ne, %convert_element_type3A, %cond3A : i32
      scf.if %cond3A_310 {
        %add3A_312 = arith.constant 1 : i32
        %add3A_313 = arith.addi %add3A_288, %add3A_312 : i32
        %dma_start3A_314 = arith.constant 0 : i32
        %dma_start3A_315 = tpu.memref_slice %arg14[%add3A_313, %dma_start3A_314] : memref<16x128xi32, #tpu.memory_space<vmem>> -> memref<1x128xi32, #tpu.memory_space<vmem>>
        %dma_start3A_316 = tpu.memref_squeeze %dma_start3A_315 : memref<1x128xi32, #tpu.memory_space<vmem>> -> memref<128xi32, #tpu.memory_space<vmem>>
        %dma_start3A_317 = arith.constant 0 : i32
        %dma_start3A_318 = arith.constant 0 : i32
        %dma_start3A_319 = tpu.memref_slice %arg2[%dma_start3A_317, %dma_start3A_318] : memref<10240x128xf32, #tpu.memory_space<hbm>> -> memref<10240x128xf32, #tpu.memory_space<hbm>>
        tpu.enqueue_indirect_dma source(%dma_start3A_319 : memref<10240x128xf32, #tpu.memory_space<hbm>>) target(%arg7 : memref<128x128xf32, #tpu.memory_space<vmem>>) offsets(%dma_start3A_316 : memref<128xi32, #tpu.memory_space<vmem>>) semaphore(%arg10 : memref<!tpu.dma_semaphore, #tpu.memory_space<semaphore_mem>>)
      } else {
      }
      "tpu.region"() ({
        %run_scoped3A_312 = tpu.sem_alloc : memref<!tpu.dma_semaphore, #tpu.memory_space<semaphore_mem>>
        %dma_start3A_313 = arith.constant 0 : i32
        %dma_start3A_314 = tpu.memref_slice %arg15[%add3A_288, %dma_start3A_313] : memref<16x128xi32, #tpu.memory_space<vmem>> -> memref<1x128xi32, #tpu.memory_space<vmem>>
        %dma_start3A_315 = tpu.memref_squeeze %dma_start3A_314 : memref<1x128xi32, #tpu.memory_space<vmem>> -> memref<128xi32, #tpu.memory_space<vmem>>
        %dma_start3A_316 = arith.constant 0 : i32
        %dma_start3A_317 = arith.constant 0 : i32
        %dma_start3A_318 = tpu.memref_slice %arg9[%dma_start3A_316, %dma_start3A_317] : memref<10240x128xf32, #tpu.memory_space<vmem_shared>> -> memref<10240x128xf32, #tpu.memory_space<vmem_shared>>
        tpu.enqueue_indirect_dma source(%arg8 : memref<128x128xf32, #tpu.memory_space<vmem>>) target(%dma_start3A_318 : memref<10240x128xf32, #tpu.memory_space<vmem_shared>>) offsets(%dma_start3A_315 : memref<128xi32, #tpu.memory_space<vmem>>) semaphore(%run_scoped3A_312 : memref<!tpu.dma_semaphore, #tpu.memory_space<semaphore_mem>>) {add = true}
        %dma_wait3A_319 = arith.constant 0 : i32
        %dma_wait3A_320 = tpu.memref_slice %arg15[%add3A_288, %dma_wait3A_319] : memref<16x128xi32, #tpu.memory_space<vmem>> -> memref<1x128xi32, #tpu.memory_space<vmem>>
        %dma_wait3A_321 = tpu.memref_squeeze %dma_wait3A_320 : memref<1x128xi32, #tpu.memory_space<vmem>> -> memref<128xi32, #tpu.memory_space<vmem>>
        %dma_wait3A_322 = arith.constant 0 : i32
        %dma_wait3A_323 = arith.constant 0 : i32
        %dma_wait3A_324 = tpu.memref_slice %arg9[%dma_wait3A_322, %dma_wait3A_323] : memref<10240x128xf32, #tpu.memory_space<vmem_shared>> -> memref<10240x128xf32, #tpu.memory_space<vmem_shared>>
        tpu.wait_indirect_dma semaphore(%run_scoped3A_312 : memref<!tpu.dma_semaphore, #tpu.memory_space<semaphore_mem>>) src(%arg8 : memref<128x128xf32, #tpu.memory_space<vmem>>) dst(%dma_wait3A_324 : memref<10240x128xf32, #tpu.memory_space<vmem_shared>>)
        tpu.yield
      }) : () -> ()
      %scan3A_311 = arith.constant 0 : i32
      scf.yield %scan3A_311 : i32
    }
    %scan3A_123 = arith.constant 8 : i32
    %mul3A_124 = arith.constant 80 : i32
    %mul3A_125 = arith.muli %add3A, %mul3A_124 : i32
    %add3A_126 = arith.constant 32 : i32
    %add3A_127 = arith.addi %mul3A_125, %add3A_126 : i32
    %dma_wait3A_128 = arith.constant 0 : i32
    %dma_wait3A_129 = arith.constant 0 : i32
    %dma_wait3A_130 = tpu.memref_slice %arg3[%dma_wait3A_128, %add3A_127, %dma_wait3A_129] : memref<2x2560x128xi32, #tpu.memory_space<hbm>> -> memref<1x16x128xi32, #tpu.memory_space<hbm>>
    %dma_wait3A_131 = tpu.memref_squeeze %dma_wait3A_130 : memref<1x16x128xi32, #tpu.memory_space<hbm>> -> memref<16x128xi32, #tpu.memory_space<hbm>>
    %dma_wait3A_132 = arith.constant 0 : i32
    %dma_wait3A_133 = tpu.memref_slice %arg3[%dma_wait3A_128, %add3A_127, %dma_wait3A_132] : memref<2x2560x128xi32, #tpu.memory_space<hbm>> -> memref<1x16x128xi32, #tpu.memory_space<hbm>>
    %dma_wait3A_134 = tpu.memref_squeeze %dma_wait3A_133 : memref<1x16x128xi32, #tpu.memory_space<hbm>> -> memref<16x128xi32, #tpu.memory_space<hbm>>
    tpu.wait_dma2 semaphore(%arg16 : memref<!tpu.dma_semaphore, #tpu.memory_space<semaphore_mem>>) src(%dma_wait3A_134 : memref<16x128xi32, #tpu.memory_space<hbm>>) dst(%arg5 : memref<16x128xi32, #tpu.memory_space<vmem>>)
    %mul3A_135 = arith.constant 80 : i32
    %mul3A_136 = arith.muli %add3A, %mul3A_135 : i32
    %add3A_137 = arith.constant 32 : i32
    %add3A_138 = arith.addi %mul3A_136, %add3A_137 : i32
    %dma_wait3A_139 = arith.constant 1 : i32
    %dma_wait3A_140 = arith.constant 0 : i32
    %dma_wait3A_141 = tpu.memref_slice %arg3[%dma_wait3A_139, %add3A_138, %dma_wait3A_140] : memref<2x2560x128xi32, #tpu.memory_space<hbm>> -> memref<1x16x128xi32, #tpu.memory_space<hbm>>
    %dma_wait3A_142 = tpu.memref_squeeze %dma_wait3A_141 : memref<1x16x128xi32, #tpu.memory_space<hbm>> -> memref<16x128xi32, #tpu.memory_space<hbm>>
    %dma_wait3A_143 = arith.constant 0 : i32
    %dma_wait3A_144 = tpu.memref_slice %arg3[%dma_wait3A_139, %add3A_138, %dma_wait3A_143] : memref<2x2560x128xi32, #tpu.memory_space<hbm>> -> memref<1x16x128xi32, #tpu.memory_space<hbm>>
    %dma_wait3A_145 = tpu.memref_squeeze %dma_wait3A_144 : memref<1x16x128xi32, #tpu.memory_space<hbm>> -> memref<16x128xi32, #tpu.memory_space<hbm>>
    tpu.wait_dma2 semaphore(%arg17 : memref<!tpu.dma_semaphore, #tpu.memory_space<semaphore_mem>>) src(%dma_wait3A_145 : memref<16x128xi32, #tpu.memory_space<hbm>>) dst(%arg6 : memref<16x128xi32, #tpu.memory_space<vmem>>)
    %mul3A_146 = arith.constant 80 : i32
    %mul3A_147 = arith.muli %add3A, %mul3A_146 : i32
    %add3A_148 = arith.constant 48 : i32
    %add3A_149 = arith.addi %mul3A_147, %add3A_148 : i32
    %dma_start3A_150 = arith.constant 0 : i32
    %dma_start3A_151 = arith.constant 0 : i32
    %dma_start3A_152 = tpu.memref_slice %arg3[%dma_start3A_150, %add3A_149, %dma_start3A_151] : memref<2x2560x128xi32, #tpu.memory_space<hbm>> -> memref<1x16x128xi32, #tpu.memory_space<hbm>>
    %dma_start3A_153 = tpu.memref_squeeze %dma_start3A_152 : memref<1x16x128xi32, #tpu.memory_space<hbm>> -> memref<16x128xi32, #tpu.memory_space<hbm>>
    %dma_start3A_154 = arith.constant 0 : i32
    %dma_start3A_155 = tpu.memref_slice %arg3[%dma_start3A_150, %add3A_149, %dma_start3A_154] : memref<2x2560x128xi32, #tpu.memory_space<hbm>> -> memref<1x16x128xi32, #tpu.memory_space<hbm>>
    %dma_start3A_156 = tpu.memref_squeeze %dma_start3A_155 : memref<1x16x128xi32, #tpu.memory_space<hbm>> -> memref<16x128xi32, #tpu.memory_space<hbm>>
    tpu.enqueue_dma source(%dma_start3A_156 : memref<16x128xi32, #tpu.memory_space<hbm>>) target(%arg14 : memref<16x128xi32, #tpu.memory_space<vmem>>) target_semaphore(%arg16 : memref<!tpu.dma_semaphore, #tpu.memory_space<semaphore_mem>>)
    %mul3A_157 = arith.constant 80 : i32
    %mul3A_158 = arith.muli %add3A, %mul3A_157 : i32
    %add3A_159 = arith.constant 48 : i32
    %add3A_160 = arith.addi %mul3A_158, %add3A_159 : i32
    %dma_start3A_161 = arith.constant 1 : i32
    %dma_start3A_162 = arith.constant 0 : i32
    %dma_start3A_163 = tpu.memref_slice %arg3[%dma_start3A_161, %add3A_160, %dma_start3A_162] : memref<2x2560x128xi32, #tpu.memory_space<hbm>> -> memref<1x16x128xi32, #tpu.memory_space<hbm>>
    %dma_start3A_164 = tpu.memref_squeeze %dma_start3A_163 : memref<1x16x128xi32, #tpu.memory_space<hbm>> -> memref<16x128xi32, #tpu.memory_space<hbm>>
    %dma_start3A_165 = arith.constant 0 : i32
    %dma_start3A_166 = tpu.memref_slice %arg3[%dma_start3A_161, %add3A_160, %dma_start3A_165] : memref<2x2560x128xi32, #tpu.memory_space<hbm>> -> memref<1x16x128xi32, #tpu.memory_space<hbm>>
    %dma_start3A_167 = tpu.memref_squeeze %dma_start3A_166 : memref<1x16x128xi32, #tpu.memory_space<hbm>> -> memref<16x128xi32, #tpu.memory_space<hbm>>
    tpu.enqueue_dma source(%dma_start3A_167 : memref<16x128xi32, #tpu.memory_space<hbm>>) target(%arg15 : memref<16x128xi32, #tpu.memory_space<vmem>>) target_semaphore(%arg17 : memref<!tpu.dma_semaphore, #tpu.memory_space<semaphore_mem>>)
    %dma_start3A_168 = arith.constant 0 : i32
    %dma_start3A_169 = arith.constant 0 : i32
    %dma_start3A_170 = tpu.memref_slice %arg5[%dma_start3A_168, %dma_start3A_169] : memref<16x128xi32, #tpu.memory_space<vmem>> -> memref<1x128xi32, #tpu.memory_space<vmem>>
    %dma_start3A_171 = tpu.memref_squeeze %dma_start3A_170 : memref<1x128xi32, #tpu.memory_space<vmem>> -> memref<128xi32, #tpu.memory_space<vmem>>
    %dma_start3A_172 = arith.constant 0 : i32
    %dma_start3A_173 = arith.constant 0 : i32
    %dma_start3A_174 = tpu.memref_slice %arg2[%dma_start3A_172, %dma_start3A_173] : memref<10240x128xf32, #tpu.memory_space<hbm>> -> memref<10240x128xf32, #tpu.memory_space<hbm>>
    tpu.enqueue_indirect_dma source(%dma_start3A_174 : memref<10240x128xf32, #tpu.memory_space<hbm>>) target(%arg7 : memref<128x128xf32, #tpu.memory_space<vmem>>) offsets(%dma_start3A_171 : memref<128xi32, #tpu.memory_space<vmem>>) semaphore(%arg10 : memref<!tpu.dma_semaphore, #tpu.memory_space<semaphore_mem>>)
    %scan3A_175 = arith.constant 0 : i32
    %scan3A_176 = arith.constant 0 : i32
    %scan3A_177 = arith.constant 8 : i32
    %scan3A_178 = arith.addi %scan3A_176, %scan3A_177 : i32
    %scan3A_179 = arith.constant 1 : i32
    %scan3A_180 = scf.for %scan3A_281 = %scan3A_176 to %scan3A_178 step %scan3A_179 iter_args(%scan3A_282 = %scan3A_175) -> (i32)  : i32 {
      %mul3A_283 = arith.constant 2 : i32
      %mul3A_284 = arith.muli %mul3A_283, %scan3A_281 : i32
      %mul3A_285 = arith.constant 2 : i32
      %mul3A_286 = arith.muli %mul3A_285, %scan3A_281 : i32
      %add3A_287 = arith.constant 1 : i32
      %add3A_288 = arith.addi %mul3A_286, %add3A_287 : i32
      %dma_wait3A_289 = arith.constant 0 : i32
      %dma_wait3A_290 = tpu.memref_slice %arg5[%mul3A_284, %dma_wait3A_289] : memref<16x128xi32, #tpu.memory_space<vmem>> -> memref<1x128xi32, #tpu.memory_space<vmem>>
      %dma_wait3A_291 = tpu.memref_squeeze %dma_wait3A_290 : memref<1x128xi32, #tpu.memory_space<vmem>> -> memref<128xi32, #tpu.memory_space<vmem>>
      %dma_wait3A_292 = arith.constant 0 : i32
      %dma_wait3A_293 = arith.constant 0 : i32
      %dma_wait3A_294 = tpu.memref_slice %arg2[%dma_wait3A_292, %dma_wait3A_293] : memref<10240x128xf32, #tpu.memory_space<hbm>> -> memref<10240x128xf32, #tpu.memory_space<hbm>>
      tpu.wait_indirect_dma semaphore(%arg10 : memref<!tpu.dma_semaphore, #tpu.memory_space<semaphore_mem>>) src(%dma_wait3A_294 : memref<10240x128xf32, #tpu.memory_space<hbm>>) dst(%arg7 : memref<128x128xf32, #tpu.memory_space<vmem>>)
      %dma_start3A_295 = arith.constant 0 : i32
      %dma_start3A_296 = tpu.memref_slice %arg5[%add3A_288, %dma_start3A_295] : memref<16x128xi32, #tpu.memory_space<vmem>> -> memref<1x128xi32, #tpu.memory_space<vmem>>
      %dma_start3A_297 = tpu.memref_squeeze %dma_start3A_296 : memref<1x128xi32, #tpu.memory_space<vmem>> -> memref<128xi32, #tpu.memory_space<vmem>>
      %dma_start3A_298 = arith.constant 0 : i32
      %dma_start3A_299 = arith.constant 0 : i32
      %dma_start3A_300 = tpu.memref_slice %arg2[%dma_start3A_298, %dma_start3A_299] : memref<10240x128xf32, #tpu.memory_space<hbm>> -> memref<10240x128xf32, #tpu.memory_space<hbm>>
      tpu.enqueue_indirect_dma source(%dma_start3A_300 : memref<10240x128xf32, #tpu.memory_space<hbm>>) target(%arg8 : memref<128x128xf32, #tpu.memory_space<vmem>>) offsets(%dma_start3A_297 : memref<128xi32, #tpu.memory_space<vmem>>) semaphore(%arg11 : memref<!tpu.dma_semaphore, #tpu.memory_space<semaphore_mem>>)
      "tpu.region"() ({
        %run_scoped3A_312 = tpu.sem_alloc : memref<!tpu.dma_semaphore, #tpu.memory_space<semaphore_mem>>
        %dma_start3A_313 = arith.constant 0 : i32
        %dma_start3A_314 = tpu.memref_slice %arg6[%mul3A_284, %dma_start3A_313] : memref<16x128xi32, #tpu.memory_space<vmem>> -> memref<1x128xi32, #tpu.memory_space<vmem>>
        %dma_start3A_315 = tpu.memref_squeeze %dma_start3A_314 : memref<1x128xi32, #tpu.memory_space<vmem>> -> memref<128xi32, #tpu.memory_space<vmem>>
        %dma_start3A_316 = arith.constant 0 : i32
        %dma_start3A_317 = arith.constant 0 : i32
        %dma_start3A_318 = tpu.memref_slice %arg9[%dma_start3A_316, %dma_start3A_317] : memref<10240x128xf32, #tpu.memory_space<vmem_shared>> -> memref<10240x128xf32, #tpu.memory_space<vmem_shared>>
        tpu.enqueue_indirect_dma source(%arg7 : memref<128x128xf32, #tpu.memory_space<vmem>>) target(%dma_start3A_318 : memref<10240x128xf32, #tpu.memory_space<vmem_shared>>) offsets(%dma_start3A_315 : memref<128xi32, #tpu.memory_space<vmem>>) semaphore(%run_scoped3A_312 : memref<!tpu.dma_semaphore, #tpu.memory_space<semaphore_mem>>) {add = true}
        %dma_wait3A_319 = arith.constant 0 : i32
        %dma_wait3A_320 = tpu.memref_slice %arg6[%mul3A_284, %dma_wait3A_319] : memref<16x128xi32, #tpu.memory_space<vmem>> -> memref<1x128xi32, #tpu.memory_space<vmem>>
        %dma_wait3A_321 = tpu.memref_squeeze %dma_wait3A_320 : memref<1x128xi32, #tpu.memory_space<vmem>> -> memref<128xi32, #tpu.memory_space<vmem>>
        %dma_wait3A_322 = arith.constant 0 : i32
        %dma_wait3A_323 = arith.constant 0 : i32
        %dma_wait3A_324 = tpu.memref_slice %arg9[%dma_wait3A_322, %dma_wait3A_323] : memref<10240x128xf32, #tpu.memory_space<vmem_shared>> -> memref<10240x128xf32, #tpu.memory_space<vmem_shared>>
        tpu.wait_indirect_dma semaphore(%run_scoped3A_312 : memref<!tpu.dma_semaphore, #tpu.memory_space<semaphore_mem>>) src(%arg7 : memref<128x128xf32, #tpu.memory_space<vmem>>) dst(%dma_wait3A_324 : memref<10240x128xf32, #tpu.memory_space<vmem_shared>>)
        tpu.yield
      }) : () -> ()
      %dma_wait3A_301 = arith.constant 0 : i32
      %dma_wait3A_302 = tpu.memref_slice %arg5[%add3A_288, %dma_wait3A_301] : memref<16x128xi32, #tpu.memory_space<vmem>> -> memref<1x128xi32, #tpu.memory_space<vmem>>
      %dma_wait3A_303 = tpu.memref_squeeze %dma_wait3A_302 : memref<1x128xi32, #tpu.memory_space<vmem>> -> memref<128xi32, #tpu.memory_space<vmem>>
      %dma_wait3A_304 = arith.constant 0 : i32
      %dma_wait3A_305 = arith.constant 0 : i32
      %dma_wait3A_306 = tpu.memref_slice %arg2[%dma_wait3A_304, %dma_wait3A_305] : memref<10240x128xf32, #tpu.memory_space<hbm>> -> memref<10240x128xf32, #tpu.memory_space<hbm>>
      tpu.wait_indirect_dma semaphore(%arg11 : memref<!tpu.dma_semaphore, #tpu.memory_space<semaphore_mem>>) src(%dma_wait3A_306 : memref<10240x128xf32, #tpu.memory_space<hbm>>) dst(%arg8 : memref<128x128xf32, #tpu.memory_space<vmem>>)
      %add3A_307 = arith.constant 1 : i32
      %add3A_308 = arith.addi %add3A_288, %add3A_307 : i32
      %lt3A = arith.constant 16 : i32
      %lt3A_309 = arith.cmpi slt, %add3A_308, %lt3A : i32
      %convert_element_type3A = arith.extui %lt3A_309 : i1 to i32
      %cond3A = arith.constant 0 : i32
      %cond3A_310 = arith.cmpi ne, %convert_element_type3A, %cond3A : i32
      scf.if %cond3A_310 {
        %add3A_312 = arith.constant 1 : i32
        %add3A_313 = arith.addi %add3A_288, %add3A_312 : i32
        %dma_start3A_314 = arith.constant 0 : i32
        %dma_start3A_315 = tpu.memref_slice %arg5[%add3A_313, %dma_start3A_314] : memref<16x128xi32, #tpu.memory_space<vmem>> -> memref<1x128xi32, #tpu.memory_space<vmem>>
        %dma_start3A_316 = tpu.memref_squeeze %dma_start3A_315 : memref<1x128xi32, #tpu.memory_space<vmem>> -> memref<128xi32, #tpu.memory_space<vmem>>
        %dma_start3A_317 = arith.constant 0 : i32
        %dma_start3A_318 = arith.constant 0 : i32
        %dma_start3A_319 = tpu.memref_slice %arg2[%dma_start3A_317, %dma_start3A_318] : memref<10240x128xf32, #tpu.memory_space<hbm>> -> memref<10240x128xf32, #tpu.memory_space<hbm>>
        tpu.enqueue_indirect_dma source(%dma_start3A_319 : memref<10240x128xf32, #tpu.memory_space<hbm>>) target(%arg7 : memref<128x128xf32, #tpu.memory_space<vmem>>) offsets(%dma_start3A_316 : memref<128xi32, #tpu.memory_space<vmem>>) semaphore(%arg10 : memref<!tpu.dma_semaphore, #tpu.memory_space<semaphore_mem>>)
      } else {
      }
      "tpu.region"() ({
        %run_scoped3A_312 = tpu.sem_alloc : memref<!tpu.dma_semaphore, #tpu.memory_space<semaphore_mem>>
        %dma_start3A_313 = arith.constant 0 : i32
        %dma_start3A_314 = tpu.memref_slice %arg6[%add3A_288, %dma_start3A_313] : memref<16x128xi32, #tpu.memory_space<vmem>> -> memref<1x128xi32, #tpu.memory_space<vmem>>
        %dma_start3A_315 = tpu.memref_squeeze %dma_start3A_314 : memref<1x128xi32, #tpu.memory_space<vmem>> -> memref<128xi32, #tpu.memory_space<vmem>>
        %dma_start3A_316 = arith.constant 0 : i32
        %dma_start3A_317 = arith.constant 0 : i32
        %dma_start3A_318 = tpu.memref_slice %arg9[%dma_start3A_316, %dma_start3A_317] : memref<10240x128xf32, #tpu.memory_space<vmem_shared>> -> memref<10240x128xf32, #tpu.memory_space<vmem_shared>>
        tpu.enqueue_indirect_dma source(%arg8 : memref<128x128xf32, #tpu.memory_space<vmem>>) target(%dma_start3A_318 : memref<10240x128xf32, #tpu.memory_space<vmem_shared>>) offsets(%dma_start3A_315 : memref<128xi32, #tpu.memory_space<vmem>>) semaphore(%run_scoped3A_312 : memref<!tpu.dma_semaphore, #tpu.memory_space<semaphore_mem>>) {add = true}
        %dma_wait3A_319 = arith.constant 0 : i32
        %dma_wait3A_320 = tpu.memref_slice %arg6[%add3A_288, %dma_wait3A_319] : memref<16x128xi32, #tpu.memory_space<vmem>> -> memref<1x128xi32, #tpu.memory_space<vmem>>
        %dma_wait3A_321 = tpu.memref_squeeze %dma_wait3A_320 : memref<1x128xi32, #tpu.memory_space<vmem>> -> memref<128xi32, #tpu.memory_space<vmem>>
        %dma_wait3A_322 = arith.constant 0 : i32
        %dma_wait3A_323 = arith.constant 0 : i32
        %dma_wait3A_324 = tpu.memref_slice %arg9[%dma_wait3A_322, %dma_wait3A_323] : memref<10240x128xf32, #tpu.memory_space<vmem_shared>> -> memref<10240x128xf32, #tpu.memory_space<vmem_shared>>
        tpu.wait_indirect_dma semaphore(%run_scoped3A_312 : memref<!tpu.dma_semaphore, #tpu.memory_space<semaphore_mem>>) src(%arg8 : memref<128x128xf32, #tpu.memory_space<vmem>>) dst(%dma_wait3A_324 : memref<10240x128xf32, #tpu.memory_space<vmem_shared>>)
        tpu.yield
      }) : () -> ()
      %scan3A_311 = arith.constant 0 : i32
      scf.yield %scan3A_311 : i32
    }
    %scan3A_181 = arith.constant 8 : i32
    %mul3A_182 = arith.constant 80 : i32
    %mul3A_183 = arith.muli %add3A, %mul3A_182 : i32
    %add3A_184 = arith.constant 48 : i32
    %add3A_185 = arith.addi %mul3A_183, %add3A_184 : i32
    %dma_wait3A_186 = arith.constant 0 : i32
    %dma_wait3A_187 = arith.constant 0 : i32
    %dma_wait3A_188 = tpu.memref_slice %arg3[%dma_wait3A_186, %add3A_185, %dma_wait3A_187] : memref<2x2560x128xi32, #tpu.memory_space<hbm>> -> memref<1x16x128xi32, #tpu.memory_space<hbm>>
    %dma_wait3A_189 = tpu.memref_squeeze %dma_wait3A_188 : memref<1x16x128xi32, #tpu.memory_space<hbm>> -> memref<16x128xi32, #tpu.memory_space<hbm>>
    %dma_wait3A_190 = arith.constant 0 : i32
    %dma_wait3A_191 = tpu.memref_slice %arg3[%dma_wait3A_186, %add3A_185, %dma_wait3A_190] : memref<2x2560x128xi32, #tpu.memory_space<hbm>> -> memref<1x16x128xi32, #tpu.memory_space<hbm>>
    %dma_wait3A_192 = tpu.memref_squeeze %dma_wait3A_191 : memref<1x16x128xi32, #tpu.memory_space<hbm>> -> memref<16x128xi32, #tpu.memory_space<hbm>>
    tpu.wait_dma2 semaphore(%arg16 : memref<!tpu.dma_semaphore, #tpu.memory_space<semaphore_mem>>) src(%dma_wait3A_192 : memref<16x128xi32, #tpu.memory_space<hbm>>) dst(%arg14 : memref<16x128xi32, #tpu.memory_space<vmem>>)
    %mul3A_193 = arith.constant 80 : i32
    %mul3A_194 = arith.muli %add3A, %mul3A_193 : i32
    %add3A_195 = arith.constant 48 : i32
    %add3A_196 = arith.addi %mul3A_194, %add3A_195 : i32
    %dma_wait3A_197 = arith.constant 1 : i32
    %dma_wait3A_198 = arith.constant 0 : i32
    %dma_wait3A_199 = tpu.memref_slice %arg3[%dma_wait3A_197, %add3A_196, %dma_wait3A_198] : memref<2x2560x128xi32, #tpu.memory_space<hbm>> -> memref<1x16x128xi32, #tpu.memory_space<hbm>>
    %dma_wait3A_200 = tpu.memref_squeeze %dma_wait3A_199 : memref<1x16x128xi32, #tpu.memory_space<hbm>> -> memref<16x128xi32, #tpu.memory_space<hbm>>
    %dma_wait3A_201 = arith.constant 0 : i32
    %dma_wait3A_202 = tpu.memref_slice %arg3[%dma_wait3A_197, %add3A_196, %dma_wait3A_201] : memref<2x2560x128xi32, #tpu.memory_space<hbm>> -> memref<1x16x128xi32, #tpu.memory_space<hbm>>
    %dma_wait3A_203 = tpu.memref_squeeze %dma_wait3A_202 : memref<1x16x128xi32, #tpu.memory_space<hbm>> -> memref<16x128xi32, #tpu.memory_space<hbm>>
    tpu.wait_dma2 semaphore(%arg17 : memref<!tpu.dma_semaphore, #tpu.memory_space<semaphore_mem>>) src(%dma_wait3A_203 : memref<16x128xi32, #tpu.memory_space<hbm>>) dst(%arg15 : memref<16x128xi32, #tpu.memory_space<vmem>>)
    %mul3A_204 = arith.constant 80 : i32
    %mul3A_205 = arith.muli %add3A, %mul3A_204 : i32
    %add3A_206 = arith.constant 64 : i32
    %add3A_207 = arith.addi %mul3A_205, %add3A_206 : i32
    %dma_start3A_208 = arith.constant 0 : i32
    %dma_start3A_209 = arith.constant 0 : i32
    %dma_start3A_210 = tpu.memref_slice %arg3[%dma_start3A_208, %add3A_207, %dma_start3A_209] : memref<2x2560x128xi32, #tpu.memory_space<hbm>> -> memref<1x16x128xi32, #tpu.memory_space<hbm>>
    %dma_start3A_211 = tpu.memref_squeeze %dma_start3A_210 : memref<1x16x128xi32, #tpu.memory_space<hbm>> -> memref<16x128xi32, #tpu.memory_space<hbm>>
    %dma_start3A_212 = arith.constant 0 : i32
    %dma_start3A_213 = tpu.memref_slice %arg3[%dma_start3A_208, %add3A_207, %dma_start3A_212] : memref<2x2560x128xi32, #tpu.memory_space<hbm>> -> memref<1x16x128xi32, #tpu.memory_space<hbm>>
    %dma_start3A_214 = tpu.memref_squeeze %dma_start3A_213 : memref<1x16x128xi32, #tpu.memory_space<hbm>> -> memref<16x128xi32, #tpu.memory_space<hbm>>
    tpu.enqueue_dma source(%dma_start3A_214 : memref<16x128xi32, #tpu.memory_space<hbm>>) target(%arg5 : memref<16x128xi32, #tpu.memory_space<vmem>>) target_semaphore(%arg16 : memref<!tpu.dma_semaphore, #tpu.memory_space<semaphore_mem>>)
    %mul3A_215 = arith.constant 80 : i32
    %mul3A_216 = arith.muli %add3A, %mul3A_215 : i32
    %add3A_217 = arith.constant 64 : i32
    %add3A_218 = arith.addi %mul3A_216, %add3A_217 : i32
    %dma_start3A_219 = arith.constant 1 : i32
    %dma_start3A_220 = arith.constant 0 : i32
    %dma_start3A_221 = tpu.memref_slice %arg3[%dma_start3A_219, %add3A_218, %dma_start3A_220] : memref<2x2560x128xi32, #tpu.memory_space<hbm>> -> memref<1x16x128xi32, #tpu.memory_space<hbm>>
    %dma_start3A_222 = tpu.memref_squeeze %dma_start3A_221 : memref<1x16x128xi32, #tpu.memory_space<hbm>> -> memref<16x128xi32, #tpu.memory_space<hbm>>
    %dma_start3A_223 = arith.constant 0 : i32
    %dma_start3A_224 = tpu.memref_slice %arg3[%dma_start3A_219, %add3A_218, %dma_start3A_223] : memref<2x2560x128xi32, #tpu.memory_space<hbm>> -> memref<1x16x128xi32, #tpu.memory_space<hbm>>
    %dma_start3A_225 = tpu.memref_squeeze %dma_start3A_224 : memref<1x16x128xi32, #tpu.memory_space<hbm>> -> memref<16x128xi32, #tpu.memory_space<hbm>>
    tpu.enqueue_dma source(%dma_start3A_225 : memref<16x128xi32, #tpu.memory_space<hbm>>) target(%arg6 : memref<16x128xi32, #tpu.memory_space<vmem>>) target_semaphore(%arg17 : memref<!tpu.dma_semaphore, #tpu.memory_space<semaphore_mem>>)
    %dma_start3A_226 = arith.constant 0 : i32
    %dma_start3A_227 = arith.constant 0 : i32
    %dma_start3A_228 = tpu.memref_slice %arg14[%dma_start3A_226, %dma_start3A_227] : memref<16x128xi32, #tpu.memory_space<vmem>> -> memref<1x128xi32, #tpu.memory_space<vmem>>
    %dma_start3A_229 = tpu.memref_squeeze %dma_start3A_228 : memref<1x128xi32, #tpu.memory_space<vmem>> -> memref<128xi32, #tpu.memory_space<vmem>>
    %dma_start3A_230 = arith.constant 0 : i32
    %dma_start3A_231 = arith.constant 0 : i32
    %dma_start3A_232 = tpu.memref_slice %arg2[%dma_start3A_230, %dma_start3A_231] : memref<10240x128xf32, #tpu.memory_space<hbm>> -> memref<10240x128xf32, #tpu.memory_space<hbm>>
    tpu.enqueue_indirect_dma source(%dma_start3A_232 : memref<10240x128xf32, #tpu.memory_space<hbm>>) target(%arg7 : memref<128x128xf32, #tpu.memory_space<vmem>>) offsets(%dma_start3A_229 : memref<128xi32, #tpu.memory_space<vmem>>) semaphore(%arg10 : memref<!tpu.dma_semaphore, #tpu.memory_space<semaphore_mem>>)
    %scan3A_233 = arith.constant 0 : i32
    %scan3A_234 = arith.constant 0 : i32
    %scan3A_235 = arith.constant 8 : i32
    %scan3A_236 = arith.addi %scan3A_234, %scan3A_235 : i32
    %scan3A_237 = arith.constant 1 : i32
    %scan3A_238 = scf.for %scan3A_281 = %scan3A_234 to %scan3A_236 step %scan3A_237 iter_args(%scan3A_282 = %scan3A_233) -> (i32)  : i32 {
      %mul3A_283 = arith.constant 2 : i32
      %mul3A_284 = arith.muli %mul3A_283, %scan3A_281 : i32
      %mul3A_285 = arith.constant 2 : i32
      %mul3A_286 = arith.muli %mul3A_285, %scan3A_281 : i32
      %add3A_287 = arith.constant 1 : i32
      %add3A_288 = arith.addi %mul3A_286, %add3A_287 : i32
      %dma_wait3A_289 = arith.constant 0 : i32
      %dma_wait3A_290 = tpu.memref_slice %arg14[%mul3A_284, %dma_wait3A_289] : memref<16x128xi32, #tpu.memory_space<vmem>> -> memref<1x128xi32, #tpu.memory_space<vmem>>
      %dma_wait3A_291 = tpu.memref_squeeze %dma_wait3A_290 : memref<1x128xi32, #tpu.memory_space<vmem>> -> memref<128xi32, #tpu.memory_space<vmem>>
      %dma_wait3A_292 = arith.constant 0 : i32
      %dma_wait3A_293 = arith.constant 0 : i32
      %dma_wait3A_294 = tpu.memref_slice %arg2[%dma_wait3A_292, %dma_wait3A_293] : memref<10240x128xf32, #tpu.memory_space<hbm>> -> memref<10240x128xf32, #tpu.memory_space<hbm>>
      tpu.wait_indirect_dma semaphore(%arg10 : memref<!tpu.dma_semaphore, #tpu.memory_space<semaphore_mem>>) src(%dma_wait3A_294 : memref<10240x128xf32, #tpu.memory_space<hbm>>) dst(%arg7 : memref<128x128xf32, #tpu.memory_space<vmem>>)
      %dma_start3A_295 = arith.constant 0 : i32
      %dma_start3A_296 = tpu.memref_slice %arg14[%add3A_288, %dma_start3A_295] : memref<16x128xi32, #tpu.memory_space<vmem>> -> memref<1x128xi32, #tpu.memory_space<vmem>>
      %dma_start3A_297 = tpu.memref_squeeze %dma_start3A_296 : memref<1x128xi32, #tpu.memory_space<vmem>> -> memref<128xi32, #tpu.memory_space<vmem>>
      %dma_start3A_298 = arith.constant 0 : i32
      %dma_start3A_299 = arith.constant 0 : i32
      %dma_start3A_300 = tpu.memref_slice %arg2[%dma_start3A_298, %dma_start3A_299] : memref<10240x128xf32, #tpu.memory_space<hbm>> -> memref<10240x128xf32, #tpu.memory_space<hbm>>
      tpu.enqueue_indirect_dma source(%dma_start3A_300 : memref<10240x128xf32, #tpu.memory_space<hbm>>) target(%arg8 : memref<128x128xf32, #tpu.memory_space<vmem>>) offsets(%dma_start3A_297 : memref<128xi32, #tpu.memory_space<vmem>>) semaphore(%arg11 : memref<!tpu.dma_semaphore, #tpu.memory_space<semaphore_mem>>)
      "tpu.region"() ({
        %run_scoped3A_312 = tpu.sem_alloc : memref<!tpu.dma_semaphore, #tpu.memory_space<semaphore_mem>>
        %dma_start3A_313 = arith.constant 0 : i32
        %dma_start3A_314 = tpu.memref_slice %arg15[%mul3A_284, %dma_start3A_313] : memref<16x128xi32, #tpu.memory_space<vmem>> -> memref<1x128xi32, #tpu.memory_space<vmem>>
        %dma_start3A_315 = tpu.memref_squeeze %dma_start3A_314 : memref<1x128xi32, #tpu.memory_space<vmem>> -> memref<128xi32, #tpu.memory_space<vmem>>
        %dma_start3A_316 = arith.constant 0 : i32
        %dma_start3A_317 = arith.constant 0 : i32
        %dma_start3A_318 = tpu.memref_slice %arg9[%dma_start3A_316, %dma_start3A_317] : memref<10240x128xf32, #tpu.memory_space<vmem_shared>> -> memref<10240x128xf32, #tpu.memory_space<vmem_shared>>
        tpu.enqueue_indirect_dma source(%arg7 : memref<128x128xf32, #tpu.memory_space<vmem>>) target(%dma_start3A_318 : memref<10240x128xf32, #tpu.memory_space<vmem_shared>>) offsets(%dma_start3A_315 : memref<128xi32, #tpu.memory_space<vmem>>) semaphore(%run_scoped3A_312 : memref<!tpu.dma_semaphore, #tpu.memory_space<semaphore_mem>>) {add = true}
        %dma_wait3A_319 = arith.constant 0 : i32
        %dma_wait3A_320 = tpu.memref_slice %arg15[%mul3A_284, %dma_wait3A_319] : memref<16x128xi32, #tpu.memory_space<vmem>> -> memref<1x128xi32, #tpu.memory_space<vmem>>
        %dma_wait3A_321 = tpu.memref_squeeze %dma_wait3A_320 : memref<1x128xi32, #tpu.memory_space<vmem>> -> memref<128xi32, #tpu.memory_space<vmem>>
        %dma_wait3A_322 = arith.constant 0 : i32
        %dma_wait3A_323 = arith.constant 0 : i32
        %dma_wait3A_324 = tpu.memref_slice %arg9[%dma_wait3A_322, %dma_wait3A_323] : memref<10240x128xf32, #tpu.memory_space<vmem_shared>> -> memref<10240x128xf32, #tpu.memory_space<vmem_shared>>
        tpu.wait_indirect_dma semaphore(%run_scoped3A_312 : memref<!tpu.dma_semaphore, #tpu.memory_space<semaphore_mem>>) src(%arg7 : memref<128x128xf32, #tpu.memory_space<vmem>>) dst(%dma_wait3A_324 : memref<10240x128xf32, #tpu.memory_space<vmem_shared>>)
        tpu.yield
      }) : () -> ()
      %dma_wait3A_301 = arith.constant 0 : i32
      %dma_wait3A_302 = tpu.memref_slice %arg14[%add3A_288, %dma_wait3A_301] : memref<16x128xi32, #tpu.memory_space<vmem>> -> memref<1x128xi32, #tpu.memory_space<vmem>>
      %dma_wait3A_303 = tpu.memref_squeeze %dma_wait3A_302 : memref<1x128xi32, #tpu.memory_space<vmem>> -> memref<128xi32, #tpu.memory_space<vmem>>
      %dma_wait3A_304 = arith.constant 0 : i32
      %dma_wait3A_305 = arith.constant 0 : i32
      %dma_wait3A_306 = tpu.memref_slice %arg2[%dma_wait3A_304, %dma_wait3A_305] : memref<10240x128xf32, #tpu.memory_space<hbm>> -> memref<10240x128xf32, #tpu.memory_space<hbm>>
      tpu.wait_indirect_dma semaphore(%arg11 : memref<!tpu.dma_semaphore, #tpu.memory_space<semaphore_mem>>) src(%dma_wait3A_306 : memref<10240x128xf32, #tpu.memory_space<hbm>>) dst(%arg8 : memref<128x128xf32, #tpu.memory_space<vmem>>)
      %add3A_307 = arith.constant 1 : i32
      %add3A_308 = arith.addi %add3A_288, %add3A_307 : i32
      %lt3A = arith.constant 16 : i32
      %lt3A_309 = arith.cmpi slt, %add3A_308, %lt3A : i32
      %convert_element_type3A = arith.extui %lt3A_309 : i1 to i32
      %cond3A = arith.constant 0 : i32
      %cond3A_310 = arith.cmpi ne, %convert_element_type3A, %cond3A : i32
      scf.if %cond3A_310 {
        %add3A_312 = arith.constant 1 : i32
        %add3A_313 = arith.addi %add3A_288, %add3A_312 : i32
        %dma_start3A_314 = arith.constant 0 : i32
        %dma_start3A_315 = tpu.memref_slice %arg14[%add3A_313, %dma_start3A_314] : memref<16x128xi32, #tpu.memory_space<vmem>> -> memref<1x128xi32, #tpu.memory_space<vmem>>
        %dma_start3A_316 = tpu.memref_squeeze %dma_start3A_315 : memref<1x128xi32, #tpu.memory_space<vmem>> -> memref<128xi32, #tpu.memory_space<vmem>>
        %dma_start3A_317 = arith.constant 0 : i32
        %dma_start3A_318 = arith.constant 0 : i32
        %dma_start3A_319 = tpu.memref_slice %arg2[%dma_start3A_317, %dma_start3A_318] : memref<10240x128xf32, #tpu.memory_space<hbm>> -> memref<10240x128xf32, #tpu.memory_space<hbm>>
        tpu.enqueue_indirect_dma source(%dma_start3A_319 : memref<10240x128xf32, #tpu.memory_space<hbm>>) target(%arg7 : memref<128x128xf32, #tpu.memory_space<vmem>>) offsets(%dma_start3A_316 : memref<128xi32, #tpu.memory_space<vmem>>) semaphore(%arg10 : memref<!tpu.dma_semaphore, #tpu.memory_space<semaphore_mem>>)
      } else {
      }
      "tpu.region"() ({
        %run_scoped3A_312 = tpu.sem_alloc : memref<!tpu.dma_semaphore, #tpu.memory_space<semaphore_mem>>
        %dma_start3A_313 = arith.constant 0 : i32
        %dma_start3A_314 = tpu.memref_slice %arg15[%add3A_288, %dma_start3A_313] : memref<16x128xi32, #tpu.memory_space<vmem>> -> memref<1x128xi32, #tpu.memory_space<vmem>>
        %dma_start3A_315 = tpu.memref_squeeze %dma_start3A_314 : memref<1x128xi32, #tpu.memory_space<vmem>> -> memref<128xi32, #tpu.memory_space<vmem>>
        %dma_start3A_316 = arith.constant 0 : i32
        %dma_start3A_317 = arith.constant 0 : i32
        %dma_start3A_318 = tpu.memref_slice %arg9[%dma_start3A_316, %dma_start3A_317] : memref<10240x128xf32, #tpu.memory_space<vmem_shared>> -> memref<10240x128xf32, #tpu.memory_space<vmem_shared>>
        tpu.enqueue_indirect_dma source(%arg8 : memref<128x128xf32, #tpu.memory_space<vmem>>) target(%dma_start3A_318 : memref<10240x128xf32, #tpu.memory_space<vmem_shared>>) offsets(%dma_start3A_315 : memref<128xi32, #tpu.memory_space<vmem>>) semaphore(%run_scoped3A_312 : memref<!tpu.dma_semaphore, #tpu.memory_space<semaphore_mem>>) {add = true}
        %dma_wait3A_319 = arith.constant 0 : i32
        %dma_wait3A_320 = tpu.memref_slice %arg15[%add3A_288, %dma_wait3A_319] : memref<16x128xi32, #tpu.memory_space<vmem>> -> memref<1x128xi32, #tpu.memory_space<vmem>>
        %dma_wait3A_321 = tpu.memref_squeeze %dma_wait3A_320 : memref<1x128xi32, #tpu.memory_space<vmem>> -> memref<128xi32, #tpu.memory_space<vmem>>
        %dma_wait3A_322 = arith.constant 0 : i32
        %dma_wait3A_323 = arith.constant 0 : i32
        %dma_wait3A_324 = tpu.memref_slice %arg9[%dma_wait3A_322, %dma_wait3A_323] : memref<10240x128xf32, #tpu.memory_space<vmem_shared>> -> memref<10240x128xf32, #tpu.memory_space<vmem_shared>>
        tpu.wait_indirect_dma semaphore(%run_scoped3A_312 : memref<!tpu.dma_semaphore, #tpu.memory_space<semaphore_mem>>) src(%arg8 : memref<128x128xf32, #tpu.memory_space<vmem>>) dst(%dma_wait3A_324 : memref<10240x128xf32, #tpu.memory_space<vmem_shared>>)
        tpu.yield
      }) : () -> ()
      %scan3A_311 = arith.constant 0 : i32
      scf.yield %scan3A_311 : i32
    }
    %scan3A_239 = arith.constant 8 : i32
    %mul3A_240 = arith.constant 80 : i32
    %mul3A_241 = arith.muli %add3A, %mul3A_240 : i32
    %add3A_242 = arith.constant 64 : i32
    %add3A_243 = arith.addi %mul3A_241, %add3A_242 : i32
    %dma_wait3A_244 = arith.constant 0 : i32
    %dma_wait3A_245 = arith.constant 0 : i32
    %dma_wait3A_246 = tpu.memref_slice %arg3[%dma_wait3A_244, %add3A_243, %dma_wait3A_245] : memref<2x2560x128xi32, #tpu.memory_space<hbm>> -> memref<1x16x128xi32, #tpu.memory_space<hbm>>
    %dma_wait3A_247 = tpu.memref_squeeze %dma_wait3A_246 : memref<1x16x128xi32, #tpu.memory_space<hbm>> -> memref<16x128xi32, #tpu.memory_space<hbm>>
    %dma_wait3A_248 = arith.constant 0 : i32
    %dma_wait3A_249 = tpu.memref_slice %arg3[%dma_wait3A_244, %add3A_243, %dma_wait3A_248] : memref<2x2560x128xi32, #tpu.memory_space<hbm>> -> memref<1x16x128xi32, #tpu.memory_space<hbm>>
    %dma_wait3A_250 = tpu.memref_squeeze %dma_wait3A_249 : memref<1x16x128xi32, #tpu.memory_space<hbm>> -> memref<16x128xi32, #tpu.memory_space<hbm>>
    tpu.wait_dma2 semaphore(%arg16 : memref<!tpu.dma_semaphore, #tpu.memory_space<semaphore_mem>>) src(%dma_wait3A_250 : memref<16x128xi32, #tpu.memory_space<hbm>>) dst(%arg5 : memref<16x128xi32, #tpu.memory_space<vmem>>)
    %mul3A_251 = arith.constant 80 : i32
    %mul3A_252 = arith.muli %add3A, %mul3A_251 : i32
    %add3A_253 = arith.constant 64 : i32
    %add3A_254 = arith.addi %mul3A_252, %add3A_253 : i32
    %dma_wait3A_255 = arith.constant 1 : i32
    %dma_wait3A_256 = arith.constant 0 : i32
    %dma_wait3A_257 = tpu.memref_slice %arg3[%dma_wait3A_255, %add3A_254, %dma_wait3A_256] : memref<2x2560x128xi32, #tpu.memory_space<hbm>> -> memref<1x16x128xi32, #tpu.memory_space<hbm>>
    %dma_wait3A_258 = tpu.memref_squeeze %dma_wait3A_257 : memref<1x16x128xi32, #tpu.memory_space<hbm>> -> memref<16x128xi32, #tpu.memory_space<hbm>>
    %dma_wait3A_259 = arith.constant 0 : i32
    %dma_wait3A_260 = tpu.memref_slice %arg3[%dma_wait3A_255, %add3A_254, %dma_wait3A_259] : memref<2x2560x128xi32, #tpu.memory_space<hbm>> -> memref<1x16x128xi32, #tpu.memory_space<hbm>>
    %dma_wait3A_261 = tpu.memref_squeeze %dma_wait3A_260 : memref<1x16x128xi32, #tpu.memory_space<hbm>> -> memref<16x128xi32, #tpu.memory_space<hbm>>
    tpu.wait_dma2 semaphore(%arg17 : memref<!tpu.dma_semaphore, #tpu.memory_space<semaphore_mem>>) src(%dma_wait3A_261 : memref<16x128xi32, #tpu.memory_space<hbm>>) dst(%arg6 : memref<16x128xi32, #tpu.memory_space<vmem>>)
    %dma_start3A_262 = arith.constant 0 : i32
    %dma_start3A_263 = arith.constant 0 : i32
    %dma_start3A_264 = tpu.memref_slice %arg5[%dma_start3A_262, %dma_start3A_263] : memref<16x128xi32, #tpu.memory_space<vmem>> -> memref<1x128xi32, #tpu.memory_space<vmem>>
    %dma_start3A_265 = tpu.memref_squeeze %dma_start3A_264 : memref<1x128xi32, #tpu.memory_space<vmem>> -> memref<128xi32, #tpu.memory_space<vmem>>
    %dma_start3A_266 = arith.constant 0 : i32
    %dma_start3A_267 = arith.constant 0 : i32
    %dma_start3A_268 = tpu.memref_slice %arg2[%dma_start3A_266, %dma_start3A_267] : memref<10240x128xf32, #tpu.memory_space<hbm>> -> memref<10240x128xf32, #tpu.memory_space<hbm>>
    tpu.enqueue_indirect_dma source(%dma_start3A_268 : memref<10240x128xf32, #tpu.memory_space<hbm>>) target(%arg7 : memref<128x128xf32, #tpu.memory_space<vmem>>) offsets(%dma_start3A_265 : memref<128xi32, #tpu.memory_space<vmem>>) semaphore(%arg10 : memref<!tpu.dma_semaphore, #tpu.memory_space<semaphore_mem>>)
    %scan3A_269 = arith.constant 0 : i32
    %scan3A_270 = arith.constant 0 : i32
    %scan3A_271 = arith.constant 8 : i32
    %scan3A_272 = arith.addi %scan3A_270, %scan3A_271 : i32
    %scan3A_273 = arith.constant 1 : i32
    %scan3A_274 = scf.for %scan3A_281 = %scan3A_270 to %scan3A_272 step %scan3A_273 iter_args(%scan3A_282 = %scan3A_269) -> (i32)  : i32 {
      %mul3A_283 = arith.constant 2 : i32
      %mul3A_284 = arith.muli %mul3A_283, %scan3A_281 : i32
      %mul3A_285 = arith.constant 2 : i32
      %mul3A_286 = arith.muli %mul3A_285, %scan3A_281 : i32
      %add3A_287 = arith.constant 1 : i32
      %add3A_288 = arith.addi %mul3A_286, %add3A_287 : i32
      %dma_wait3A_289 = arith.constant 0 : i32
      %dma_wait3A_290 = tpu.memref_slice %arg5[%mul3A_284, %dma_wait3A_289] : memref<16x128xi32, #tpu.memory_space<vmem>> -> memref<1x128xi32, #tpu.memory_space<vmem>>
      %dma_wait3A_291 = tpu.memref_squeeze %dma_wait3A_290 : memref<1x128xi32, #tpu.memory_space<vmem>> -> memref<128xi32, #tpu.memory_space<vmem>>
      %dma_wait3A_292 = arith.constant 0 : i32
      %dma_wait3A_293 = arith.constant 0 : i32
      %dma_wait3A_294 = tpu.memref_slice %arg2[%dma_wait3A_292, %dma_wait3A_293] : memref<10240x128xf32, #tpu.memory_space<hbm>> -> memref<10240x128xf32, #tpu.memory_space<hbm>>
      tpu.wait_indirect_dma semaphore(%arg10 : memref<!tpu.dma_semaphore, #tpu.memory_space<semaphore_mem>>) src(%dma_wait3A_294 : memref<10240x128xf32, #tpu.memory_space<hbm>>) dst(%arg7 : memref<128x128xf32, #tpu.memory_space<vmem>>)
      %dma_start3A_295 = arith.constant 0 : i32
      %dma_start3A_296 = tpu.memref_slice %arg5[%add3A_288, %dma_start3A_295] : memref<16x128xi32, #tpu.memory_space<vmem>> -> memref<1x128xi32, #tpu.memory_space<vmem>>
      %dma_start3A_297 = tpu.memref_squeeze %dma_start3A_296 : memref<1x128xi32, #tpu.memory_space<vmem>> -> memref<128xi32, #tpu.memory_space<vmem>>
      %dma_start3A_298 = arith.constant 0 : i32
      %dma_start3A_299 = arith.constant 0 : i32
      %dma_start3A_300 = tpu.memref_slice %arg2[%dma_start3A_298, %dma_start3A_299] : memref<10240x128xf32, #tpu.memory_space<hbm>> -> memref<10240x128xf32, #tpu.memory_space<hbm>>
      tpu.enqueue_indirect_dma source(%dma_start3A_300 : memref<10240x128xf32, #tpu.memory_space<hbm>>) target(%arg8 : memref<128x128xf32, #tpu.memory_space<vmem>>) offsets(%dma_start3A_297 : memref<128xi32, #tpu.memory_space<vmem>>) semaphore(%arg11 : memref<!tpu.dma_semaphore, #tpu.memory_space<semaphore_mem>>)
      "tpu.region"() ({
        %run_scoped3A_312 = tpu.sem_alloc : memref<!tpu.dma_semaphore, #tpu.memory_space<semaphore_mem>>
        %dma_start3A_313 = arith.constant 0 : i32
        %dma_start3A_314 = tpu.memref_slice %arg6[%mul3A_284, %dma_start3A_313] : memref<16x128xi32, #tpu.memory_space<vmem>> -> memref<1x128xi32, #tpu.memory_space<vmem>>
        %dma_start3A_315 = tpu.memref_squeeze %dma_start3A_314 : memref<1x128xi32, #tpu.memory_space<vmem>> -> memref<128xi32, #tpu.memory_space<vmem>>
        %dma_start3A_316 = arith.constant 0 : i32
        %dma_start3A_317 = arith.constant 0 : i32
        %dma_start3A_318 = tpu.memref_slice %arg9[%dma_start3A_316, %dma_start3A_317] : memref<10240x128xf32, #tpu.memory_space<vmem_shared>> -> memref<10240x128xf32, #tpu.memory_space<vmem_shared>>
        tpu.enqueue_indirect_dma source(%arg7 : memref<128x128xf32, #tpu.memory_space<vmem>>) target(%dma_start3A_318 : memref<10240x128xf32, #tpu.memory_space<vmem_shared>>) offsets(%dma_start3A_315 : memref<128xi32, #tpu.memory_space<vmem>>) semaphore(%run_scoped3A_312 : memref<!tpu.dma_semaphore, #tpu.memory_space<semaphore_mem>>) {add = true}
        %dma_wait3A_319 = arith.constant 0 : i32
        %dma_wait3A_320 = tpu.memref_slice %arg6[%mul3A_284, %dma_wait3A_319] : memref<16x128xi32, #tpu.memory_space<vmem>> -> memref<1x128xi32, #tpu.memory_space<vmem>>
        %dma_wait3A_321 = tpu.memref_squeeze %dma_wait3A_320 : memref<1x128xi32, #tpu.memory_space<vmem>> -> memref<128xi32, #tpu.memory_space<vmem>>
        %dma_wait3A_322 = arith.constant 0 : i32
        %dma_wait3A_323 = arith.constant 0 : i32
        %dma_wait3A_324 = tpu.memref_slice %arg9[%dma_wait3A_322, %dma_wait3A_323] : memref<10240x128xf32, #tpu.memory_space<vmem_shared>> -> memref<10240x128xf32, #tpu.memory_space<vmem_shared>>
        tpu.wait_indirect_dma semaphore(%run_scoped3A_312 : memref<!tpu.dma_semaphore, #tpu.memory_space<semaphore_mem>>) src(%arg7 : memref<128x128xf32, #tpu.memory_space<vmem>>) dst(%dma_wait3A_324 : memref<10240x128xf32, #tpu.memory_space<vmem_shared>>)
        tpu.yield
      }) : () -> ()
      %dma_wait3A_301 = arith.constant 0 : i32
      %dma_wait3A_302 = tpu.memref_slice %arg5[%add3A_288, %dma_wait3A_301] : memref<16x128xi32, #tpu.memory_space<vmem>> -> memref<1x128xi32, #tpu.memory_space<vmem>>
      %dma_wait3A_303 = tpu.memref_squeeze %dma_wait3A_302 : memref<1x128xi32, #tpu.memory_space<vmem>> -> memref<128xi32, #tpu.memory_space<vmem>>
      %dma_wait3A_304 = arith.constant 0 : i32
      %dma_wait3A_305 = arith.constant 0 : i32
      %dma_wait3A_306 = tpu.memref_slice %arg2[%dma_wait3A_304, %dma_wait3A_305] : memref<10240x128xf32, #tpu.memory_space<hbm>> -> memref<10240x128xf32, #tpu.memory_space<hbm>>
      tpu.wait_indirect_dma semaphore(%arg11 : memref<!tpu.dma_semaphore, #tpu.memory_space<semaphore_mem>>) src(%dma_wait3A_306 : memref<10240x128xf32, #tpu.memory_space<hbm>>) dst(%arg8 : memref<128x128xf32, #tpu.memory_space<vmem>>)
      %add3A_307 = arith.constant 1 : i32
      %add3A_308 = arith.addi %add3A_288, %add3A_307 : i32
      %lt3A = arith.constant 16 : i32
      %lt3A_309 = arith.cmpi slt, %add3A_308, %lt3A : i32
      %convert_element_type3A = arith.extui %lt3A_309 : i1 to i32
      %cond3A = arith.constant 0 : i32
      %cond3A_310 = arith.cmpi ne, %convert_element_type3A, %cond3A : i32
      scf.if %cond3A_310 {
        %add3A_312 = arith.constant 1 : i32
        %add3A_313 = arith.addi %add3A_288, %add3A_312 : i32
        %dma_start3A_314 = arith.constant 0 : i32
        %dma_start3A_315 = tpu.memref_slice %arg5[%add3A_313, %dma_start3A_314] : memref<16x128xi32, #tpu.memory_space<vmem>> -> memref<1x128xi32, #tpu.memory_space<vmem>>
        %dma_start3A_316 = tpu.memref_squeeze %dma_start3A_315 : memref<1x128xi32, #tpu.memory_space<vmem>> -> memref<128xi32, #tpu.memory_space<vmem>>
        %dma_start3A_317 = arith.constant 0 : i32
        %dma_start3A_318 = arith.constant 0 : i32
        %dma_start3A_319 = tpu.memref_slice %arg2[%dma_start3A_317, %dma_start3A_318] : memref<10240x128xf32, #tpu.memory_space<hbm>> -> memref<10240x128xf32, #tpu.memory_space<hbm>>
        tpu.enqueue_indirect_dma source(%dma_start3A_319 : memref<10240x128xf32, #tpu.memory_space<hbm>>) target(%arg7 : memref<128x128xf32, #tpu.memory_space<vmem>>) offsets(%dma_start3A_316 : memref<128xi32, #tpu.memory_space<vmem>>) semaphore(%arg10 : memref<!tpu.dma_semaphore, #tpu.memory_space<semaphore_mem>>)
      } else {
      }
      "tpu.region"() ({
        %run_scoped3A_312 = tpu.sem_alloc : memref<!tpu.dma_semaphore, #tpu.memory_space<semaphore_mem>>
        %dma_start3A_313 = arith.constant 0 : i32
        %dma_start3A_314 = tpu.memref_slice %arg6[%add3A_288, %dma_start3A_313] : memref<16x128xi32, #tpu.memory_space<vmem>> -> memref<1x128xi32, #tpu.memory_space<vmem>>
        %dma_start3A_315 = tpu.memref_squeeze %dma_start3A_314 : memref<1x128xi32, #tpu.memory_space<vmem>> -> memref<128xi32, #tpu.memory_space<vmem>>
        %dma_start3A_316 = arith.constant 0 : i32
        %dma_start3A_317 = arith.constant 0 : i32
        %dma_start3A_318 = tpu.memref_slice %arg9[%dma_start3A_316, %dma_start3A_317] : memref<10240x128xf32, #tpu.memory_space<vmem_shared>> -> memref<10240x128xf32, #tpu.memory_space<vmem_shared>>
        tpu.enqueue_indirect_dma source(%arg8 : memref<128x128xf32, #tpu.memory_space<vmem>>) target(%dma_start3A_318 : memref<10240x128xf32, #tpu.memory_space<vmem_shared>>) offsets(%dma_start3A_315 : memref<128xi32, #tpu.memory_space<vmem>>) semaphore(%run_scoped3A_312 : memref<!tpu.dma_semaphore, #tpu.memory_space<semaphore_mem>>) {add = true}
        %dma_wait3A_319 = arith.constant 0 : i32
        %dma_wait3A_320 = tpu.memref_slice %arg6[%add3A_288, %dma_wait3A_319] : memref<16x128xi32, #tpu.memory_space<vmem>> -> memref<1x128xi32, #tpu.memory_space<vmem>>
        %dma_wait3A_321 = tpu.memref_squeeze %dma_wait3A_320 : memref<1x128xi32, #tpu.memory_space<vmem>> -> memref<128xi32, #tpu.memory_space<vmem>>
        %dma_wait3A_322 = arith.constant 0 : i32
        %dma_wait3A_323 = arith.constant 0 : i32
        %dma_wait3A_324 = tpu.memref_slice %arg9[%dma_wait3A_322, %dma_wait3A_323] : memref<10240x128xf32, #tpu.memory_space<vmem_shared>> -> memref<10240x128xf32, #tpu.memory_space<vmem_shared>>
        tpu.wait_indirect_dma semaphore(%run_scoped3A_312 : memref<!tpu.dma_semaphore, #tpu.memory_space<semaphore_mem>>) src(%arg8 : memref<128x128xf32, #tpu.memory_space<vmem>>) dst(%dma_wait3A_324 : memref<10240x128xf32, #tpu.memory_space<vmem_shared>>)
        tpu.yield
      }) : () -> ()
      %scan3A_311 = arith.constant 0 : i32
      scf.yield %scan3A_311 : i32
    }
    %scan3A_275 = arith.constant 8 : i32
    %barrier3A_276 = arith.constant 0 : index
    tpu.barrier barrier_id(%barrier3A_276)
    %mul3A_277 = arith.constant 640 : i32
    %mul3A_278 = arith.muli %arg1, %mul3A_277 : i32
    %mul3A_279 = arith.constant 640 : i32
    %mul3A_280 = arith.muli %arg1, %mul3A_279 : i32
    "tpu.region"() ({
      %run_scoped3A_281 = tpu.sem_alloc : memref<!tpu.dma_semaphore, #tpu.memory_space<semaphore_mem>>
      %dma_start3A_282 = arith.constant 0 : i32
      %dma_start3A_283 = tpu.memref_slice %arg4[%arg0, %mul3A_280, %dma_start3A_282] : memref<2x10240x128xf32, #tpu.memory_space<hbm>> -> memref<1x640x128xf32, #tpu.memory_space<hbm>>
      %dma_start3A_284 = tpu.memref_squeeze %dma_start3A_283 : memref<1x640x128xf32, #tpu.memory_space<hbm>> -> memref<640x128xf32, #tpu.memory_space<hbm>>
      %dma_start3A_285 = arith.constant 0 : i32
      %dma_start3A_286 = tpu.memref_slice %arg9[%mul3A_278, %dma_start3A_285] : memref<10240x128xf32, #tpu.memory_space<vmem_shared>> -> memref<640x128xf32, #tpu.memory_space<vmem_shared>>
      tpu.enqueue_dma source(%dma_start3A_286 : memref<640x128xf32, #tpu.memory_space<vmem_shared>>) target(%dma_start3A_284 : memref<640x128xf32, #tpu.memory_space<hbm>>) target_semaphore(%run_scoped3A_281 : memref<!tpu.dma_semaphore, #tpu.memory_space<semaphore_mem>>)
      %dma_wait3A_287 = arith.constant 0 : i32
      %dma_wait3A_288 = tpu.memref_slice %arg4[%arg0, %mul3A_280, %dma_wait3A_287] : memref<2x10240x128xf32, #tpu.memory_space<hbm>> -> memref<1x640x128xf32, #tpu.memory_space<hbm>>
      %dma_wait3A_289 = tpu.memref_squeeze %dma_wait3A_288 : memref<1x640x128xf32, #tpu.memory_space<hbm>> -> memref<640x128xf32, #tpu.memory_space<hbm>>
      %dma_wait3A_290 = arith.constant 0 : i32
      %dma_wait3A_291 = tpu.memref_slice %arg9[%mul3A_278, %dma_wait3A_290] : memref<10240x128xf32, #tpu.memory_space<vmem_shared>> -> memref<640x128xf32, #tpu.memory_space<vmem_shared>>
      tpu.wait_dma2 semaphore(%run_scoped3A_281 : memref<!tpu.dma_semaphore, #tpu.memory_space<semaphore_mem>>) src(%dma_wait3A_291 : memref<640x128xf32, #tpu.memory_space<vmem_shared>>) dst(%dma_wait3A_289 : memref<640x128xf32, #tpu.memory_space<hbm>>)
      tpu.yield
    }) : () -> ()
    return
  }
}

module attributes {stable_mosaic.version = 14 : i64} {
  func.func @_ka_body(%arg0: i32, %arg1: memref<2048x2xf32, #tpu.memory_space<vmem>>, %arg2: memref<2048x128xf32, #tpu.memory_space<vmem>>, %arg3: memref<128x128xf32, #tpu.memory_space<vmem>>, %arg4: memref<2048x128xf32, #tpu.memory_space<vmem>>, %arg5: memref<2048x1xf32, #tpu.memory_space<vmem>>) attributes {dimension_semantics = [#tpu.dimension_semantics<arbitrary>], iteration_bounds = array<i64: 5>, scalar_prefetch = 0 : i64, scratch_operands = 0 : i64, tpu.core_type = #tpu.core_type<tc>, window_params = [{transform_indices = @transform_0, window_bounds = array<i64: 2048, 2>}, {transform_indices = @transform_1, window_bounds = array<i64: 2048, 128>}, {pipeline_mode = #tpu.pipeline_mode<synchronous>, transform_indices = @transform_2, window_bounds = array<i64: 128, 128>}, {transform_indices = @transform_3, window_bounds = array<i64: 2048, 128>}, {transform_indices = @transform_4, window_bounds = array<i64: 2048, 1>}]} {
    %get3A = arith.constant 0 : index
    %get3A_0 = arith.constant 0 : index
    %get3A_1 = vector.load %arg1[%get3A, %get3A_0] : memref<2048x2xf32, #tpu.memory_space<vmem>>, vector<2048x2xf32>
    %slice3A = vector.extract_strided_slice %get3A_1 {offsets = [0, 0], sizes = [2048, 1], strides = [1, 1]} : vector<2048x2xf32> to vector<2048x1xf32>
    %slice3A_2 = vector.extract_strided_slice %get3A_1 {offsets = [0, 1], sizes = [2048, 1], strides = [1, 1]} : vector<2048x2xf32> to vector<2048x1xf32>
    %add3A = arith.addf %slice3A, %slice3A_2 : vector<2048x1xf32>
    %add3A_3 = arith.constant 1.000000e+00 : f32
    %add3A_4 = vector.broadcast %add3A_3 : f32 to vector<2048x1xf32>
    %add3A_5 = arith.addf %add3A, %add3A_4 : vector<2048x1xf32>
    %rsqrt3A = math.rsqrt %add3A_5 : vector<2048x1xf32>
    %get3A_6 = arith.constant 0 : index
    %get3A_7 = arith.constant 0 : index
    %get3A_8 = vector.load %arg2[%get3A_6, %get3A_7] : memref<2048x128xf32, #tpu.memory_space<vmem>>, vector<2048x128xf32>
    %get3A_9 = arith.constant 0 : index
    %get3A_10 = arith.constant 0 : index
    %get3A_11 = vector.load %arg3[%get3A_9, %get3A_10] : memref<128x128xf32, #tpu.memory_space<vmem>>, vector<128x128xf32>
    %dot_general3A = arith.constant dense<0.000000e+00> : vector<2048x128xf32>
    %dot_general3A_12 = tpu.matmul %get3A_8, %get3A_11, %dot_general3A {dimension_numbers = #tpu.dot_dimension_numbers<[1], [0], [0], [1], [0, 0, 1, 1], [], []>, transpose_lhs_hint = false} : vector<2048x128xf32>, vector<128x128xf32>, vector<2048x128xf32> -> vector<2048x128xf32>
    %mul3A = vector.broadcast %rsqrt3A : vector<2048x1xf32> to vector<2048x128xf32>
    %mul3A_13 = arith.mulf %mul3A, %dot_general3A_12 : vector<2048x128xf32>
    %swap3A = arith.constant 0 : index
    %swap3A_14 = arith.constant 0 : index
    %swap3A_15 = vector.load %arg4[%swap3A, %swap3A_14] : memref<2048x128xf32, #tpu.memory_space<vmem>>, vector<2048x128xf32>
    tpu.vector_store %arg4[%swap3A, %swap3A_14], %mul3A_13 {strides = array<i32>} : memref<2048x128xf32, #tpu.memory_space<vmem>>, vector<2048x128xf32>,
    %swap3A_16 = arith.constant 0 : index
    %swap3A_17 = arith.constant 0 : index
    %swap3A_18 = vector.load %arg5[%swap3A_16, %swap3A_17] : memref<2048x1xf32, #tpu.memory_space<vmem>>, vector<2048x1xf32>
    tpu.vector_store %arg5[%swap3A_16, %swap3A_17], %rsqrt3A {strides = array<i32>} : memref<2048x1xf32, #tpu.memory_space<vmem>>, vector<2048x1xf32>,
    return
  }
  func.func @transform_0(%arg0: i32) -> (i32, i32) {
    %c0_i32 = arith.constant 0 : i32
    %c0_i32_0 = arith.constant 0 : i32
    return %arg0, %c0_i32 : i32, i32
  }
  func.func @transform_1(%arg0: i32) -> (i32, i32) {
    %c0_i32 = arith.constant 0 : i32
    %c0_i32_0 = arith.constant 0 : i32
    return %arg0, %c0_i32 : i32, i32
  }
  func.func @transform_2(%arg0: i32) -> (i32, i32) {
    %c0_i32 = arith.constant 0 : i32
    %c0_i32_0 = arith.constant 0 : i32
    %c0_i32_1 = arith.constant 0 : i32
    return %c0_i32, %c0_i32_0 : i32, i32
  }
  func.func @transform_3(%arg0: i32) -> (i32, i32) {
    %c0_i32 = arith.constant 0 : i32
    %c0_i32_0 = arith.constant 0 : i32
    return %arg0, %c0_i32 : i32, i32
  }
  func.func @transform_4(%arg0: i32) -> (i32, i32) {
    %c0_i32 = arith.constant 0 : i32
    %c0_i32_0 = arith.constant 0 : i32
    return %arg0, %c0_i32 : i32, i32
  }
}

module attributes {stable_mosaic.version = 14 : i64} {
  func.func @_kb_body(%arg0: i32, %arg1: memref<2x2048x128xf32, #tpu.memory_space<vmem>>, %arg2: memref<2048x128xf32, #tpu.memory_space<vmem>>, %arg3: memref<2048x1xf32, #tpu.memory_space<vmem>>, %arg4: memref<1x128xf32, #tpu.memory_space<vmem>>, %arg5: memref<128x64xf32, #tpu.memory_space<vmem>>, %arg6: memref<2048x64xf32, #tpu.memory_space<vmem>>) attributes {dimension_semantics = [#tpu.dimension_semantics<arbitrary>], iteration_bounds = array<i64: 5>, scalar_prefetch = 0 : i64, scratch_operands = 0 : i64, tpu.core_type = #tpu.core_type<tc>, window_params = [{transform_indices = @transform_0, window_bounds = array<i64: 2, 2048, 128>}, {transform_indices = @transform_1, window_bounds = array<i64: 2048, 128>}, {transform_indices = @transform_2, window_bounds = array<i64: 2048, 1>}, {pipeline_mode = #tpu.pipeline_mode<synchronous>, transform_indices = @transform_3, window_bounds = array<i64: 1, 128>}, {pipeline_mode = #tpu.pipeline_mode<synchronous>, transform_indices = @transform_4, window_bounds = array<i64: 128, 64>}, {transform_indices = @transform_5, window_bounds = array<i64: 2048, 64>}]} {
    %get3A = arith.constant 0 : index
    %get3A_0 = arith.constant 0 : index
    %get3A_1 = arith.constant 0 : index
    %get3A_2 = vector.load %arg1[%get3A, %get3A_0, %get3A_1] : memref<2x2048x128xf32, #tpu.memory_space<vmem>>, vector<2x2048x128xf32>
    %get3A_3 = arith.constant 0 : index
    %get3A_4 = arith.constant 0 : index
    %get3A_5 = vector.load %arg3[%get3A_3, %get3A_4] : memref<2048x1xf32, #tpu.memory_space<vmem>>, vector<2048x1xf32>
    %slice3A = vector.extract_strided_slice %get3A_2 {offsets = [0, 0, 0], sizes = [1, 2048, 128], strides = [1, 1, 1]} : vector<2x2048x128xf32> to vector<1x2048x128xf32>
    %squeeze3A = vector.shape_cast %slice3A : vector<1x2048x128xf32> to vector<2048x128xf32>
    %slice3A_6 = vector.extract_strided_slice %get3A_2 {offsets = [1, 0, 0], sizes = [1, 2048, 128], strides = [1, 1, 1]} : vector<2x2048x128xf32> to vector<1x2048x128xf32>
    %squeeze3A_7 = vector.shape_cast %slice3A_6 : vector<1x2048x128xf32> to vector<2048x128xf32>
    %add3A = arith.addf %squeeze3A, %squeeze3A_7 : vector<2048x128xf32>
    %get3A_8 = arith.constant 0 : index
    %get3A_9 = arith.constant 0 : index
    %get3A_10 = vector.load %arg2[%get3A_8, %get3A_9] : memref<2048x128xf32, #tpu.memory_space<vmem>>, vector<2048x128xf32>
    %add3A_11 = arith.addf %add3A, %get3A_10 : vector<2048x128xf32>
    %mul3A = vector.broadcast %get3A_5 : vector<2048x1xf32> to vector<2048x128xf32>
    %mul3A_12 = arith.mulf %mul3A, %add3A_11 : vector<2048x128xf32>
    %get3A_13 = arith.constant 0 : index
    %get3A_14 = arith.constant 0 : index
    %get3A_15 = vector.load %arg4[%get3A_13, %get3A_14] : memref<1x128xf32, #tpu.memory_space<vmem>>, vector<1x128xf32>
    %add3A_16 = vector.broadcast %get3A_15 : vector<1x128xf32> to vector<2048x128xf32>
    %add3A_17 = arith.addf %mul3A_12, %add3A_16 : vector<2048x128xf32>
    %max3A = arith.constant 0.000000e+00 : f32
    %max3A_18 = vector.broadcast %max3A : f32 to vector<2048x128xf32>
    %max3A_19 = arith.maximumf %add3A_17, %max3A_18 : vector<2048x128xf32>
    %get3A_20 = arith.constant 0 : index
    %get3A_21 = arith.constant 0 : index
    %get3A_22 = vector.load %arg5[%get3A_20, %get3A_21] : memref<128x64xf32, #tpu.memory_space<vmem>>, vector<128x64xf32>
    %dot_general3A = arith.constant dense<0.000000e+00> : vector<2048x64xf32>
    %dot_general3A_23 = tpu.matmul %max3A_19, %get3A_22, %dot_general3A {dimension_numbers = #tpu.dot_dimension_numbers<[1], [0], [0], [1], [0, 0, 1, 1], [], []>, transpose_lhs_hint = false} : vector<2048x128xf32>, vector<128x64xf32>, vector<2048x64xf32> -> vector<2048x64xf32>
    %mul3A_24 = vector.broadcast %get3A_5 : vector<2048x1xf32> to vector<2048x64xf32>
    %mul3A_25 = arith.mulf %mul3A_24, %dot_general3A_23 : vector<2048x64xf32>
    %swap3A = arith.constant 0 : index
    %swap3A_26 = arith.constant 0 : index
    %swap3A_27 = vector.load %arg6[%swap3A, %swap3A_26] : memref<2048x64xf32, #tpu.memory_space<vmem>>, vector<2048x64xf32>
    tpu.vector_store %arg6[%swap3A, %swap3A_26], %mul3A_25 {strides = array<i32>} : memref<2048x64xf32, #tpu.memory_space<vmem>>, vector<2048x64xf32>,
    return
  }
  func.func @transform_0(%arg0: i32) -> (i32, i32, i32) {
    %c0_i32 = arith.constant 0 : i32
    %c0_i32_0 = arith.constant 0 : i32
    %c0_i32_1 = arith.constant 0 : i32
    return %c0_i32, %arg0, %c0_i32_0 : i32, i32, i32
  }
  func.func @transform_1(%arg0: i32) -> (i32, i32) {
    %c0_i32 = arith.constant 0 : i32
    %c0_i32_0 = arith.constant 0 : i32
    return %arg0, %c0_i32 : i32, i32
  }
  func.func @transform_2(%arg0: i32) -> (i32, i32) {
    %c0_i32 = arith.constant 0 : i32
    %c0_i32_0 = arith.constant 0 : i32
    return %arg0, %c0_i32 : i32, i32
  }
  func.func @transform_3(%arg0: i32) -> (i32, i32) {
    %c0_i32 = arith.constant 0 : i32
    %c0_i32_0 = arith.constant 0 : i32
    %c0_i32_1 = arith.constant 0 : i32
    return %c0_i32, %c0_i32_0 : i32, i32
  }
  func.func @transform_4(%arg0: i32) -> (i32, i32) {
    %c0_i32 = arith.constant 0 : i32
    %c0_i32_0 = arith.constant 0 : i32
    %c0_i32_1 = arith.constant 0 : i32
    return %c0_i32, %c0_i32_0 : i32, i32
  }
  func.func @transform_5(%arg0: i32) -> (i32, i32) {
    %c0_i32 = arith.constant 0 : i32
    %c0_i32_0 = arith.constant 0 : i32
    return %arg0, %c0_i32 : i32, i32
  }
}

module attributes {stable_mosaic.version = 14 : i64} {
  func.func @_kc_body(%arg0: i32, %arg1: memref<2x2048x64xf32, #tpu.memory_space<vmem>>, %arg2: memref<2048x64xf32, #tpu.memory_space<vmem>>, %arg3: memref<2048x1xf32, #tpu.memory_space<vmem>>, %arg4: memref<1x64xf32, #tpu.memory_space<vmem>>, %arg5: memref<2048x1xi32, #tpu.memory_space<vmem>>, %arg6: memref<64x32xf32, #tpu.memory_space<vmem>>, %arg7: memref<1x32xf32, #tpu.memory_space<vmem>>, %arg8: memref<64x32xf32, #tpu.memory_space<vmem>>, %arg9: memref<64x65xf32, #tpu.memory_space<vmem>>) attributes {dimension_semantics = [#tpu.dimension_semantics<arbitrary>], iteration_bounds = array<i64: 5>, scalar_prefetch = 0 : i64, scratch_operands = 1 : i64, tpu.core_type = #tpu.core_type<tc>, window_params = [{transform_indices = @transform_0, window_bounds = array<i64: 2, 2048, 64>}, {transform_indices = @transform_1, window_bounds = array<i64: 2048, 64>}, {transform_indices = @transform_2, window_bounds = array<i64: 2048, 1>}, {pipeline_mode = #tpu.pipeline_mode<synchronous>, transform_indices = @transform_3, window_bounds = array<i64: 1, 64>}, {transform_indices = @transform_4, window_bounds = array<i64: 2048, 1>}, {pipeline_mode = #tpu.pipeline_mode<synchronous>, transform_indices = @transform_5, window_bounds = array<i64: 64, 32>}, {pipeline_mode = #tpu.pipeline_mode<synchronous>, transform_indices = @transform_6, window_bounds = array<i64: 1, 32>}, {pipeline_mode = #tpu.pipeline_mode<synchronous>, transform_indices = @transform_7, window_bounds = array<i64: 64, 32>}]} {
    %eq3A = arith.constant 0 : i32
    %eq3A_0 = arith.cmpi eq, %arg0, %eq3A : i32
    %convert_element_type3A = arith.extui %eq3A_0 : i1 to i32
    %cond3A = arith.constant 0 : i32
    %cond3A_1 = arith.cmpi ne, %convert_element_type3A, %cond3A : i32
    scf.if %cond3A_1 {
      %broadcast_in_dim3A_43 = arith.constant 0.000000e+00 : f32
      %broadcast_in_dim3A_44 = vector.broadcast %broadcast_in_dim3A_43 : f32 to vector<64x65xf32>
      %swap3A_45 = arith.constant 0 : index
      %swap3A_46 = arith.constant 0 : index
      %swap3A_47 = vector.load %arg9[%swap3A_45, %swap3A_46] : memref<64x65xf32, #tpu.memory_space<vmem>>, vector<64x65xf32>
      tpu.vector_store %arg9[%swap3A_45, %swap3A_46], %broadcast_in_dim3A_44 {strides = array<i32>} : memref<64x65xf32, #tpu.memory_space<vmem>>, vector<64x65xf32>,
    } else {
    }
    %get3A = arith.constant 0 : index
    %get3A_2 = arith.constant 0 : index
    %get3A_3 = arith.constant 0 : index
    %get3A_4 = vector.load %arg1[%get3A, %get3A_2, %get3A_3] : memref<2x2048x64xf32, #tpu.memory_space<vmem>>, vector<2x2048x64xf32>
    %get3A_5 = arith.constant 0 : index
    %get3A_6 = arith.constant 0 : index
    %get3A_7 = vector.load %arg3[%get3A_5, %get3A_6] : memref<2048x1xf32, #tpu.memory_space<vmem>>, vector<2048x1xf32>
    %slice3A = vector.extract_strided_slice %get3A_4 {offsets = [0, 0, 0], sizes = [1, 2048, 64], strides = [1, 1, 1]} : vector<2x2048x64xf32> to vector<1x2048x64xf32>
    %squeeze3A = vector.shape_cast %slice3A : vector<1x2048x64xf32> to vector<2048x64xf32>
    %slice3A_8 = vector.extract_strided_slice %get3A_4 {offsets = [1, 0, 0], sizes = [1, 2048, 64], strides = [1, 1, 1]} : vector<2x2048x64xf32> to vector<1x2048x64xf32>
    %squeeze3A_9 = vector.shape_cast %slice3A_8 : vector<1x2048x64xf32> to vector<2048x64xf32>
    %add3A = arith.addf %squeeze3A, %squeeze3A_9 : vector<2048x64xf32>
    %get3A_10 = arith.constant 0 : index
    %get3A_11 = arith.constant 0 : index
    %get3A_12 = vector.load %arg2[%get3A_10, %get3A_11] : memref<2048x64xf32, #tpu.memory_space<vmem>>, vector<2048x64xf32>
    %add3A_13 = arith.addf %add3A, %get3A_12 : vector<2048x64xf32>
    %mul3A = vector.broadcast %get3A_7 : vector<2048x1xf32> to vector<2048x64xf32>
    %mul3A_14 = arith.mulf %mul3A, %add3A_13 : vector<2048x64xf32>
    %get3A_15 = arith.constant 0 : index
    %get3A_16 = arith.constant 0 : index
    %get3A_17 = vector.load %arg4[%get3A_15, %get3A_16] : memref<1x64xf32, #tpu.memory_space<vmem>>, vector<1x64xf32>
    %add3A_18 = vector.broadcast %get3A_17 : vector<1x64xf32> to vector<2048x64xf32>
    %add3A_19 = arith.addf %mul3A_14, %add3A_18 : vector<2048x64xf32>
    %max3A = arith.constant 0.000000e+00 : f32
    %max3A_20 = vector.broadcast %max3A : f32 to vector<2048x64xf32>
    %max3A_21 = arith.maximumf %add3A_19, %max3A_20 : vector<2048x64xf32>
    %get3A_22 = arith.constant 0 : index
    %get3A_23 = arith.constant 0 : index
    %get3A_24 = vector.load %arg5[%get3A_22, %get3A_23] : memref<2048x1xi32, #tpu.memory_space<vmem>>, vector<2048x1xi32>
    %iota3A = tpu.iota {dimensions = array<i32: 1>} : vector<1x64xi32>
    %eq3A_25 = vector.broadcast %get3A_24 : vector<2048x1xi32> to vector<2048x64xi32>
    %eq3A_26 = vector.broadcast %iota3A : vector<1x64xi32> to vector<2048x64xi32>
    %eq3A_27 = arith.cmpi eq, %eq3A_25, %eq3A_26 : vector<2048x64xi32>
    %convert_element_type3A_28 = arith.extui %eq3A_27 : vector<2048x64xi1> to vector<2048x64xi32>
    %convert_element_type3A_29 = arith.sitofp %convert_element_type3A_28 : vector<2048x64xi32> to vector<2048x64xf32>
    %broadcast_in_dim3A = arith.constant 1.000000e+00 : f32
    %broadcast_in_dim3A_30 = vector.broadcast %broadcast_in_dim3A : f32 to vector<2048x1xf32>
    %concatenate3A = tpu.concatenate %max3A_21, %broadcast_in_dim3A_30 in 1 : vector<2048x64xf32>, vector<2048x1xf32> -> vector<2048x65xf32>
    %get3A_31 = arith.constant 0 : index
    %get3A_32 = arith.constant 0 : index
    %get3A_33 = vector.load %arg9[%get3A_31, %get3A_32] : memref<64x65xf32, #tpu.memory_space<vmem>>, vector<64x65xf32>
    %dot_general3A = arith.constant dense<0.000000e+00> : vector<64x65xf32>
    %dot_general3A_34 = tpu.matmul %convert_element_type3A_29, %concatenate3A, %dot_general3A {dimension_numbers = #tpu.dot_dimension_numbers<[0], [0], [1], [1], [0, 1, 1, 1], [], []>, transpose_lhs_hint = false} : vector<2048x64xf32>, vector<2048x65xf32>, vector<64x65xf32> -> vector<64x65xf32>
    %add3A_35 = arith.addf %get3A_33, %dot_general3A_34 : vector<64x65xf32>
    %swap3A = arith.constant 0 : index
    %swap3A_36 = arith.constant 0 : index
    %swap3A_37 = vector.load %arg9[%swap3A, %swap3A_36] : memref<64x65xf32, #tpu.memory_space<vmem>>, vector<64x65xf32>
    tpu.vector_store %arg9[%swap3A, %swap3A_36], %add3A_35 {strides = array<i32>} : memref<64x65xf32, #tpu.memory_space<vmem>>, vector<64x65xf32>,
    %eq3A_38 = arith.constant 4 : i32
    %eq3A_39 = arith.cmpi eq, %arg0, %eq3A_38 : i32
    %convert_element_type3A_40 = arith.extui %eq3A_39 : i1 to i32
    %cond3A_41 = arith.constant 0 : i32
    %cond3A_42 = arith.cmpi ne, %convert_element_type3A_40, %cond3A_41 : i32
    scf.if %cond3A_42 {
      %get3A_43 = arith.constant 0 : index
      %get3A_44 = arith.constant 0 : index
      %get3A_45 = vector.load %arg9[%get3A_43, %get3A_44] : memref<64x65xf32, #tpu.memory_space<vmem>>, vector<64x65xf32>
      %slice3A_46 = vector.extract_strided_slice %get3A_45 {offsets = [0, 0], sizes = [64, 64], strides = [1, 1]} : vector<64x65xf32> to vector<64x64xf32>
      %slice3A_47 = vector.extract_strided_slice %get3A_45 {offsets = [0, 64], sizes = [64, 1], strides = [1, 1]} : vector<64x65xf32> to vector<64x1xf32>
      %max3A_48 = arith.constant 1.000000e+00 : f32
      %max3A_49 = vector.broadcast %max3A_48 : f32 to vector<64x1xf32>
      %max3A_50 = arith.maximumf %slice3A_47, %max3A_49 : vector<64x1xf32>
      %div3A = vector.broadcast %max3A_50 : vector<64x1xf32> to vector<64x64xf32>
      %div3A_51 = arith.divf %slice3A_46, %div3A : vector<64x64xf32>
      %get3A_52 = arith.constant 0 : index
      %get3A_53 = arith.constant 0 : index
      %get3A_54 = vector.load %arg6[%get3A_52, %get3A_53] : memref<64x32xf32, #tpu.memory_space<vmem>>, vector<64x32xf32>
      %dot_general3A_55 = arith.constant dense<0.000000e+00> : vector<64x32xf32>
      %dot_general3A_56 = tpu.matmul %div3A_51, %get3A_54, %dot_general3A_55 {dimension_numbers = #tpu.dot_dimension_numbers<[1], [0], [0], [1], [0, 0, 1, 1], [], []>, transpose_lhs_hint = false} : vector<64x64xf32>, vector<64x32xf32>, vector<64x32xf32> -> vector<64x32xf32>
      %get3A_57 = arith.constant 0 : index
      %get3A_58 = arith.constant 0 : index
      %get3A_59 = vector.load %arg7[%get3A_57, %get3A_58] : memref<1x32xf32, #tpu.memory_space<vmem>>, vector<1x32xf32>
      %add3A_60 = vector.broadcast %get3A_59 : vector<1x32xf32> to vector<64x32xf32>
      %add3A_61 = arith.addf %dot_general3A_56, %add3A_60 : vector<64x32xf32>
      %swap3A_62 = arith.constant 0 : index
      %swap3A_63 = arith.constant 0 : index
      %swap3A_64 = vector.load %arg8[%swap3A_62, %swap3A_63] : memref<64x32xf32, #tpu.memory_space<vmem>>, vector<64x32xf32>
      tpu.vector_store %arg8[%swap3A_62, %swap3A_63], %add3A_61 {strides = array<i32>} : memref<64x32xf32, #tpu.memory_space<vmem>>, vector<64x32xf32>,
    } else {
    }
    return
  }
  func.func @transform_0(%arg0: i32) -> (i32, i32, i32) {
    %c0_i32 = arith.constant 0 : i32
    %c0_i32_0 = arith.constant 0 : i32
    %c0_i32_1 = arith.constant 0 : i32
    return %c0_i32, %arg0, %c0_i32_0 : i32, i32, i32
  }
  func.func @transform_1(%arg0: i32) -> (i32, i32) {
    %c0_i32 = arith.constant 0 : i32
    %c0_i32_0 = arith.constant 0 : i32
    return %arg0, %c0_i32 : i32, i32
  }
  func.func @transform_2(%arg0: i32) -> (i32, i32) {
    %c0_i32 = arith.constant 0 : i32
    %c0_i32_0 = arith.constant 0 : i32
    return %arg0, %c0_i32 : i32, i32
  }
  func.func @transform_3(%arg0: i32) -> (i32, i32) {
    %c0_i32 = arith.constant 0 : i32
    %c0_i32_0 = arith.constant 0 : i32
    %c0_i32_1 = arith.constant 0 : i32
    return %c0_i32, %c0_i32_0 : i32, i32
  }
  func.func @transform_4(%arg0: i32) -> (i32, i32) {
    %c0_i32 = arith.constant 0 : i32
    %c0_i32_0 = arith.constant 0 : i32
    return %arg0, %c0_i32 : i32, i32
  }
  func.func @transform_5(%arg0: i32) -> (i32, i32) {
    %c0_i32 = arith.constant 0 : i32
    %c0_i32_0 = arith.constant 0 : i32
    %c0_i32_1 = arith.constant 0 : i32
    return %c0_i32, %c0_i32_0 : i32, i32
  }
  func.func @transform_6(%arg0: i32) -> (i32, i32) {
    %c0_i32 = arith.constant 0 : i32
    %c0_i32_0 = arith.constant 0 : i32
    %c0_i32_1 = arith.constant 0 : i32
    return %c0_i32, %c0_i32_0 : i32, i32
  }
  func.func @transform_7(%arg0: i32) -> (i32, i32) {
    %c0_i32 = arith.constant 0 : i32
    %c0_i32_0 = arith.constant 0 : i32
    %c0_i32_1 = arith.constant 0 : i32
    return %c0_i32, %c0_i32_0 : i32, i32
  }
}

</mosaic_0001>

<sc_bundles>
// kernel: kernel.11.cloned.1.call-start
scs
__scs_entry_jumppad:
0x0: {  	(pc) =	sbr.rel $0x88, $3  }
0x1: {  	(tag) =	ssettag $0x0;
	lr =	simm.s32 $0x1  }
0x2: {  	[smem:$0x3F98] =	sst lr;
	_ =	strace $0xD0000000  }
0x3: {  	_ = 	snop  }
0x4: {  	_ = 	snop  }
0x5: {  	_ = 	snop  }
0x6: {  	_ = 	snop  }
0x7: {  	_ = 	snop  }
__scs_overlays_trampoline_lowered:
0x8: {  	[smem:$0x3FA7] =	sst s0  }
0x9: {  	[smem:$0x3FA8] =	sst s1  }
0xa: {  	[smem:$0x3FA9] =	sst s2  }
0xb: {  	[smem:$0x3FAA] =	sst s3  }
0xc: {  	[smem:$0x3FAB] =	sst s4  }
0xd: {  	[smem:$0x3FAC] =	sst s5  }
0xe: {  	[smem:$0x3FAD] =	sst s6  }
0xf: {  	[smem:$0x3FAE] =	sst s7  }
0x10: {  	[smem:$0x3FAF] =	sst s8  }
0x11: {  	[smem:$0x3FB0] =	sst s9;
	s0 =	simm.s32 @!p0 $0x0  }
0x12: {  	s1 =	sld [smem:$0x3F96];
	s0 =	simm.s32 @p0 $0x1  }
0x13: {  	[smem:$0x3FB1] =	sst s0;
	s0 =	simm.s32 @!p1 $0x0  }
0x14: {  	s2 =	sld [smem:$0x3F95];
	s0 =	simm.s32 @p1 $0x1  }
0x15: {  	[smem:$0x3FB2] =	sst s0;
	s0 =	simm.s32 @!p2 $0x0  }
0x16: {  	s3 =	sld [smem:$0x3FDB];
	s0 =	simm.s32 @p2 $0x1  }
0x17: {  	s4 =	simm.s32 $0x1BF5;
	[smem:$0x3FB4] =	sst s0  }
0x18: {  	s0 =	sld [smem:$0x3F97];
	_ =	swait.ge [sflag:s4], $0x0  }
0x19: {  	s7 =	sld [smem:$0x3F98]  }
0x1a: {  	s8 =	sadd.s32 $0xFFFFE003, lr  }
0x1b: {  	s9 =	sadd.s32 $0xFFFFFEF7, lr;
	s5 =	simm.s32 $0xFFFFFFFF;
	p2 =	slt.u32 s8, $0xFFFFF086  }
0x1c: {  	p1 =	slt.u32 s9, $0xF7A;
	s5 =	simm.s32 @!p2 $0x0  }
0x1d: {  	s5 =	simm.s32 @p1 $0x1;
	p0 =	seq.s32 s7, s2  }
0x1e: {  	s7 =	smul.u32 @!p0 $0xF7A, s2;
	p2 =	seq.s32 @!p0 s5, $0x0  }
0x1f: {  	s9 =	smul.u32 $0xF7A, s1;
	s8 =	simm.s32 @!p0 $0x1BF5;
	p2 =	por !p2, p0  }
0x20: {  	[sflag:s8] =	ssyncset.s32 @!p0 $0xFFFFF086;
	s6 =	sadd.s32 @!p0 s3, s7;
	s7 =	simm.s32 @!p0 $0x108  }
0x21: {  	s3 =	sadd.s32 s3, s9;
	s6 =	sadd.s32 @!p0 $0x88, s6;
	s7 =	simm.s32 @p2 $0x1082  }
0x22: {  	[simem:s7], [sflag:s8] =	dma.local @!p0 [hbm:s6], $0xF7A  }
0x23: {  	s9 =	sor.u32 $0xD0000000, s2;
	s6 =	simm.s32 $0x108;
	_ =	swait.ge @!p0 [sflag:s8], $0x0  }
0x24: {  	s3 =	sadd.s32 $0x88, s3;
	s6 =	simm.s32 @!p1 $0x1082;
	[sflag:s4] =	ssyncset.s32 $0xFFFFF086  }
0x25: {  	[simem:s6], [sflag:s4] =	dma.local [hbm:s3], $0xF7A  }
0x26: {  	[smem:$0x3F98] =	sst s1;
	(tag) =	ssettag s2;
	_ =	strace s9  }
0x27: {  	s1 =	sld [smem:$0x3FA8]  }
0x28: {  	s2 =	sld [smem:$0x3FA9]  }
0x29: {  	s4 =	sld [smem:$0x3FAB]  }
0x2a: {  	p0 =	seq.s32 s5, $0x0;
	s5 =	sld [smem:$0x3FAC]  }
0x2b: {  	s6 =	sld [smem:$0x3FAD]  }
0x2c: {  	s7 =	sld [smem:$0x3FAE]  }
0x2d: {  	s3 =	simm.s32 $0x108;
	s8 =	sld [smem:$0x3FAF]  }
0x2e: {  	s3 =	simm.s32 @!p0 $0x1082;
	s9 =	sld [smem:$0x3FB0]  }
0x2f: {  	lr =	sadd.s32 s0, s3;
	s0 =	sld [smem:$0x3FA7]  }
0x30: {  	s3 =	sld [smem:$0x3FAA]  }
0x31: {  	[smem:$0x3FB3] =	sst s10  }
0x32: {  	s10 =	sld [smem:$0x3FB1];
	_ =	sdelay $0x3  }
0x33: {  	p0 =	seq.s32 s10, $0x1;
	s10 =	sld [smem:$0x3FB3];
	_ =	sdelay $0x3  }
0x34: {  	[smem:$0x3FB3] =	sst s10  }
0x35: {  	s10 =	sld [smem:$0x3FB2];
	_ =	sdelay $0x3  }
0x36: {  	p1 =	seq.s32 s10, $0x1;
	s10 =	sld [smem:$0x3FB3];
	_ =	sdelay $0x3  }
0x37: {  	[smem:$0x3FB3] =	sst s10  }
0x38: {  	s10 =	sld [smem:$0x3FB4]  }
0x39: {  	_ = 	snop;
	(pc) =	sbr.ind lr, $3  }
0x3a: {  	_ = 	snop  }
0x3b: {  	_ = 	snop  }
0x3c: {  	p2 =	seq.s32 s10, $0x1;
	s10 =	sld [smem:$0x3FB3]  }
0x3d: {  	_ =	shalt  }
0x3e: {  	_ =	shalt  }
0x3f: {  	_ =	shalt  }
0x40: {  	_ =	shalt  }
0x41: {  	_ =	shalt  }
0x42: {  	_ =	shalt  }
0x43: {  	_ =	shalt  }
0x44: {  	_ =	shalt  }
0x45: {  	_ =	shalt  }
0x46: {  	_ =	shalt  }
0x47: {  	_ =	shalt  }
0x48: {  	_ =	shalt  }
0x49: {  	_ =	shalt  }
0x4a: {  	_ =	shalt  }
0x4b: {  	_ =	shalt  }
0x4c: {  	_ =	shalt  }
0x4d: {  	_ =	shalt  }
0x4e: {  	_ =	shalt  }
0x4f: {  	_ =	shalt  }
0x50: {  	_ =	shalt  }
0x51: {  	_ =	shalt  }
0x52: {  	_ =	shalt  }
0x53: {  	_ =	shalt  }
0x54: {  	_ =	shalt  }
0x55: {  	_ =	shalt  }
0x56: {  	_ =	shalt  }
0x57: {  	_ =	shalt  }
0x58: {  	_ =	shalt  }
0x59: {  	_ =	shalt  }
0x5a: {  	_ =	shalt  }
0x5b: {  	_ =	shalt  }
0x5c: {  	_ =	shalt  }
0x5d: {  	_ =	shalt  }
0x5e: {  	_ =	shalt  }
0x5f: {  	_ =	shalt  }
0x60: {  	_ =	shalt  }
0x61: {  	_ =	shalt  }
0x62: {  	_ =	shalt  }
0x63: {  	_ =	shalt  }
0x64: {  	_ =	shalt  }
0x65: {  	_ =	shalt  }
0x66: {  	_ =	shalt  }
0x67: {  	_ =	shalt  }
0x68: {  	_ =	shalt  }
0x69: {  	_ =	shalt  }
0x6a: {  	_ =	shalt  }
0x6b: {  	_ =	shalt  }
0x6c: {  	_ =	shalt  }
0x6d: {  	_ =	shalt  }
0x6e: {  	_ =	shalt  }
0x6f: {  	_ =	shalt  }
0x70: {  	_ =	shalt  }
0x71: {  	_ =	shalt  }
0x72: {  	_ =	shalt  }
0x73: {  	_ =	shalt  }
0x74: {  	_ =	shalt  }
0x75: {  	_ =	shalt  }
0x76: {  	_ =	shalt  }
0x77: {  	_ =	shalt  }
0x78: {  	_ =	shalt  }
0x79: {  	_ =	shalt  }
0x7a: {  	_ =	shalt  }
0x7b: {  	_ =	shalt  }
0x7c: {  	_ =	shalt  }
0x7d: {  	_ =	shalt  }
0x7e: {  	_ =	shalt  }
0x7f: {  	_ =	shalt  }
0x80: {  	_ =	shalt  }
0x81: {  	_ =	shalt  }
0x82: {  	_ =	shalt  }
0x83: {  	_ =	shalt  }
0x84: {  	_ =	shalt  }
0x85: {  	_ =	shalt  }
0x86: {  	_ =	shalt  }
0x87: {  	_ =	shalt  }
.Lfunc_end0:
.L_simem_size_0:
called_computation.1_lowered:
.L_overlay_start_0:
0x88: {  	s2 =	sld [smem:$0x3FD9]  }
0x89: {  	s3 =	sld [smem:$0x3FFE];
	_ =	sdelay $0x1  }
0x8a: {  	s1 =	srdreg.scid  }
0x8b: {  	s0 =	sand.u32 $0x1, s1  }
0x8c: {  	s16 =	sshll.u32 s0, $0xA;
	s2 =	sadd.s32 s3, s2  }
0x8d: {  	s2 =	sadd.s32 s2, s16  }
0x8e: {  	[smem:$0x3FBF] =	sst s2  }
0x8f: {  	_ = 	snop  }
0x90: {  	(tm) =	ssettm $0x1  }
0x91: {  	s17 =	sld [smem:$0x3FFB];
	_ =	sdelay $0x3  }
0x92: {  	_ =	strace s17  }
0x93: {  	s2 =	sld [smem:$0x3FFC];
	_ =	sdelay $0x3  }
0x94: {  	_ =	strace s2  }
0x95: {  	s2 =	sld [smem:$0x3FFD];
	_ =	sdelay $0x3  }
0x96: {  	_ =	strace s2  }
0x97: {  	_ =	strace $0x8FFFFFFF  }
0x98: {  	s18 =	sld [smem:$0x3FDB];
	_ =	sdelay $0x1  }
0x99: {  	s19 =	simm.s32 $_scs_section_size  }
0x9a: {  	s4 =	simm.s32 $_size__tile_overlayer_lowered;
	s5 =	simm.s32 $_tile_overlayer_lowered  }
0x9b: {  	s22 =	simm.s32 $0x1BFF;
	s21 =	sshll.u32 s5, $0x1;
	s2 =	sadd.s32 s19, s18  }
0x9c: {  	s6 =	simm.s32 $0x0;
	s20 =	sshll.u32 s4, $0x1;
	s4 =	sadd.s32 s21, s2  }
0x9d: {  	[timem:s6], [sflag:s22] =	dma.local [hbm:s4], s20  }
0x9e: {  	_ =	swait.ge [sflag:s22], s20  }
0x9f: {  	s3 =	ssub.s32 $0x0, s20;
	[sflag:s22] =	ssyncset.done $0x0  }
0xa0: {  	[sflag:s22] =	ssyncadd.s32 s3;
	_ =	sdelay $0x1  }
0xa1: {  	s23 =	simm.s32 $0x1B8B  }
0xa2: {  	_ =	swait.ge [sflag:s23], $0x1  }
0xa3: {  	[sflag:s23] =	ssyncset.done $0x0  }
0xa4: {  	s25 =	simm.s32 $0x1B8E;
	s24 =	sld [smem:$0x3FFE];
	[sflag:s23] =	ssyncadd.s32 $0xFFFFFFFF  }
0xa5: {  	s26 =	simm.s32 $execute0_lowered;
	[smem:$0x3FD2] =	sst s25  }
0xa6: {  	s4 =	sshll.u32 s26, $0x1;
	_ =	strace $0x80000049;
	[dreg:$0x1] =	wrdreg $0xFFFFFFFF  }
0xa7: {  	s28 =	simm.s32 $_size_execute0_lowered;
	s2 =	sadd.s32 s2, s4;
	[dreg:$0x0] =	wrdreg $0x0  }
0xa8: {  	s4 =	sshll.u32 s28, $0x1;
	[dreg:$0x2] =	wrdreg s2  }
0xa9: {  	[dreg:$0x3] =	wrdreg s4  }
0xaa: {  	[dreg:$0x4] =	wrdreg $0xC0  }
0xab: {  	_ =	task [dreg:s6], $0x5FFFF  }
0xac: {  	[dreg:$0x1] =	wrdreg $0xFFFFFFFF  }
0xad: {  	[dreg:$0x0] =	wrdreg $0x60  }
0xae: {  	[dreg:$0x2] =	wrdreg s24  }
0xaf: {  	[dreg:$0x3] =	wrdreg $0x90000  }
0xb0: {  	[dreg:$0x4] =	wrdreg $0x9  }
0xb1: {  	_ =	task.clear_ibuf [dreg:s6], $0x5FFFF;
	_ =	strace $0x90000049  }
0xb2: {  	s29 =	simm.s32 $0x9;
	_ =	strace $0x8000004B  }
0xb3: {  	_ =	swait.ge [sflag:s29], $0x1  }
0xb4: {  	[sflag:s29] =	ssyncadd.s32 $0xFFFFFFFF  }
0xb5: {  	_ =	strace $0x9000004B  }
0xb6: {  	_ =	sfence  }
0xb7: {  	s30 =	sld [smem:$0x0];
	_ =	sdelay $0x2  }
0xb8: {  	s31 =	sshll.u32 s1, $0xD;
	s1 =	sshrl.u32 s1, $0x2  }
0xb9: {  	s3 =	sand.u32 $0x4000, s31;
	s1 =	sadd.s32 s1, s30  }
0xba: {  	s0 =	sor.u32 s3, s0;
	s1 =	sshll.u32 s1, $0x11  }
0xbb: {  	s0 =	sor.u32 s1, s0  }
0xbc: {  	s0 =	sadd.s32 $0x8F2B, s0  }
0xbd: {  	[sflag:s0] =	ssyncadd.remote.s32 $0x1  }
0xbe: {  	_ =	sfence.sel $0xFFFF  }
0xbf: {  	[dreg:$0x0] =	wrdreg $0xFFFFFFFF;
	(pc) =	sbr.abs _section_cstart, $3  }
0xc0: {  	[dreg:$0x1] =	wrdreg $0xFFFFFFFF  }
0xc1: {  	_ =	task.clear_ibuf [dreg:s6], $0x2FFFF;
	_ =	strace $0x9FFFFFFF  }
0xc2: {  	(tm) =	ssettm $0x7FFFFFFF  }
0xc3: {  	_ =	shalt  }
tec
execute0_lowered:
.L_overlay_start_1:
0x0: {  	(tag) =	ssettag $0x1  }
0x1: {  	s0 =	srdreg.scid  }
0x2: {  	s1 =	rddreg [dreg:$0x0];
	s8 =	stileid.u32  }
0x3: {  	s2 =	rddreg [dreg:$0x1];
	s28 =	simm.s32 $0x80;
	s29 =	simm.s32 $0x1  }
0x4: {  	s30 =	simm.s32 $0x5000;
	s0 =	sand.u32 $0x1, s0;
	s7 =	smul.u32 $0x14000, s8  }
0x5: {  	s31 =	simm.s32 $0x2;
	s3 =	sshll.u32 s0, $0x4;
	s6 =	smul.u32 $0x140000, s0  }
0x6: {  	s0 =	ssub.s32 $0x2, s0;
	s4 =	sor.u32 s8, s3;
	s8 =	smul.u32 $0x50000, s8  }
0x7: {  	s3 =	simm.s32 $0x0;
	s10 =	sshrl.u32 s0, $0x1;
	s5 =	smul.u32 $0x2800, s4  }
0x8: {  	[smem:$0x7FF] =	sst s3;
	s4 =	sadd.s32 $0x16A00, s1;
	s0 =	ssub.s32 s0, s10  }
0x9: {  	s7 =	sadd.s32 s7, s6;
	s11 =	sshrl.u32 s8, $0x2;
	s0 =	smax.u32 s0, $0x1  }
0xa: {  	_ =	strace $0x8000004A;
	s12 =	sadd.s32 s11, s2;
	[dreg:$0x12] =	wrdreg s0  }
0xb: {  	s6 =	simm.s32 $0x1D880;
	s13 =	sadd.s32 $0x4000, s12;
	[dreg:$0x13] =	wrdreg s12  }
0xc: {  	s10 =	simm.s32 $0x1D980;
	s14 =	sadd.s32 $0x8000, s12;
	[dreg:$0x3] =	wrdreg s13  }
0xd: {  	s5 =	sshrl.u32 s5, $0x3;
	s15 =	sadd.s32 $0xC000, s12;
	[dreg:$0x4] =	wrdreg s14  }
0xe: {  	s9 =	sadd.s32 s5, s1;
	s16 =	sadd.s32 $0x10000, s12;
	[dreg:$0x5] =	wrdreg s15  }
0xf: {  	s8 =	simm.s32 $0x1D900;
	[dreg:$0x6] =	wrdreg s16;
	s17 =	sadd.s32 $0x2A00, s9  }
0x10: {  	s11 =	simm.s32 $0x1D280;
	s18 =	sadd.s32 $0xCA00, s9;
	[dreg:$0x7] =	wrdreg s17  }
0x11: {  	s5 =	sshrl.u32 s7, $0x3;
	s19 =	sadd.s32 $0x2B00, s9;
	[dreg:$0x8] =	wrdreg s18  }
0x12: {  	s7 =	simm.s32 $0x1D180;
	s20 =	sadd.s32 $0xCB00, s9;
	[dreg:$0x9] =	wrdreg s19  }
0x13: {  	s12 =	simm.s32 $0x1DA00;
	s21 =	sadd.s32 $0x2C00, s9;
	[dreg:$0xa] =	wrdreg s20  }
0x14: {  	s1 =	sadd.s32 s5, s1;
	s22 =	sadd.s32 $0xCC00, s9;
	[dreg:$0xb] =	wrdreg s21  }
0x15: {  	s23 =	sadd.s32 $0x2D00, s9;
	s24 =	sadd.s32 $0xCD00, s9;
	[dreg:$0xc] =	wrdreg s22  }
0x16: {  	s25 =	sadd.s32 $0x2E00, s9;
	s26 =	sadd.s32 $0xCE00, s9;
	[dreg:$0xd] =	wrdreg s23  }
0x17: {  	s15 =	simm.s32 $0x3;
	s16 =	simm.s32 $0x4;
	[dreg:$0xe] =	wrdreg s24  }
0x18: {  	s5 =	simm.s32 $0x1D800;
	s9 =	simm.s32 $0x1D200;
	[dreg:$0xf] =	wrdreg s25  }
0x19: {  	s13 =	simm.s32 $0x1D300;
	s14 =	simm.s32 $0x1DA80;
	[dreg:$0x10] =	wrdreg s26  }
0x1a: {  	s1 =	sadd.s32 $0x3EA00, s1;
	s22 =	simm.s32 $0x1000;
	s23 =	simm.s32 $0x5  }
0x1b: {  	s17 =	simm.s32 $0x0;
	s26 =	simm.s32 $0x1D000;
	s24 =	simm.s32 $0x1D080  }
0x1c: {  	v0 =	vimm.f32 $0.0e+00;
	s21 =	simm.s32 $0x1D380;
	s25 =	simm.s32 $0x1DB00;
	[dreg:$0x11] =	wrdreg s1  }
.LBB2_1:
0x1d: {  	s18 =	simm.s32 $0x0;
	s19 =	simm.s32 $0x200  }
.LBB2_2:
0x1e: {  	p0 =	sne.s32 s19, $0xFE00;
	[tilespmem:s18+$0x1070] =	vst v0  }
0x1f: {  	[tilespmem:s18+$0x1000] =	vst v0  }
0x20: {  	[tilespmem:s18+$0x1010] =	vst v0  }
.Ltmp0:
0x21: {  	[tilespmem:s18+$0x1020] =	vst v0;
	(pc) =	sbr.rel @p0 .LBB2_2-.Ltmp0, $4  }
0x22: {  	[tilespmem:s18+$0x1030] =	vst v0  }
0x23: {  	[tilespmem:s18+$0x1040] =	vst v0  }
0x24: {  	[tilespmem:s18+$0x1050] =	vst v0  }
0x25: {  	[tilespmem:s18+$0x1060] =	vst v0;
	s18 =	sshra.s32 s19, $0x2;
	s19 =	sadd.s32 $0x200, s19  }
0x26: {  	[tilespmem:s18+$0x1070] =	vst v0  }
0x27: {  	[tilespmem:s18+$0x1000] =	vst v0  }
0x28: {  	[tilespmem:s18+$0x1010] =	vst v0  }
0x29: {  	[tilespmem:s18+$0x1020] =	vst v0  }
0x2a: {  	[tilespmem:s18+$0x1030] =	vst v0  }
0x2b: {  	[tilespmem:s18+$0x1040] =	vst v0  }
0x2c: {  	[tilespmem:s18+$0x1050] =	vst v0  }
0x2d: {  	[tilespmem:s18+$0x1060] =	vst v0;
	s0 =	rddreg [dreg:$0x13]  }
0x2e: {  	[spmem:s0] =	stream.linear.scatter [tilespmem:s22], [sflag:$0x5], $0x4000, $0x38;
	[tilespmem:$0x1E000] =	vst v63  }
0x2f: {  	_ =	swait.ge [sflag:s23], $0x4000  }
0x30: {  	[sflag:s23] =	ssyncset.done $0x0  }
0x31: {  	s1 =	rddreg [dreg:$0x3];
	[sflag:s23] =	ssyncadd.s32 $0xFFFFC000  }
0x32: {  	[spmem:s1] =	stream.linear.scatter [tilespmem:s22], [sflag:$0x5], $0x4000, $0x38;
	[tilespmem:$0x1E000] =	vst v63  }
0x33: {  	_ =	swait.ge [sflag:s23], $0x4000  }
0x34: {  	[sflag:s23] =	ssyncset.done $0x0  }
0x35: {  	s19 =	rddreg [dreg:$0x4];
	[sflag:s23] =	ssyncadd.s32 $0xFFFFC000  }
0x36: {  	[spmem:s19] =	stream.linear.scatter [tilespmem:s22], [sflag:$0x5], $0x4000, $0x38;
	[tilespmem:$0x1E000] =	vst v63  }
0x37: {  	_ =	swait.ge [sflag:s23], $0x4000  }
0x38: {  	[sflag:s23] =	ssyncset.done $0x0  }
0x39: {  	s20 =	rddreg [dreg:$0x5];
	[sflag:s23] =	ssyncadd.s32 $0xFFFFC000  }
0x3a: {  	[spmem:s20] =	stream.linear.scatter [tilespmem:s22], [sflag:$0x5], $0x4000, $0x38;
	[tilespmem:$0x1E000] =	vst v63  }
0x3b: {  	_ =	swait.ge [sflag:s23], $0x4000  }
0x3c: {  	[sflag:s23] =	ssyncset.done $0x0  }
0x3d: {  	s0 =	rddreg [dreg:$0x6];
	[sflag:s23] =	ssyncadd.s32 $0xFFFFC000  }
0x3e: {  	[spmem:s0] =	stream.linear.scatter [tilespmem:s22], [sflag:$0x5], $0x4000, $0x38;
	[tilespmem:$0x1E000] =	vst v63  }
0x3f: {  	_ =	swait.ge [sflag:s23], $0x4000  }
0x40: {  	[sflag:s23] =	ssyncset.done $0x0  }
0x41: {  	[sflag:s23] =	ssyncadd.s32 $0xFFFFC000  }
0x42: {  	[bflag:$0x0] =	sbarrier.arrive $0xFFFF  }
0x43: {  	s1 =	rddreg [dreg:$0x7]  }
0x44: {  	[tilespmem:s3], [sflag:$0x5] =	stream.linear.gather [hbm4b:s1+s3], $0x800, $0x38;
	[tilespmem:$0x1E000] =	vst v63  }
0x45: {  	_ =	swait.ge [sflag:s23], $0x800  }
0x46: {  	[sflag:s23] =	ssyncset.done $0x0  }
0x47: {  	s0 =	simm.s32 $0x800;
	s19 =	rddreg [dreg:$0x8];
	[sflag:s23] =	ssyncadd.s32 $0xFFFFF800  }
0x48: {  	[tilespmem:s0], [sflag:$0x5] =	stream.linear.gather [hbm4b:s19+s3], $0x800, $0x38;
	[tilespmem:$0x1E000] =	vst v63  }
0x49: {  	_ =	swait.ge [sflag:s23], $0x800  }
0x4a: {  	[sflag:s23] =	ssyncset.done $0x0  }
0x4b: {  	s20 =	rddreg [dreg:$0x9];
	[sflag:s23] =	ssyncadd.s32 $0xFFFFF800  }
0x4c: {  	[tilespmem:s26], [sflag:$0x3] =	stream.linear.gather [hbm4b:s20+s3], $0x800, $0x38;
	[tilespmem:$0x1E000] =	vst v63  }
0x4d: {  	s1 =	rddreg [dreg:$0xa]  }
0x4e: {  	[tilespmem:s5], [sflag:$0x4] =	stream.linear.gather [hbm4b:s1+s3], $0x800, $0x38;
	[tilespmem:$0x1E000] =	vst v63  }
0x4f: {  	_ = 	snop  }
0x50: {  	[tilespmem:s22], [sflag:$0x1] =	stream.indirect.gather [hbm4b:s4+s28], $0x80, s3, s28, $0xb8;
	[tilespmem:$0x1E000] =	vst v63  }
0x51: {  	_ =	swait.ge [sflag:s29], $0x4000  }
0x52: {  	[sflag:s29] =	ssyncset.done $0x0  }
0x53: {  	[sflag:s29] =	ssyncadd.s32 $0xFFFFC000  }
0x54: {  	[tilespmem:s30], [sflag:$0x2] =	stream.indirect.gather [hbm4b:s4+s28], $0x80, s28, s28, $0xb8;
	[tilespmem:$0x1E000] =	vst v63  }
0x55: {  	_ = 	snop  }
0x56: {  	[spmem:s2] =	stream.indirect.scatter.add.f32 [tilespmem:s22], [sflag:$0x5], $0x80, s0, s28, $0xb8;
	[tilespmem:$0x1E000] =	vst v63  }
0x57: {  	_ =	swait.ge [sflag:s23], $0x4000  }
0x58: {  	[sflag:s23] =	ssyncset.done $0x0  }
0x59: {  	[sflag:s23] =	ssyncadd.s32 $0xFFFFC000  }
0x5a: {  	_ =	swait.ge [sflag:s31], $0x4000  }
0x5b: {  	[sflag:s31] =	ssyncset.done $0x0  }
0x5c: {  	s1 =	simm.s32 $0x100;
	[sflag:s31] =	ssyncadd.s32 $0xFFFFC000  }
0x5d: {  	[tilespmem:s22], [sflag:$0x1] =	stream.indirect.gather [hbm4b:s4+s28], $0x80, s1, s28, $0xb8;
	[tilespmem:$0x1E000] =	vst v63  }
0x5e: {  	s19 =	simm.s32 $0x880  }
0x5f: {  	[spmem:s2] =	stream.indirect.scatter.add.f32 [tilespmem:s30], [sflag:$0x5], $0x80, s19, s28, $0xb8;
	[tilespmem:$0x1E000] =	vst v63  }
0x60: {  	_ =	swait.ge [sflag:s23], $0x4000  }
0x61: {  	[sflag:s23] =	ssyncset.done $0x0  }
0x62: {  	[sflag:s23] =	ssyncadd.s32 $0xFFFFC000  }
0x63: {  	_ =	swait.ge [sflag:s29], $0x4000  }
0x64: {  	[sflag:s29] =	ssyncset.done $0x0  }
0x65: {  	s20 =	simm.s32 $0x180;
	[sflag:s29] =	ssyncadd.s32 $0xFFFFC000  }
0x66: {  	[tilespmem:s30], [sflag:$0x2] =	stream.indirect.gather [hbm4b:s4+s28], $0x80, s20, s28, $0xb8;
	[tilespmem:$0x1E000] =	vst v63  }
0x67: {  	s18 =	simm.s32 $0x900  }
0x68: {  	[spmem:s2] =	stream.indirect.scatter.add.f32 [tilespmem:s22], [sflag:$0x5], $0x80, s18, s28, $0xb8;
	[tilespmem:$0x1E000] =	vst v63  }
0x69: {  	_ =	swait.ge [sflag:s23], $0x4000  }
0x6a: {  	[sflag:s23] =	ssyncset.done $0x0  }
0x6b: {  	[sflag:s23] =	ssyncadd.s32 $0xFFFFC000  }
0x6c: {  	_ =	swait.ge [sflag:s31], $0x4000  }
0x6d: {  	[sflag:s31] =	ssyncset.done $0x0  }
0x6e: {  	s19 =	simm.s32 $0x200;
	[sflag:s31] =	ssyncadd.s32 $0xFFFFC000  }
0x6f: {  	[tilespmem:s22], [sflag:$0x1] =	stream.indirect.gather [hbm4b:s4+s28], $0x80, s19, s28, $0xb8;
	[tilespmem:$0x1E000] =	vst v63  }
0x70: {  	s20 =	simm.s32 $0x980  }
0x71: {  	[spmem:s2] =	stream.indirect.scatter.add.f32 [tilespmem:s30], [sflag:$0x5], $0x80, s20, s28, $0xb8;
	[tilespmem:$0x1E000] =	vst v63  }
0x72: {  	_ =	swait.ge [sflag:s23], $0x4000  }
0x73: {  	[sflag:s23] =	ssyncset.done $0x0  }
0x74: {  	[sflag:s23] =	ssyncadd.s32 $0xFFFFC000  }
0x75: {  	_ =	swait.ge [sflag:s29], $0x4000  }
0x76: {  	[sflag:s29] =	ssyncset.done $0x0  }
0x77: {  	s18 =	simm.s32 $0x280;
	[sflag:s29] =	ssyncadd.s32 $0xFFFFC000  }
0x78: {  	[tilespmem:s30], [sflag:$0x2] =	stream.indirect.gather [hbm4b:s4+s28], $0x80, s18, s28, $0xb8;
	[tilespmem:$0x1E000] =	vst v63  }
0x79: {  	s19 =	simm.s32 $0xA00  }
0x7a: {  	[spmem:s2] =	stream.indirect.scatter.add.f32 [tilespmem:s22], [sflag:$0x5], $0x80, s19, s28, $0xb8;
	[tilespmem:$0x1E000] =	vst v63  }
0x7b: {  	_ =	swait.ge [sflag:s23], $0x4000  }
0x7c: {  	[sflag:s23] =	ssyncset.done $0x0  }
0x7d: {  	[sflag:s23] =	ssyncadd.s32 $0xFFFFC000  }
0x7e: {  	_ =	swait.ge [sflag:s31], $0x4000  }
0x7f: {  	[sflag:s31] =	ssyncset.done $0x0  }
0x80: {  	s20 =	simm.s32 $0x300;
	[sflag:s31] =	ssyncadd.s32 $0xFFFFC000  }
0x81: {  	[tilespmem:s22], [sflag:$0x1] =	stream.indirect.gather [hbm4b:s4+s28], $0x80, s20, s28, $0xb8;
	[tilespmem:$0x1E000] =	vst v63  }
0x82: {  	s18 =	simm.s32 $0xA80  }
0x83: {  	[spmem:s2] =	stream.indirect.scatter.add.f32 [tilespmem:s30], [sflag:$0x5], $0x80, s18, s28, $0xb8;
	[tilespmem:$0x1E000] =	vst v63  }
0x84: {  	_ =	swait.ge [sflag:s23], $0x4000  }
0x85: {  	[sflag:s23] =	ssyncset.done $0x0  }
0x86: {  	[sflag:s23] =	ssyncadd.s32 $0xFFFFC000  }
0x87: {  	_ =	swait.ge [sflag:s29], $0x4000  }
0x88: {  	[sflag:s29] =	ssyncset.done $0x0  }
0x89: {  	s19 =	simm.s32 $0x380;
	[sflag:s29] =	ssyncadd.s32 $0xFFFFC000  }
0x8a: {  	[tilespmem:s30], [sflag:$0x2] =	stream.indirect.gather [hbm4b:s4+s28], $0x80, s19, s28, $0xb8;
	[tilespmem:$0x1E000] =	vst v63  }
0x8b: {  	s20 =	simm.s32 $0xB00  }
0x8c: {  	[spmem:s2] =	stream.indirect.scatter.add.f32 [tilespmem:s22], [sflag:$0x5], $0x80, s20, s28, $0xb8;
	[tilespmem:$0x1E000] =	vst v63  }
0x8d: {  	_ =	swait.ge [sflag:s23], $0x4000  }
0x8e: {  	[sflag:s23] =	ssyncset.done $0x0  }
0x8f: {  	[sflag:s23] =	ssyncadd.s32 $0xFFFFC000  }
0x90: {  	_ =	swait.ge [sflag:s31], $0x4000  }
0x91: {  	[sflag:s31] =	ssyncset.done $0x0  }
0x92: {  	s18 =	simm.s32 $0x400;
	[sflag:s31] =	ssyncadd.s32 $0xFFFFC000  }
0x93: {  	[tilespmem:s22], [sflag:$0x1] =	stream.indirect.gather [hbm4b:s4+s28], $0x80, s18, s28, $0xb8;
	[tilespmem:$0x1E000] =	vst v63  }
0x94: {  	s19 =	simm.s32 $0xB80  }
0x95: {  	[spmem:s2] =	stream.indirect.scatter.add.f32 [tilespmem:s30], [sflag:$0x5], $0x80, s19, s28, $0xb8;
	[tilespmem:$0x1E000] =	vst v63  }
0x96: {  	_ =	swait.ge [sflag:s23], $0x4000  }
0x97: {  	[sflag:s23] =	ssyncset.done $0x0  }
0x98: {  	[sflag:s23] =	ssyncadd.s32 $0xFFFFC000  }
0x99: {  	_ =	swait.ge [sflag:s29], $0x4000  }
0x9a: {  	[sflag:s29] =	ssyncset.done $0x0  }
0x9b: {  	s20 =	simm.s32 $0x480;
	[sflag:s29] =	ssyncadd.s32 $0xFFFFC000  }
0x9c: {  	[tilespmem:s30], [sflag:$0x2] =	stream.indirect.gather [hbm4b:s4+s28], $0x80, s20, s28, $0xb8;
	[tilespmem:$0x1E000] =	vst v63  }
0x9d: {  	s18 =	simm.s32 $0xC00  }
0x9e: {  	[spmem:s2] =	stream.indirect.scatter.add.f32 [tilespmem:s22], [sflag:$0x5], $0x80, s18, s28, $0xb8;
	[tilespmem:$0x1E000] =	vst v63  }
0x9f: {  	_ =	swait.ge [sflag:s23], $0x4000  }
0xa0: {  	[sflag:s23] =	ssyncset.done $0x0  }
0xa1: {  	[sflag:s23] =	ssyncadd.s32 $0xFFFFC000  }
0xa2: {  	_ =	swait.ge [sflag:s31], $0x4000  }
0xa3: {  	[sflag:s31] =	ssyncset.done $0x0  }
0xa4: {  	s19 =	simm.s32 $0x500;
	[sflag:s31] =	ssyncadd.s32 $0xFFFFC000  }
0xa5: {  	[tilespmem:s22], [sflag:$0x1] =	stream.indirect.gather [hbm4b:s4+s28], $0x80, s19, s28, $0xb8;
	[tilespmem:$0x1E000] =	vst v63  }
0xa6: {  	s20 =	simm.s32 $0xC80  }
0xa7: {  	[spmem:s2] =	stream.indirect.scatter.add.f32 [tilespmem:s30], [sflag:$0x5], $0x80, s20, s28, $0xb8;
	[tilespmem:$0x1E000] =	vst v63  }
0xa8: {  	_ =	swait.ge [sflag:s23], $0x4000  }
0xa9: {  	[sflag:s23] =	ssyncset.done $0x0  }
0xaa: {  	[sflag:s23] =	ssyncadd.s32 $0xFFFFC000  }
0xab: {  	_ =	swait.ge [sflag:s29], $0x4000  }
0xac: {  	[sflag:s29] =	ssyncset.done $0x0  }
0xad: {  	s18 =	simm.s32 $0x580;
	[sflag:s29] =	ssyncadd.s32 $0xFFFFC000  }
0xae: {  	[tilespmem:s30], [sflag:$0x2] =	stream.indirect.gather [hbm4b:s4+s28], $0x80, s18, s28, $0xb8;
	[tilespmem:$0x1E000] =	vst v63  }
0xaf: {  	s19 =	simm.s32 $0xD00  }
0xb0: {  	[spmem:s2] =	stream.indirect.scatter.add.f32 [tilespmem:s22], [sflag:$0x5], $0x80, s19, s28, $0xb8;
	[tilespmem:$0x1E000] =	vst v63  }
0xb1: {  	_ =	swait.ge [sflag:s23], $0x4000  }
0xb2: {  	[sflag:s23] =	ssyncset.done $0x0  }
0xb3: {  	[sflag:s23] =	ssyncadd.s32 $0xFFFFC000  }
0xb4: {  	_ =	swait.ge [sflag:s31], $0x4000  }
0xb5: {  	[sflag:s31] =	ssyncset.done $0x0  }
0xb6: {  	s20 =	simm.s32 $0x600;
	[sflag:s31] =	ssyncadd.s32 $0xFFFFC000  }
0xb7: {  	[tilespmem:s22], [sflag:$0x1] =	stream.indirect.gather [hbm4b:s4+s28], $0x80, s20, s28, $0xb8;
	[tilespmem:$0x1E000] =	vst v63  }
0xb8: {  	s18 =	simm.s32 $0xD80  }
0xb9: {  	[spmem:s2] =	stream.indirect.scatter.add.f32 [tilespmem:s30], [sflag:$0x5], $0x80, s18, s28, $0xb8;
	[tilespmem:$0x1E000] =	vst v63  }
0xba: {  	_ =	swait.ge [sflag:s23], $0x4000  }
0xbb: {  	[sflag:s23] =	ssyncset.done $0x0  }
0xbc: {  	[sflag:s23] =	ssyncadd.s32 $0xFFFFC000  }
0xbd: {  	_ =	swait.ge [sflag:s29], $0x4000  }
0xbe: {  	[sflag:s29] =	ssyncset.done $0x0  }
0xbf: {  	s19 =	simm.s32 $0x680;
	[sflag:s29] =	ssyncadd.s32 $0xFFFFC000  }
0xc0: {  	[tilespmem:s30], [sflag:$0x2] =	stream.indirect.gather [hbm4b:s4+s28], $0x80, s19, s28, $0xb8;
	[tilespmem:$0x1E000] =	vst v63  }
0xc1: {  	s20 =	simm.s32 $0xE00  }
0xc2: {  	[spmem:s2] =	stream.indirect.scatter.add.f32 [tilespmem:s22], [sflag:$0x5], $0x80, s20, s28, $0xb8;
	[tilespmem:$0x1E000] =	vst v63  }
0xc3: {  	_ =	swait.ge [sflag:s23], $0x4000  }
0xc4: {  	[sflag:s23] =	ssyncset.done $0x0  }
0xc5: {  	[sflag:s23] =	ssyncadd.s32 $0xFFFFC000  }
0xc6: {  	_ =	swait.ge [sflag:s31], $0x4000  }
0xc7: {  	[sflag:s31] =	ssyncset.done $0x0  }
0xc8: {  	s18 =	simm.s32 $0x700;
	[sflag:s31] =	ssyncadd.s32 $0xFFFFC000  }
0xc9: {  	[tilespmem:s22], [sflag:$0x1] =	stream.indirect.gather [hbm4b:s4+s28], $0x80, s18, s28, $0xb8;
	[tilespmem:$0x1E000] =	vst v63  }
0xca: {  	s19 =	simm.s32 $0xE80  }
0xcb: {  	[spmem:s2] =	stream.indirect.scatter.add.f32 [tilespmem:s30], [sflag:$0x5], $0x80, s19, s28, $0xb8;
	[tilespmem:$0x1E000] =	vst v63  }
0xcc: {  	_ =	swait.ge [sflag:s23], $0x4000  }
0xcd: {  	[sflag:s23] =	ssyncset.done $0x0  }
0xce: {  	[sflag:s23] =	ssyncadd.s32 $0xFFFFC000  }
0xcf: {  	_ =	swait.ge [sflag:s29], $0x4000  }
0xd0: {  	[sflag:s29] =	ssyncset.done $0x0  }
0xd1: {  	s20 =	simm.s32 $0x780;
	[sflag:s29] =	ssyncadd.s32 $0xFFFFC000  }
0xd2: {  	[tilespmem:s30], [sflag:$0x2] =	stream.indirect.gather [hbm4b:s4+s28], $0x80, s20, s28, $0xb8;
	[tilespmem:$0x1E000] =	vst v63  }
0xd3: {  	s18 =	simm.s32 $0xF00  }
0xd4: {  	[spmem:s2] =	stream.indirect.scatter.add.f32 [tilespmem:s22], [sflag:$0x5], $0x80, s18, s28, $0xb8;
	[tilespmem:$0x1E000] =	vst v63  }
0xd5: {  	_ =	swait.ge [sflag:s23], $0x4000  }
0xd6: {  	[sflag:s23] =	ssyncset.done $0x0  }
0xd7: {  	[sflag:s23] =	ssyncadd.s32 $0xFFFFC000  }
0xd8: {  	_ =	swait.ge [sflag:s31], $0x4000  }
0xd9: {  	[sflag:s31] =	ssyncset.done $0x0  }
0xda: {  	s19 =	simm.s32 $0xF80;
	[sflag:s31] =	ssyncadd.s32 $0xFFFFC000  }
0xdb: {  	[spmem:s2] =	stream.indirect.scatter.add.f32 [tilespmem:s30], [sflag:$0x5], $0x80, s19, s28, $0xb8;
	[tilespmem:$0x1E000] =	vst v63  }
0xdc: {  	_ =	swait.ge [sflag:s23], $0x4000  }
0xdd: {  	[sflag:s23] =	ssyncset.done $0x0  }
0xde: {  	[sflag:s23] =	ssyncadd.s32 $0xFFFFC000  }
0xdf: {  	_ =	swait.ge [sflag:s15], $0x800  }
0xe0: {  	[sflag:s15] =	ssyncset.done $0x0  }
0xe1: {  	[sflag:s15] =	ssyncadd.s32 $0xFFFFF800  }
0xe2: {  	_ =	swait.ge [sflag:s16], $0x800  }
0xe3: {  	[sflag:s16] =	ssyncset.done $0x0  }
0xe4: {  	s20 =	rddreg [dreg:$0xb];
	[sflag:s16] =	ssyncadd.s32 $0xFFFFF800  }
0xe5: {  	[tilespmem:s3], [sflag:$0x3] =	stream.linear.gather [hbm4b:s20+s3], $0x800, $0x38;
	[tilespmem:$0x1E000] =	vst v63  }
0xe6: {  	s1 =	rddreg [dreg:$0xc]  }
0xe7: {  	[tilespmem:s0], [sflag:$0x4] =	stream.linear.gather [hbm4b:s1+s3], $0x800, $0x38;
	[tilespmem:$0x1E000] =	vst v63  }
0xe8: {  	_ = 	snop  }
0xe9: {  	[tilespmem:s22], [sflag:$0x1] =	stream.indirect.gather [hbm4b:s4+s28], $0x80, s26, s28, $0xb8;
	[tilespmem:$0x1E000] =	vst v63  }
0xea: {  	_ =	swait.ge [sflag:s29], $0x4000  }
0xeb: {  	[sflag:s29] =	ssyncset.done $0x0  }
0xec: {  	[sflag:s29] =	ssyncadd.s32 $0xFFFFC000  }
0xed: {  	[tilespmem:s30], [sflag:$0x2] =	stream.indirect.gather [hbm4b:s4+s28], $0x80, s24, s28, $0xb8;
	[tilespmem:$0x1E000] =	vst v63  }
0xee: {  	_ = 	snop  }
0xef: {  	[spmem:s2] =	stream.indirect.scatter.add.f32 [tilespmem:s22], [sflag:$0x5], $0x80, s5, s28, $0xb8;
	[tilespmem:$0x1E000] =	vst v63  }
0xf0: {  	_ =	swait.ge [sflag:s23], $0x4000  }
0xf1: {  	[sflag:s23] =	ssyncset.done $0x0  }
0xf2: {  	[sflag:s23] =	ssyncadd.s32 $0xFFFFC000  }
0xf3: {  	_ =	swait.ge [sflag:s31], $0x4000  }
0xf4: {  	[sflag:s31] =	ssyncset.done $0x0  }
0xf5: {  	s1 =	simm.s32 $0x1D100;
	[sflag:s31] =	ssyncadd.s32 $0xFFFFC000  }
0xf6: {  	[tilespmem:s22], [sflag:$0x1] =	stream.indirect.gather [hbm4b:s4+s28], $0x80, s1, s28, $0xb8;
	[tilespmem:$0x1E000] =	vst v63  }
0xf7: {  	_ = 	snop  }
0xf8: {  	[spmem:s2] =	stream.indirect.scatter.add.f32 [tilespmem:s30], [sflag:$0x5], $0x80, s6, s28, $0xb8;
	[tilespmem:$0x1E000] =	vst v63  }
0xf9: {  	_ =	swait.ge [sflag:s23], $0x4000  }
0xfa: {  	[sflag:s23] =	ssyncset.done $0x0  }
0xfb: {  	[sflag:s23] =	ssyncadd.s32 $0xFFFFC000  }
0xfc: {  	_ =	swait.ge [sflag:s29], $0x4000  }
0xfd: {  	[sflag:s29] =	ssyncset.done $0x0  }
0xfe: {  	[sflag:s29] =	ssyncadd.s32 $0xFFFFC000  }
0xff: {  	[tilespmem:s30], [sflag:$0x2] =	stream.indirect.gather [hbm4b:s4+s28], $0x80, s7, s28, $0xb8;
	[tilespmem:$0x1E000] =	vst v63  }
0x100: {  	_ = 	snop  }
0x101: {  	[spmem:s2] =	stream.indirect.scatter.add.f32 [tilespmem:s22], [sflag:$0x5], $0x80, s8, s28, $0xb8;
	[tilespmem:$0x1E000] =	vst v63  }
0x102: {  	_ =	swait.ge [sflag:s23], $0x4000  }
0x103: {  	[sflag:s23] =	ssyncset.done $0x0  }
0x104: {  	[sflag:s23] =	ssyncadd.s32 $0xFFFFC000  }
0x105: {  	_ =	swait.ge [sflag:s31], $0x4000  }
0x106: {  	[sflag:s31] =	ssyncset.done $0x0  }
0x107: {  	[sflag:s31] =	ssyncadd.s32 $0xFFFFC000  }
0x108: {  	[tilespmem:s22], [sflag:$0x1] =	stream.indirect.gather [hbm4b:s4+s28], $0x80, s9, s28, $0xb8;
	[tilespmem:$0x1E000] =	vst v63  }
0x109: {  	_ = 	snop  }
0x10a: {  	[spmem:s2] =	stream.indirect.scatter.add.f32 [tilespmem:s30], [sflag:$0x5], $0x80, s10, s28, $0xb8;
	[tilespmem:$0x1E000] =	vst v63  }
0x10b: {  	_ =	swait.ge [sflag:s23], $0x4000  }
0x10c: {  	[sflag:s23] =	ssyncset.done $0x0  }
0x10d: {  	[sflag:s23] =	ssyncadd.s32 $0xFFFFC000  }
0x10e: {  	_ =	swait.ge [sflag:s29], $0x4000  }
0x10f: {  	[sflag:s29] =	ssyncset.done $0x0  }
0x110: {  	[sflag:s29] =	ssyncadd.s32 $0xFFFFC000  }
0x111: {  	[tilespmem:s30], [sflag:$0x2] =	stream.indirect.gather [hbm4b:s4+s28], $0x80, s11, s28, $0xb8;
	[tilespmem:$0x1E000] =	vst v63  }
0x112: {  	_ = 	snop  }
0x113: {  	[spmem:s2] =	stream.indirect.scatter.add.f32 [tilespmem:s22], [sflag:$0x5], $0x80, s12, s28, $0xb8;
	[tilespmem:$0x1E000] =	vst v63  }
0x114: {  	_ =	swait.ge [sflag:s23], $0x4000  }
0x115: {  	[sflag:s23] =	ssyncset.done $0x0  }
0x116: {  	[sflag:s23] =	ssyncadd.s32 $0xFFFFC000  }
0x117: {  	_ =	swait.ge [sflag:s31], $0x4000  }
0x118: {  	[sflag:s31] =	ssyncset.done $0x0  }
0x119: {  	[sflag:s31] =	ssyncadd.s32 $0xFFFFC000  }
0x11a: {  	[tilespmem:s22], [sflag:$0x1] =	stream.indirect.gather [hbm4b:s4+s28], $0x80, s13, s28, $0xb8;
	[tilespmem:$0x1E000] =	vst v63  }
0x11b: {  	_ = 	snop  }
0x11c: {  	[spmem:s2] =	stream.indirect.scatter.add.f32 [tilespmem:s30], [sflag:$0x5], $0x80, s14, s28, $0xb8;
	[tilespmem:$0x1E000] =	vst v63  }
0x11d: {  	_ =	swait.ge [sflag:s23], $0x4000  }
0x11e: {  	[sflag:s23] =	ssyncset.done $0x0  }
0x11f: {  	[sflag:s23] =	ssyncadd.s32 $0xFFFFC000  }
0x120: {  	_ =	swait.ge [sflag:s29], $0x4000  }
0x121: {  	[sflag:s29] =	ssyncset.done $0x0  }
0x122: {  	[sflag:s29] =	ssyncadd.s32 $0xFFFFC000  }
0x123: {  	[tilespmem:s30], [sflag:$0x2] =	stream.indirect.gather [hbm4b:s4+s28], $0x80, s21, s28, $0xb8;
	[tilespmem:$0x1E000] =	vst v63  }
0x124: {  	_ = 	snop  }
0x125: {  	[spmem:s2] =	stream.indirect.scatter.add.f32 [tilespmem:s22], [sflag:$0x5], $0x80, s25, s28, $0xb8;
	[tilespmem:$0x1E000] =	vst v63  }
0x126: {  	_ =	swait.ge [sflag:s23], $0x4000  }
0x127: {  	[sflag:s23] =	ssyncset.done $0x0  }
0x128: {  	[sflag:s23] =	ssyncadd.s32 $0xFFFFC000  }
0x129: {  	_ =	swait.ge [sflag:s31], $0x4000  }
0x12a: {  	[sflag:s31] =	ssyncset.done $0x0  }
0x12b: {  	s19 =	simm.s32 $0x1D400;
	[sflag:s31] =	ssyncadd.s32 $0xFFFFC000  }
0x12c: {  	[tilespmem:s22], [sflag:$0x1] =	stream.indirect.gather [hbm4b:s4+s28], $0x80, s19, s28, $0xb8;
	[tilespmem:$0x1E000] =	vst v63  }
0x12d: {  	s20 =	simm.s32 $0x1DB80  }
0x12e: {  	[spmem:s2] =	stream.indirect.scatter.add.f32 [tilespmem:s30], [sflag:$0x5], $0x80, s20, s28, $0xb8;
	[tilespmem:$0x1E000] =	vst v63  }
0x12f: {  	_ =	swait.ge [sflag:s23], $0x4000  }
0x130: {  	[sflag:s23] =	ssyncset.done $0x0  }
0x131: {  	[sflag:s23] =	ssyncadd.s32 $0xFFFFC000  }
0x132: {  	_ =	swait.ge [sflag:s29], $0x4000  }
0x133: {  	[sflag:s29] =	ssyncset.done $0x0  }
0x134: {  	s18 =	simm.s32 $0x1D480;
	[sflag:s29] =	ssyncadd.s32 $0xFFFFC000  }
0x135: {  	[tilespmem:s30], [sflag:$0x2] =	stream.indirect.gather [hbm4b:s4+s28], $0x80, s18, s28, $0xb8;
	[tilespmem:$0x1E000] =	vst v63  }
0x136: {  	s18 =	simm.s32 $0x1DC00  }
0x137: {  	[spmem:s2] =	stream.indirect.scatter.add.f32 [tilespmem:s22], [sflag:$0x5], $0x80, s18, s28, $0xb8;
	[tilespmem:$0x1E000] =	vst v63  }
0x138: {  	_ =	swait.ge [sflag:s23], $0x4000  }
0x139: {  	[sflag:s23] =	ssyncset.done $0x0  }
0x13a: {  	[sflag:s23] =	ssyncadd.s32 $0xFFFFC000  }
0x13b: {  	_ =	swait.ge [sflag:s31], $0x4000  }
0x13c: {  	[sflag:s31] =	ssyncset.done $0x0  }
0x13d: {  	s18 =	simm.s32 $0x1D500;
	[sflag:s31] =	ssyncadd.s32 $0xFFFFC000  }
0x13e: {  	[tilespmem:s22], [sflag:$0x1] =	stream.indirect.gather [hbm4b:s4+s28], $0x80, s18, s28, $0xb8;
	[tilespmem:$0x1E000] =	vst v63  }
0x13f: {  	s18 =	simm.s32 $0x1DC80  }
0x140: {  	[spmem:s2] =	stream.indirect.scatter.add.f32 [tilespmem:s30], [sflag:$0x5], $0x80, s18, s28, $0xb8;
	[tilespmem:$0x1E000] =	vst v63  }
0x141: {  	_ =	swait.ge [sflag:s23], $0x4000  }
0x142: {  	[sflag:s23] =	ssyncset.done $0x0  }
0x143: {  	[sflag:s23] =	ssyncadd.s32 $0xFFFFC000  }
0x144: {  	_ =	swait.ge [sflag:s29], $0x4000  }
0x145: {  	[sflag:s29] =	ssyncset.done $0x0  }
0x146: {  	s18 =	simm.s32 $0x1D580;
	[sflag:s29] =	ssyncadd.s32 $0xFFFFC000  }
0x147: {  	[tilespmem:s30], [sflag:$0x2] =	stream.indirect.gather [hbm4b:s4+s28], $0x80, s18, s28, $0xb8;
	[tilespmem:$0x1E000] =	vst v63  }
0x148: {  	s18 =	simm.s32 $0x1DD00  }
0x149: {  	[spmem:s2] =	stream.indirect.scatter.add.f32 [tilespmem:s22], [sflag:$0x5], $0x80, s18, s28, $0xb8;
	[tilespmem:$0x1E000] =	vst v63  }
0x14a: {  	_ =	swait.ge [sflag:s23], $0x4000  }
0x14b: {  	[sflag:s23] =	ssyncset.done $0x0  }
0x14c: {  	[sflag:s23] =	ssyncadd.s32 $0xFFFFC000  }
0x14d: {  	_ =	swait.ge [sflag:s31], $0x4000  }
0x14e: {  	[sflag:s31] =	ssyncset.done $0x0  }
0x14f: {  	s18 =	simm.s32 $0x1D600;
	[sflag:s31] =	ssyncadd.s32 $0xFFFFC000  }
0x150: {  	[tilespmem:s22], [sflag:$0x1] =	stream.indirect.gather [hbm4b:s4+s28], $0x80, s18, s28, $0xb8;
	[tilespmem:$0x1E000] =	vst v63  }
0x151: {  	s18 =	simm.s32 $0x1DD80  }
0x152: {  	[spmem:s2] =	stream.indirect.scatter.add.f32 [tilespmem:s30], [sflag:$0x5], $0x80, s18, s28, $0xb8;
	[tilespmem:$0x1E000] =	vst v63  }
0x153: {  	_ =	swait.ge [sflag:s23], $0x4000  }
0x154: {  	[sflag:s23] =	ssyncset.done $0x0  }
0x155: {  	[sflag:s23] =	ssyncadd.s32 $0xFFFFC000  }
0x156: {  	_ =	swait.ge [sflag:s29], $0x4000  }
0x157: {  	[sflag:s29] =	ssyncset.done $0x0  }
0x158: {  	s18 =	simm.s32 $0x1D680;
	[sflag:s29] =	ssyncadd.s32 $0xFFFFC000  }
0x159: {  	[tilespmem:s30], [sflag:$0x2] =	stream.indirect.gather [hbm4b:s4+s28], $0x80, s18, s28, $0xb8;
	[tilespmem:$0x1E000] =	vst v63  }
0x15a: {  	s18 =	simm.s32 $0x1DE00  }
0x15b: {  	[spmem:s2] =	stream.indirect.scatter.add.f32 [tilespmem:s22], [sflag:$0x5], $0x80, s18, s28, $0xb8;
	[tilespmem:$0x1E000] =	vst v63  }
0x15c: {  	_ =	swait.ge [sflag:s23], $0x4000  }
0x15d: {  	[sflag:s23] =	ssyncset.done $0x0  }
0x15e: {  	[sflag:s23] =	ssyncadd.s32 $0xFFFFC000  }
0x15f: {  	_ =	swait.ge [sflag:s31], $0x4000  }
0x160: {  	[sflag:s31] =	ssyncset.done $0x0  }
0x161: {  	s18 =	simm.s32 $0x1D700;
	[sflag:s31] =	ssyncadd.s32 $0xFFFFC000  }
0x162: {  	[tilespmem:s22], [sflag:$0x1] =	stream.indirect.gather [hbm4b:s4+s28], $0x80, s18, s28, $0xb8;
	[tilespmem:$0x1E000] =	vst v63  }
0x163: {  	s18 =	simm.s32 $0x1DE80  }
0x164: {  	[spmem:s2] =	stream.indirect.scatter.add.f32 [tilespmem:s30], [sflag:$0x5], $0x80, s18, s28, $0xb8;
	[tilespmem:$0x1E000] =	vst v63  }
0x165: {  	_ =	swait.ge [sflag:s23], $0x4000  }
0x166: {  	[sflag:s23] =	ssyncset.done $0x0  }
0x167: {  	[sflag:s23] =	ssyncadd.s32 $0xFFFFC000  }
0x168: {  	_ =	swait.ge [sflag:s29], $0x4000  }
0x169: {  	[sflag:s29] =	ssyncset.done $0x0  }
0x16a: {  	s18 =	simm.s32 $0x1D780;
	[sflag:s29] =	ssyncadd.s32 $0xFFFFC000  }
0x16b: {  	[tilespmem:s30], [sflag:$0x2] =	stream.indirect.gather [hbm4b:s4+s28], $0x80, s18, s28, $0xb8;
	[tilespmem:$0x1E000] =	vst v63  }
0x16c: {  	s18 =	simm.s32 $0x1DF00  }
0x16d: {  	[spmem:s2] =	stream.indirect.scatter.add.f32 [tilespmem:s22], [sflag:$0x5], $0x80, s18, s28, $0xb8;
	[tilespmem:$0x1E000] =	vst v63  }
0x16e: {  	_ =	swait.ge [sflag:s23], $0x4000  }
0x16f: {  	[sflag:s23] =	ssyncset.done $0x0  }
0x170: {  	[sflag:s23] =	ssyncadd.s32 $0xFFFFC000  }
0x171: {  	_ =	swait.ge [sflag:s31], $0x4000  }
0x172: {  	[sflag:s31] =	ssyncset.done $0x0  }
0x173: {  	s18 =	simm.s32 $0x1DF80;
	[sflag:s31] =	ssyncadd.s32 $0xFFFFC000  }
0x174: {  	[spmem:s2] =	stream.indirect.scatter.add.f32 [tilespmem:s30], [sflag:$0x5], $0x80, s18, s28, $0xb8;
	[tilespmem:$0x1E000] =	vst v63  }
0x175: {  	_ =	swait.ge [sflag:s23], $0x4000  }
0x176: {  	[sflag:s23] =	ssyncset.done $0x0  }
0x177: {  	[sflag:s23] =	ssyncadd.s32 $0xFFFFC000  }
0x178: {  	_ =	swait.ge [sflag:s15], $0x800  }
0x179: {  	[sflag:s15] =	ssyncset.done $0x0  }
0x17a: {  	[sflag:s15] =	ssyncadd.s32 $0xFFFFF800  }
0x17b: {  	_ =	swait.ge [sflag:s16], $0x800  }
0x17c: {  	[sflag:s16] =	ssyncset.done $0x0  }
0x17d: {  	s18 =	rddreg [dreg:$0xd];
	[sflag:s16] =	ssyncadd.s32 $0xFFFFF800  }
0x17e: {  	[tilespmem:s26], [sflag:$0x3] =	stream.linear.gather [hbm4b:s18+s3], $0x800, $0x38;
	[tilespmem:$0x1E000] =	vst v63  }
0x17f: {  	s18 =	rddreg [dreg:$0xe]  }
0x180: {  	[tilespmem:s5], [sflag:$0x4] =	stream.linear.gather [hbm4b:s18+s3], $0x800, $0x38;
	[tilespmem:$0x1E000] =	vst v63  }
0x181: {  	_ = 	snop  }
0x182: {  	[tilespmem:s22], [sflag:$0x1] =	stream.indirect.gather [hbm4b:s4+s28], $0x80, s3, s28, $0xb8;
	[tilespmem:$0x1E000] =	vst v63  }
0x183: {  	_ =	swait.ge [sflag:s29], $0x4000  }
0x184: {  	[sflag:s29] =	ssyncset.done $0x0  }
0x185: {  	[sflag:s29] =	ssyncadd.s32 $0xFFFFC000  }
0x186: {  	[tilespmem:s30], [sflag:$0x2] =	stream.indirect.gather [hbm4b:s4+s28], $0x80, s28, s28, $0xb8;
	[tilespmem:$0x1E000] =	vst v63  }
0x187: {  	_ = 	snop  }
0x188: {  	[spmem:s2] =	stream.indirect.scatter.add.f32 [tilespmem:s22], [sflag:$0x5], $0x80, s0, s28, $0xb8;
	[tilespmem:$0x1E000] =	vst v63  }
0x189: {  	_ =	swait.ge [sflag:s23], $0x4000  }
0x18a: {  	[sflag:s23] =	ssyncset.done $0x0  }
0x18b: {  	[sflag:s23] =	ssyncadd.s32 $0xFFFFC000  }
0x18c: {  	_ =	swait.ge [sflag:s31], $0x4000  }
0x18d: {  	[sflag:s31] =	ssyncset.done $0x0  }
0x18e: {  	s18 =	simm.s32 $0x100;
	[sflag:s31] =	ssyncadd.s32 $0xFFFFC000  }
0x18f: {  	[tilespmem:s22], [sflag:$0x1] =	stream.indirect.gather [hbm4b:s4+s28], $0x80, s18, s28, $0xb8;
	[tilespmem:$0x1E000] =	vst v63  }
0x190: {  	s18 =	simm.s32 $0x880  }
0x191: {  	[spmem:s2] =	stream.indirect.scatter.add.f32 [tilespmem:s30], [sflag:$0x5], $0x80, s18, s28, $0xb8;
	[tilespmem:$0x1E000] =	vst v63  }
0x192: {  	_ =	swait.ge [sflag:s23], $0x4000  }
0x193: {  	[sflag:s23] =	ssyncset.done $0x0  }
0x194: {  	[sflag:s23] =	ssyncadd.s32 $0xFFFFC000  }
0x195: {  	_ =	swait.ge [sflag:s29], $0x4000  }
0x196: {  	[sflag:s29] =	ssyncset.done $0x0  }
0x197: {  	s18 =	simm.s32 $0x180;
	[sflag:s29] =	ssyncadd.s32 $0xFFFFC000  }
0x198: {  	[tilespmem:s30], [sflag:$0x2] =	stream.indirect.gather [hbm4b:s4+s28], $0x80, s18, s28, $0xb8;
	[tilespmem:$0x1E000] =	vst v63  }
0x199: {  	s18 =	simm.s32 $0x900  }
0x19a: {  	[spmem:s2] =	stream.indirect.scatter.add.f32 [tilespmem:s22], [sflag:$0x5], $0x80, s18, s28, $0xb8;
	[tilespmem:$0x1E000] =	vst v63  }
0x19b: {  	_ =	swait.ge [sflag:s23], $0x4000  }
0x19c: {  	[sflag:s23] =	ssyncset.done $0x0  }
0x19d: {  	[sflag:s23] =	ssyncadd.s32 $0xFFFFC000  }
0x19e: {  	_ =	swait.ge [sflag:s31], $0x4000  }
0x19f: {  	[sflag:s31] =	ssyncset.done $0x0  }
0x1a0: {  	s18 =	simm.s32 $0x200;
	[sflag:s31] =	ssyncadd.s32 $0xFFFFC000  }
0x1a1: {  	[tilespmem:s22], [sflag:$0x1] =	stream.indirect.gather [hbm4b:s4+s28], $0x80, s18, s28, $0xb8;
	[tilespmem:$0x1E000] =	vst v63  }
0x1a2: {  	s18 =	simm.s32 $0x980  }
0x1a3: {  	[spmem:s2] =	stream.indirect.scatter.add.f32 [tilespmem:s30], [sflag:$0x5], $0x80, s18, s28, $0xb8;
	[tilespmem:$0x1E000] =	vst v63  }
0x1a4: {  	_ =	swait.ge [sflag:s23], $0x4000  }
0x1a5: {  	[sflag:s23] =	ssyncset.done $0x0  }
0x1a6: {  	[sflag:s23] =	ssyncadd.s32 $0xFFFFC000  }
0x1a7: {  	_ =	swait.ge [sflag:s29], $0x4000  }
0x1a8: {  	[sflag:s29] =	ssyncset.done $0x0  }
0x1a9: {  	s18 =	simm.s32 $0x280;
	[sflag:s29] =	ssyncadd.s32 $0xFFFFC000  }
0x1aa: {  	[tilespmem:s30], [sflag:$0x2] =	stream.indirect.gather [hbm4b:s4+s28], $0x80, s18, s28, $0xb8;
	[tilespmem:$0x1E000] =	vst v63  }
0x1ab: {  	s18 =	simm.s32 $0xA00  }
0x1ac: {  	[spmem:s2] =	stream.indirect.scatter.add.f32 [tilespmem:s22], [sflag:$0x5], $0x80, s18, s28, $0xb8;
	[tilespmem:$0x1E000] =	vst v63  }
0x1ad: {  	_ =	swait.ge [sflag:s23], $0x4000  }
0x1ae: {  	[sflag:s23] =	ssyncset.done $0x0  }
0x1af: {  	[sflag:s23] =	ssyncadd.s32 $0xFFFFC000  }
0x1b0: {  	_ =	swait.ge [sflag:s31], $0x4000  }
0x1b1: {  	[sflag:s31] =	ssyncset.done $0x0  }
0x1b2: {  	s18 =	simm.s32 $0x300;
	[sflag:s31] =	ssyncadd.s32 $0xFFFFC000  }
0x1b3: {  	[tilespmem:s22], [sflag:$0x1] =	stream.indirect.gather [hbm4b:s4+s28], $0x80, s18, s28, $0xb8;
	[tilespmem:$0x1E000] =	vst v63  }
0x1b4: {  	s18 =	simm.s32 $0xA80  }
0x1b5: {  	[spmem:s2] =	stream.indirect.scatter.add.f32 [tilespmem:s30], [sflag:$0x5], $0x80, s18, s28, $0xb8;
	[tilespmem:$0x1E000] =	vst v63  }
0x1b6: {  	_ =	swait.ge [sflag:s23], $0x4000  }
0x1b7: {  	[sflag:s23] =	ssyncset.done $0x0  }
0x1b8: {  	[sflag:s23] =	ssyncadd.s32 $0xFFFFC000  }
0x1b9: {  	_ =	swait.ge [sflag:s29], $0x4000  }
0x1ba: {  	[sflag:s29] =	ssyncset.done $0x0  }
0x1bb: {  	s18 =	simm.s32 $0x380;
	[sflag:s29] =	ssyncadd.s32 $0xFFFFC000  }
0x1bc: {  	[tilespmem:s30], [sflag:$0x2] =	stream.indirect.gather [hbm4b:s4+s28], $0x80, s18, s28, $0xb8;
	[tilespmem:$0x1E000] =	vst v63  }
0x1bd: {  	s18 =	simm.s32 $0xB00  }
0x1be: {  	[spmem:s2] =	stream.indirect.scatter.add.f32 [tilespmem:s22], [sflag:$0x5], $0x80, s18, s28, $0xb8;
	[tilespmem:$0x1E000] =	vst v63  }
0x1bf: {  	_ =	swait.ge [sflag:s23], $0x4000  }
0x1c0: {  	[sflag:s23] =	ssyncset.done $0x0  }
0x1c1: {  	[sflag:s23] =	ssyncadd.s32 $0xFFFFC000  }
0x1c2: {  	_ =	swait.ge [sflag:s31], $0x4000  }
0x1c3: {  	[sflag:s31] =	ssyncset.done $0x0  }
0x1c4: {  	s18 =	simm.s32 $0x400;
	[sflag:s31] =	ssyncadd.s32 $0xFFFFC000  }
0x1c5: {  	[tilespmem:s22], [sflag:$0x1] =	stream.indirect.gather [hbm4b:s4+s28], $0x80, s18, s28, $0xb8;
	[tilespmem:$0x1E000] =	vst v63  }
0x1c6: {  	s18 =	simm.s32 $0xB80  }
0x1c7: {  	[spmem:s2] =	stream.indirect.scatter.add.f32 [tilespmem:s30], [sflag:$0x5], $0x80, s18, s28, $0xb8;
	[tilespmem:$0x1E000] =	vst v63  }
0x1c8: {  	_ =	swait.ge [sflag:s23], $0x4000  }
0x1c9: {  	[sflag:s23] =	ssyncset.done $0x0  }
0x1ca: {  	[sflag:s23] =	ssyncadd.s32 $0xFFFFC000  }
0x1cb: {  	_ =	swait.ge [sflag:s29], $0x4000  }
0x1cc: {  	[sflag:s29] =	ssyncset.done $0x0  }
0x1cd: {  	s18 =	simm.s32 $0x480;
	[sflag:s29] =	ssyncadd.s32 $0xFFFFC000  }
0x1ce: {  	[tilespmem:s30], [sflag:$0x2] =	stream.indirect.gather [hbm4b:s4+s28], $0x80, s18, s28, $0xb8;
	[tilespmem:$0x1E000] =	vst v63  }
0x1cf: {  	s18 =	simm.s32 $0xC00  }
0x1d0: {  	[spmem:s2] =	stream.indirect.scatter.add.f32 [tilespmem:s22], [sflag:$0x5], $0x80, s18, s28, $0xb8;
	[tilespmem:$0x1E000] =	vst v63  }
0x1d1: {  	_ =	swait.ge [sflag:s23], $0x4000  }
0x1d2: {  	[sflag:s23] =	ssyncset.done $0x0  }
0x1d3: {  	[sflag:s23] =	ssyncadd.s32 $0xFFFFC000  }
0x1d4: {  	_ =	swait.ge [sflag:s31], $0x4000  }
0x1d5: {  	[sflag:s31] =	ssyncset.done $0x0  }
0x1d6: {  	s18 =	simm.s32 $0x500;
	[sflag:s31] =	ssyncadd.s32 $0xFFFFC000  }
0x1d7: {  	[tilespmem:s22], [sflag:$0x1] =	stream.indirect.gather [hbm4b:s4+s28], $0x80, s18, s28, $0xb8;
	[tilespmem:$0x1E000] =	vst v63  }
0x1d8: {  	s18 =	simm.s32 $0xC80  }
0x1d9: {  	[spmem:s2] =	stream.indirect.scatter.add.f32 [tilespmem:s30], [sflag:$0x5], $0x80, s18, s28, $0xb8;
	[tilespmem:$0x1E000] =	vst v63  }
0x1da: {  	_ =	swait.ge [sflag:s23], $0x4000  }
0x1db: {  	[sflag:s23] =	ssyncset.done $0x0  }
0x1dc: {  	[sflag:s23] =	ssyncadd.s32 $0xFFFFC000  }
0x1dd: {  	_ =	swait.ge [sflag:s29], $0x4000  }
0x1de: {  	[sflag:s29] =	ssyncset.done $0x0  }
0x1df: {  	s18 =	simm.s32 $0x580;
	[sflag:s29] =	ssyncadd.s32 $0xFFFFC000  }
0x1e0: {  	[tilespmem:s30], [sflag:$0x2] =	stream.indirect.gather [hbm4b:s4+s28], $0x80, s18, s28, $0xb8;
	[tilespmem:$0x1E000] =	vst v63  }
0x1e1: {  	s18 =	simm.s32 $0xD00  }
0x1e2: {  	[spmem:s2] =	stream.indirect.scatter.add.f32 [tilespmem:s22], [sflag:$0x5], $0x80, s18, s28, $0xb8;
	[tilespmem:$0x1E000] =	vst v63  }
0x1e3: {  	_ =	swait.ge [sflag:s23], $0x4000  }
0x1e4: {  	[sflag:s23] =	ssyncset.done $0x0  }
0x1e5: {  	[sflag:s23] =	ssyncadd.s32 $0xFFFFC000  }
0x1e6: {  	_ =	swait.ge [sflag:s31], $0x4000  }
0x1e7: {  	[sflag:s31] =	ssyncset.done $0x0  }
0x1e8: {  	s18 =	simm.s32 $0x600;
	[sflag:s31] =	ssyncadd.s32 $0xFFFFC000  }
0x1e9: {  	[tilespmem:s22], [sflag:$0x1] =	stream.indirect.gather [hbm4b:s4+s28], $0x80, s18, s28, $0xb8;
	[tilespmem:$0x1E000] =	vst v63  }
0x1ea: {  	s18 =	simm.s32 $0xD80  }
0x1eb: {  	[spmem:s2] =	stream.indirect.scatter.add.f32 [tilespmem:s30], [sflag:$0x5], $0x80, s18, s28, $0xb8;
	[tilespmem:$0x1E000] =	vst v63  }
0x1ec: {  	_ =	swait.ge [sflag:s23], $0x4000  }
0x1ed: {  	[sflag:s23] =	ssyncset.done $0x0  }
0x1ee: {  	[sflag:s23] =	ssyncadd.s32 $0xFFFFC000  }
0x1ef: {  	_ =	swait.ge [sflag:s29], $0x4000  }
0x1f0: {  	[sflag:s29] =	ssyncset.done $0x0  }
0x1f1: {  	s18 =	simm.s32 $0x680;
	[sflag:s29] =	ssyncadd.s32 $0xFFFFC000  }
0x1f2: {  	[tilespmem:s30], [sflag:$0x2] =	stream.indirect.gather [hbm4b:s4+s28], $0x80, s18, s28, $0xb8;
	[tilespmem:$0x1E000] =	vst v63  }
0x1f3: {  	s18 =	simm.s32 $0xE00  }
0x1f4: {  	[spmem:s2] =	stream.indirect.scatter.add.f32 [tilespmem:s22], [sflag:$0x5], $0x80, s18, s28, $0xb8;
	[tilespmem:$0x1E000] =	vst v63  }
0x1f5: {  	_ =	swait.ge [sflag:s23], $0x4000  }
0x1f6: {  	[sflag:s23] =	ssyncset.done $0x0  }
0x1f7: {  	[sflag:s23] =	ssyncadd.s32 $0xFFFFC000  }
0x1f8: {  	_ =	swait.ge [sflag:s31], $0x4000  }
0x1f9: {  	[sflag:s31] =	ssyncset.done $0x0  }
0x1fa: {  	s18 =	simm.s32 $0x700;
	[sflag:s31] =	ssyncadd.s32 $0xFFFFC000  }
0x1fb: {  	[tilespmem:s22], [sflag:$0x1] =	stream.indirect.gather [hbm4b:s4+s28], $0x80, s18, s28, $0xb8;
	[tilespmem:$0x1E000] =	vst v63  }
0x1fc: {  	s18 =	simm.s32 $0xE80  }
0x1fd: {  	[spmem:s2] =	stream.indirect.scatter.add.f32 [tilespmem:s30], [sflag:$0x5], $0x80, s18, s28, $0xb8;
	[tilespmem:$0x1E000] =	vst v63  }
0x1fe: {  	_ =	swait.ge [sflag:s23], $0x4000  }
0x1ff: {  	[sflag:s23] =	ssyncset.done $0x0  }
0x200: {  	[sflag:s23] =	ssyncadd.s32 $0xFFFFC000  }
0x201: {  	_ =	swait.ge [sflag:s29], $0x4000  }
0x202: {  	[sflag:s29] =	ssyncset.done $0x0  }
0x203: {  	s18 =	simm.s32 $0x780;
	[sflag:s29] =	ssyncadd.s32 $0xFFFFC000  }
0x204: {  	[tilespmem:s30], [sflag:$0x2] =	stream.indirect.gather [hbm4b:s4+s28], $0x80, s18, s28, $0xb8;
	[tilespmem:$0x1E000] =	vst v63  }
0x205: {  	s18 =	simm.s32 $0xF00  }
0x206: {  	[spmem:s2] =	stream.indirect.scatter.add.f32 [tilespmem:s22], [sflag:$0x5], $0x80, s18, s28, $0xb8;
	[tilespmem:$0x1E000] =	vst v63  }
0x207: {  	_ =	swait.ge [sflag:s23], $0x4000  }
0x208: {  	[sflag:s23] =	ssyncset.done $0x0  }
0x209: {  	[sflag:s23] =	ssyncadd.s32 $0xFFFFC000  }
0x20a: {  	_ =	swait.ge [sflag:s31], $0x4000  }
0x20b: {  	[sflag:s31] =	ssyncset.done $0x0  }
0x20c: {  	s18 =	simm.s32 $0xF80;
	[sflag:s31] =	ssyncadd.s32 $0xFFFFC000  }
0x20d: {  	[spmem:s2] =	stream.indirect.scatter.add.f32 [tilespmem:s30], [sflag:$0x5], $0x80, s18, s28, $0xb8;
	[tilespmem:$0x1E000] =	vst v63  }
0x20e: {  	_ =	swait.ge [sflag:s23], $0x4000  }
0x20f: {  	[sflag:s23] =	ssyncset.done $0x0  }
0x210: {  	[sflag:s23] =	ssyncadd.s32 $0xFFFFC000  }
0x211: {  	_ =	swait.ge [sflag:s15], $0x800  }
0x212: {  	[sflag:s15] =	ssyncset.done $0x0  }
0x213: {  	[sflag:s15] =	ssyncadd.s32 $0xFFFFF800  }
0x214: {  	_ =	swait.ge [sflag:s16], $0x800  }
0x215: {  	[sflag:s16] =	ssyncset.done $0x0  }
0x216: {  	s18 =	rddreg [dreg:$0xf];
	[sflag:s16] =	ssyncadd.s32 $0xFFFFF800  }
0x217: {  	[tilespmem:s3], [sflag:$0x3] =	stream.linear.gather [hbm4b:s18+s3], $0x800, $0x38;
	[tilespmem:$0x1E000] =	vst v63  }
0x218: {  	s18 =	rddreg [dreg:$0x10]  }
0x219: {  	[tilespmem:s0], [sflag:$0x4] =	stream.linear.gather [hbm4b:s18+s3], $0x800, $0x38;
	[tilespmem:$0x1E000] =	vst v63  }
0x21a: {  	_ = 	snop  }
0x21b: {  	[tilespmem:s22], [sflag:$0x1] =	stream.indirect.gather [hbm4b:s4+s28], $0x80, s26, s28, $0xb8;
	[tilespmem:$0x1E000] =	vst v63  }
0x21c: {  	_ =	swait.ge [sflag:s29], $0x4000  }
0x21d: {  	[sflag:s29] =	ssyncset.done $0x0  }
0x21e: {  	[sflag:s29] =	ssyncadd.s32 $0xFFFFC000  }
0x21f: {  	[tilespmem:s30], [sflag:$0x2] =	stream.indirect.gather [hbm4b:s4+s28], $0x80, s24, s28, $0xb8;
	[tilespmem:$0x1E000] =	vst v63  }
0x220: {  	_ = 	snop  }
0x221: {  	[spmem:s2] =	stream.indirect.scatter.add.f32 [tilespmem:s22], [sflag:$0x5], $0x80, s5, s28, $0xb8;
	[tilespmem:$0x1E000] =	vst v63  }
0x222: {  	_ =	swait.ge [sflag:s23], $0x4000  }
0x223: {  	[sflag:s23] =	ssyncset.done $0x0  }
0x224: {  	[sflag:s23] =	ssyncadd.s32 $0xFFFFC000  }
0x225: {  	_ =	swait.ge [sflag:s31], $0x4000  }
0x226: {  	[sflag:s31] =	ssyncset.done $0x0  }
0x227: {  	[sflag:s31] =	ssyncadd.s32 $0xFFFFC000  }
0x228: {  	[tilespmem:s22], [sflag:$0x1] =	stream.indirect.gather [hbm4b:s4+s28], $0x80, s1, s28, $0xb8;
	[tilespmem:$0x1E000] =	vst v63  }
0x229: {  	_ = 	snop  }
0x22a: {  	[spmem:s2] =	stream.indirect.scatter.add.f32 [tilespmem:s30], [sflag:$0x5], $0x80, s6, s28, $0xb8;
	[tilespmem:$0x1E000] =	vst v63  }
0x22b: {  	_ =	swait.ge [sflag:s23], $0x4000  }
0x22c: {  	[sflag:s23] =	ssyncset.done $0x0  }
0x22d: {  	[sflag:s23] =	ssyncadd.s32 $0xFFFFC000  }
0x22e: {  	_ =	swait.ge [sflag:s29], $0x4000  }
0x22f: {  	[sflag:s29] =	ssyncset.done $0x0  }
0x230: {  	[sflag:s29] =	ssyncadd.s32 $0xFFFFC000  }
0x231: {  	[tilespmem:s30], [sflag:$0x2] =	stream.indirect.gather [hbm4b:s4+s28], $0x80, s7, s28, $0xb8;
	[tilespmem:$0x1E000] =	vst v63  }
0x232: {  	_ = 	snop  }
0x233: {  	[spmem:s2] =	stream.indirect.scatter.add.f32 [tilespmem:s22], [sflag:$0x5], $0x80, s8, s28, $0xb8;
	[tilespmem:$0x1E000] =	vst v63  }
0x234: {  	_ =	swait.ge [sflag:s23], $0x4000  }
0x235: {  	[sflag:s23] =	ssyncset.done $0x0  }
0x236: {  	[sflag:s23] =	ssyncadd.s32 $0xFFFFC000  }
0x237: {  	_ =	swait.ge [sflag:s31], $0x4000  }
0x238: {  	[sflag:s31] =	ssyncset.done $0x0  }
0x239: {  	[sflag:s31] =	ssyncadd.s32 $0xFFFFC000  }
0x23a: {  	[tilespmem:s22], [sflag:$0x1] =	stream.indirect.gather [hbm4b:s4+s28], $0x80, s9, s28, $0xb8;
	[tilespmem:$0x1E000] =	vst v63  }
0x23b: {  	_ = 	snop  }
0x23c: {  	[spmem:s2] =	stream.indirect.scatter.add.f32 [tilespmem:s30], [sflag:$0x5], $0x80, s10, s28, $0xb8;
	[tilespmem:$0x1E000] =	vst v63  }
0x23d: {  	_ =	swait.ge [sflag:s23], $0x4000  }
0x23e: {  	[sflag:s23] =	ssyncset.done $0x0  }
0x23f: {  	[sflag:s23] =	ssyncadd.s32 $0xFFFFC000  }
0x240: {  	_ =	swait.ge [sflag:s29], $0x4000  }
0x241: {  	[sflag:s29] =	ssyncset.done $0x0  }
0x242: {  	[sflag:s29] =	ssyncadd.s32 $0xFFFFC000  }
0x243: {  	[tilespmem:s30], [sflag:$0x2] =	stream.indirect.gather [hbm4b:s4+s28], $0x80, s11, s28, $0xb8;
	[tilespmem:$0x1E000] =	vst v63  }
0x244: {  	_ = 	snop  }
0x245: {  	[spmem:s2] =	stream.indirect.scatter.add.f32 [tilespmem:s22], [sflag:$0x5], $0x80, s12, s28, $0xb8;
	[tilespmem:$0x1E000] =	vst v63  }
0x246: {  	_ =	swait.ge [sflag:s23], $0x4000  }
0x247: {  	[sflag:s23] =	ssyncset.done $0x0  }
0x248: {  	[sflag:s23] =	ssyncadd.s32 $0xFFFFC000  }
0x249: {  	_ =	swait.ge [sflag:s31], $0x4000  }
0x24a: {  	[sflag:s31] =	ssyncset.done $0x0  }
0x24b: {  	[sflag:s31] =	ssyncadd.s32 $0xFFFFC000  }
0x24c: {  	[tilespmem:s22], [sflag:$0x1] =	stream.indirect.gather [hbm4b:s4+s28], $0x80, s13, s28, $0xb8;
	[tilespmem:$0x1E000] =	vst v63  }
0x24d: {  	_ = 	snop  }
0x24e: {  	[spmem:s2] =	stream.indirect.scatter.add.f32 [tilespmem:s30], [sflag:$0x5], $0x80, s14, s28, $0xb8;
	[tilespmem:$0x1E000] =	vst v63  }
0x24f: {  	_ =	swait.ge [sflag:s23], $0x4000  }
0x250: {  	[sflag:s23] =	ssyncset.done $0x0  }
0x251: {  	[sflag:s23] =	ssyncadd.s32 $0xFFFFC000  }
0x252: {  	_ =	swait.ge [sflag:s29], $0x4000  }
0x253: {  	[sflag:s29] =	ssyncset.done $0x0  }
0x254: {  	[sflag:s29] =	ssyncadd.s32 $0xFFFFC000  }
0x255: {  	[tilespmem:s30], [sflag:$0x2] =	stream.indirect.gather [hbm4b:s4+s28], $0x80, s21, s28, $0xb8;
	[tilespmem:$0x1E000] =	vst v63  }
0x256: {  	_ = 	snop  }
0x257: {  	[spmem:s2] =	stream.indirect.scatter.add.f32 [tilespmem:s22], [sflag:$0x5], $0x80, s25, s28, $0xb8;
	[tilespmem:$0x1E000] =	vst v63  }
0x258: {  	_ =	swait.ge [sflag:s23], $0x4000  }
0x259: {  	[sflag:s23] =	ssyncset.done $0x0  }
0x25a: {  	[sflag:s23] =	ssyncadd.s32 $0xFFFFC000  }
0x25b: {  	_ =	swait.ge [sflag:s31], $0x4000  }
0x25c: {  	[sflag:s31] =	ssyncset.done $0x0  }
0x25d: {  	[sflag:s31] =	ssyncadd.s32 $0xFFFFC000  }
0x25e: {  	[tilespmem:s22], [sflag:$0x1] =	stream.indirect.gather [hbm4b:s4+s28], $0x80, s19, s28, $0xb8;
	[tilespmem:$0x1E000] =	vst v63  }
0x25f: {  	_ = 	snop  }
0x260: {  	[spmem:s2] =	stream.indirect.scatter.add.f32 [tilespmem:s30], [sflag:$0x5], $0x80, s20, s28, $0xb8;
	[tilespmem:$0x1E000] =	vst v63  }
0x261: {  	_ =	swait.ge [sflag:s23], $0x4000  }
0x262: {  	[sflag:s23] =	ssyncset.done $0x0  }
0x263: {  	[sflag:s23] =	ssyncadd.s32 $0xFFFFC000  }
0x264: {  	_ =	swait.ge [sflag:s29], $0x4000  }
0x265: {  	[sflag:s29] =	ssyncset.done $0x0  }
0x266: {  	s18 =	simm.s32 $0x1D480;
	[sflag:s29] =	ssyncadd.s32 $0xFFFFC000  }
0x267: {  	[tilespmem:s30], [sflag:$0x2] =	stream.indirect.gather [hbm4b:s4+s28], $0x80, s18, s28, $0xb8;
	[tilespmem:$0x1E000] =	vst v63  }
0x268: {  	s19 =	simm.s32 $0x1DC00  }
0x269: {  	[spmem:s2] =	stream.indirect.scatter.add.f32 [tilespmem:s22], [sflag:$0x5], $0x80, s19, s28, $0xb8;
	[tilespmem:$0x1E000] =	vst v63  }
0x26a: {  	_ =	swait.ge [sflag:s23], $0x4000  }
0x26b: {  	[sflag:s23] =	ssyncset.done $0x0  }
0x26c: {  	[sflag:s23] =	ssyncadd.s32 $0xFFFFC000  }
0x26d: {  	_ =	swait.ge [sflag:s31], $0x4000  }
0x26e: {  	[sflag:s31] =	ssyncset.done $0x0  }
0x26f: {  	s20 =	simm.s32 $0x1D500;
	[sflag:s31] =	ssyncadd.s32 $0xFFFFC000  }
0x270: {  	[tilespmem:s22], [sflag:$0x1] =	stream.indirect.gather [hbm4b:s4+s28], $0x80, s20, s28, $0xb8;
	[tilespmem:$0x1E000] =	vst v63  }
0x271: {  	s18 =	simm.s32 $0x1DC80  }
0x272: {  	[spmem:s2] =	stream.indirect.scatter.add.f32 [tilespmem:s30], [sflag:$0x5], $0x80, s18, s28, $0xb8;
	[tilespmem:$0x1E000] =	vst v63  }
0x273: {  	_ =	swait.ge [sflag:s23], $0x4000  }
0x274: {  	[sflag:s23] =	ssyncset.done $0x0  }
0x275: {  	[sflag:s23] =	ssyncadd.s32 $0xFFFFC000  }
0x276: {  	_ =	swait.ge [sflag:s29], $0x4000  }
0x277: {  	[sflag:s29] =	ssyncset.done $0x0  }
0x278: {  	s19 =	simm.s32 $0x1D580;
	[sflag:s29] =	ssyncadd.s32 $0xFFFFC000  }
0x279: {  	[tilespmem:s30], [sflag:$0x2] =	stream.indirect.gather [hbm4b:s4+s28], $0x80, s19, s28, $0xb8;
	[tilespmem:$0x1E000] =	vst v63  }
0x27a: {  	s20 =	simm.s32 $0x1DD00  }
0x27b: {  	[spmem:s2] =	stream.indirect.scatter.add.f32 [tilespmem:s22], [sflag:$0x5], $0x80, s20, s28, $0xb8;
	[tilespmem:$0x1E000] =	vst v63  }
0x27c: {  	_ =	swait.ge [sflag:s23], $0x4000  }
0x27d: {  	[sflag:s23] =	ssyncset.done $0x0  }
0x27e: {  	[sflag:s23] =	ssyncadd.s32 $0xFFFFC000  }
0x27f: {  	_ =	swait.ge [sflag:s31], $0x4000  }
0x280: {  	[sflag:s31] =	ssyncset.done $0x0  }
0x281: {  	s18 =	simm.s32 $0x1D600;
	[sflag:s31] =	ssyncadd.s32 $0xFFFFC000  }
0x282: {  	[tilespmem:s22], [sflag:$0x1] =	stream.indirect.gather [hbm4b:s4+s28], $0x80, s18, s28, $0xb8;
	[tilespmem:$0x1E000] =	vst v63  }
0x283: {  	s19 =	simm.s32 $0x1DD80  }
0x284: {  	[spmem:s2] =	stream.indirect.scatter.add.f32 [tilespmem:s30], [sflag:$0x5], $0x80, s19, s28, $0xb8;
	[tilespmem:$0x1E000] =	vst v63  }
0x285: {  	_ =	swait.ge [sflag:s23], $0x4000  }
0x286: {  	[sflag:s23] =	ssyncset.done $0x0  }
0x287: {  	[sflag:s23] =	ssyncadd.s32 $0xFFFFC000  }
0x288: {  	_ =	swait.ge [sflag:s29], $0x4000  }
0x289: {  	[sflag:s29] =	ssyncset.done $0x0  }
0x28a: {  	s20 =	simm.s32 $0x1D680;
	[sflag:s29] =	ssyncadd.s32 $0xFFFFC000  }
0x28b: {  	[tilespmem:s30], [sflag:$0x2] =	stream.indirect.gather [hbm4b:s4+s28], $0x80, s20, s28, $0xb8;
	[tilespmem:$0x1E000] =	vst v63  }
0x28c: {  	s18 =	simm.s32 $0x1DE00  }
0x28d: {  	[spmem:s2] =	stream.indirect.scatter.add.f32 [tilespmem:s22], [sflag:$0x5], $0x80, s18, s28, $0xb8;
	[tilespmem:$0x1E000] =	vst v63  }
0x28e: {  	_ =	swait.ge [sflag:s23], $0x4000  }
0x28f: {  	[sflag:s23] =	ssyncset.done $0x0  }
0x290: {  	[sflag:s23] =	ssyncadd.s32 $0xFFFFC000  }
0x291: {  	_ =	swait.ge [sflag:s31], $0x4000  }
0x292: {  	[sflag:s31] =	ssyncset.done $0x0  }
0x293: {  	s19 =	simm.s32 $0x1D700;
	[sflag:s31] =	ssyncadd.s32 $0xFFFFC000  }
0x294: {  	[tilespmem:s22], [sflag:$0x1] =	stream.indirect.gather [hbm4b:s4+s28], $0x80, s19, s28, $0xb8;
	[tilespmem:$0x1E000] =	vst v63  }
0x295: {  	s20 =	simm.s32 $0x1DE80  }
0x296: {  	[spmem:s2] =	stream.indirect.scatter.add.f32 [tilespmem:s30], [sflag:$0x5], $0x80, s20, s28, $0xb8;
	[tilespmem:$0x1E000] =	vst v63  }
0x297: {  	_ =	swait.ge [sflag:s23], $0x4000  }
0x298: {  	[sflag:s23] =	ssyncset.done $0x0  }
0x299: {  	[sflag:s23] =	ssyncadd.s32 $0xFFFFC000  }
0x29a: {  	_ =	swait.ge [sflag:s29], $0x4000  }
0x29b: {  	[sflag:s29] =	ssyncset.done $0x0  }
0x29c: {  	s18 =	simm.s32 $0x1D780;
	[sflag:s29] =	ssyncadd.s32 $0xFFFFC000  }
0x29d: {  	[tilespmem:s30], [sflag:$0x2] =	stream.indirect.gather [hbm4b:s4+s28], $0x80, s18, s28, $0xb8;
	[tilespmem:$0x1E000] =	vst v63  }
0x29e: {  	s19 =	simm.s32 $0x1DF00  }
0x29f: {  	[spmem:s2] =	stream.indirect.scatter.add.f32 [tilespmem:s22], [sflag:$0x5], $0x80, s19, s28, $0xb8;
	[tilespmem:$0x1E000] =	vst v63  }
0x2a0: {  	_ =	swait.ge [sflag:s23], $0x4000  }
0x2a1: {  	[sflag:s23] =	ssyncset.done $0x0  }
0x2a2: {  	[sflag:s23] =	ssyncadd.s32 $0xFFFFC000  }
0x2a3: {  	_ =	swait.ge [sflag:s31], $0x4000  }
0x2a4: {  	[sflag:s31] =	ssyncset.done $0x0  }
0x2a5: {  	s20 =	simm.s32 $0x1DF80;
	[sflag:s31] =	ssyncadd.s32 $0xFFFFC000  }
0x2a6: {  	[spmem:s2] =	stream.indirect.scatter.add.f32 [tilespmem:s30], [sflag:$0x5], $0x80, s20, s28, $0xb8;
	[tilespmem:$0x1E000] =	vst v63  }
0x2a7: {  	_ =	swait.ge [sflag:s23], $0x4000  }
0x2a8: {  	[sflag:s23] =	ssyncset.done $0x0  }
0x2a9: {  	[sflag:s23] =	ssyncadd.s32 $0xFFFFC000  }
0x2aa: {  	_ =	swait.ge [sflag:s15], $0x800  }
0x2ab: {  	[sflag:s15] =	ssyncset.done $0x0  }
0x2ac: {  	[sflag:s15] =	ssyncadd.s32 $0xFFFFF800  }
0x2ad: {  	_ =	swait.ge [sflag:s16], $0x800  }
0x2ae: {  	[sflag:s16] =	ssyncset.done $0x0  }
0x2af: {  	[sflag:s16] =	ssyncadd.s32 $0xFFFFF800  }
0x2b0: {  	[tilespmem:s22], [sflag:$0x1] =	stream.indirect.gather [hbm4b:s4+s28], $0x80, s3, s28, $0xb8;
	[tilespmem:$0x1E000] =	vst v63  }
0x2b1: {  	_ =	swait.ge [sflag:s29], $0x4000  }
0x2b2: {  	[sflag:s29] =	ssyncset.done $0x0  }
0x2b3: {  	[sflag:s29] =	ssyncadd.s32 $0xFFFFC000  }
0x2b4: {  	[tilespmem:s30], [sflag:$0x2] =	stream.indirect.gather [hbm4b:s4+s28], $0x80, s28, s28, $0xb8;
	[tilespmem:$0x1E000] =	vst v63  }
0x2b5: {  	_ = 	snop  }
0x2b6: {  	[spmem:s2] =	stream.indirect.scatter.add.f32 [tilespmem:s22], [sflag:$0x5], $0x80, s0, s28, $0xb8;
	[tilespmem:$0x1E000] =	vst v63  }
0x2b7: {  	_ =	swait.ge [sflag:s23], $0x4000  }
0x2b8: {  	[sflag:s23] =	ssyncset.done $0x0  }
0x2b9: {  	[sflag:s23] =	ssyncadd.s32 $0xFFFFC000  }
0x2ba: {  	_ =	swait.ge [sflag:s31], $0x4000  }
0x2bb: {  	[sflag:s31] =	ssyncset.done $0x0  }
0x2bc: {  	s18 =	simm.s32 $0x100;
	[sflag:s31] =	ssyncadd.s32 $0xFFFFC000  }
0x2bd: {  	[tilespmem:s22], [sflag:$0x1] =	stream.indirect.gather [hbm4b:s4+s28], $0x80, s18, s28, $0xb8;
	[tilespmem:$0x1E000] =	vst v63  }
0x2be: {  	s19 =	simm.s32 $0x880  }
0x2bf: {  	[spmem:s2] =	stream.indirect.scatter.add.f32 [tilespmem:s30], [sflag:$0x5], $0x80, s19, s28, $0xb8;
	[tilespmem:$0x1E000] =	vst v63  }
0x2c0: {  	_ =	swait.ge [sflag:s23], $0x4000  }
0x2c1: {  	[sflag:s23] =	ssyncset.done $0x0  }
0x2c2: {  	[sflag:s23] =	ssyncadd.s32 $0xFFFFC000  }
0x2c3: {  	_ =	swait.ge [sflag:s29], $0x4000  }
0x2c4: {  	[sflag:s29] =	ssyncset.done $0x0  }
0x2c5: {  	s20 =	simm.s32 $0x180;
	[sflag:s29] =	ssyncadd.s32 $0xFFFFC000  }
0x2c6: {  	[tilespmem:s30], [sflag:$0x2] =	stream.indirect.gather [hbm4b:s4+s28], $0x80, s20, s28, $0xb8;
	[tilespmem:$0x1E000] =	vst v63  }
0x2c7: {  	s1 =	simm.s32 $0x900  }
0x2c8: {  	[spmem:s2] =	stream.indirect.scatter.add.f32 [tilespmem:s22], [sflag:$0x5], $0x80, s1, s28, $0xb8;
	[tilespmem:$0x1E000] =	vst v63  }
0x2c9: {  	_ =	swait.ge [sflag:s23], $0x4000  }
0x2ca: {  	[sflag:s23] =	ssyncset.done $0x0  }
0x2cb: {  	[sflag:s23] =	ssyncadd.s32 $0xFFFFC000  }
0x2cc: {  	_ =	swait.ge [sflag:s31], $0x4000  }
0x2cd: {  	[sflag:s31] =	ssyncset.done $0x0  }
0x2ce: {  	s18 =	simm.s32 $0x200;
	[sflag:s31] =	ssyncadd.s32 $0xFFFFC000  }
0x2cf: {  	[tilespmem:s22], [sflag:$0x1] =	stream.indirect.gather [hbm4b:s4+s28], $0x80, s18, s28, $0xb8;
	[tilespmem:$0x1E000] =	vst v63  }
0x2d0: {  	s19 =	simm.s32 $0x980  }
0x2d1: {  	[spmem:s2] =	stream.indirect.scatter.add.f32 [tilespmem:s30], [sflag:$0x5], $0x80, s19, s28, $0xb8;
	[tilespmem:$0x1E000] =	vst v63  }
0x2d2: {  	_ =	swait.ge [sflag:s23], $0x4000  }
0x2d3: {  	[sflag:s23] =	ssyncset.done $0x0  }
0x2d4: {  	[sflag:s23] =	ssyncadd.s32 $0xFFFFC000  }
0x2d5: {  	_ =	swait.ge [sflag:s29], $0x4000  }
0x2d6: {  	[sflag:s29] =	ssyncset.done $0x0  }
0x2d7: {  	s20 =	simm.s32 $0x280;
	[sflag:s29] =	ssyncadd.s32 $0xFFFFC000  }
0x2d8: {  	[tilespmem:s30], [sflag:$0x2] =	stream.indirect.gather [hbm4b:s4+s28], $0x80, s20, s28, $0xb8;
	[tilespmem:$0x1E000] =	vst v63  }
0x2d9: {  	s1 =	simm.s32 $0xA00  }
0x2da: {  	[spmem:s2] =	stream.indirect.scatter.add.f32 [tilespmem:s22], [sflag:$0x5], $0x80, s1, s28, $0xb8;
	[tilespmem:$0x1E000] =	vst v63  }
0x2db: {  	_ =	swait.ge [sflag:s23], $0x4000  }
0x2dc: {  	[sflag:s23] =	ssyncset.done $0x0  }
0x2dd: {  	[sflag:s23] =	ssyncadd.s32 $0xFFFFC000  }
0x2de: {  	_ =	swait.ge [sflag:s31], $0x4000  }
0x2df: {  	[sflag:s31] =	ssyncset.done $0x0  }
0x2e0: {  	s18 =	simm.s32 $0x300;
	[sflag:s31] =	ssyncadd.s32 $0xFFFFC000  }
0x2e1: {  	[tilespmem:s22], [sflag:$0x1] =	stream.indirect.gather [hbm4b:s4+s28], $0x80, s18, s28, $0xb8;
	[tilespmem:$0x1E000] =	vst v63  }
0x2e2: {  	s19 =	simm.s32 $0xA80  }
0x2e3: {  	[spmem:s2] =	stream.indirect.scatter.add.f32 [tilespmem:s30], [sflag:$0x5], $0x80, s19, s28, $0xb8;
	[tilespmem:$0x1E000] =	vst v63  }
0x2e4: {  	_ =	swait.ge [sflag:s23], $0x4000  }
0x2e5: {  	[sflag:s23] =	ssyncset.done $0x0  }
0x2e6: {  	[sflag:s23] =	ssyncadd.s32 $0xFFFFC000  }
0x2e7: {  	_ =	swait.ge [sflag:s29], $0x4000  }
0x2e8: {  	[sflag:s29] =	ssyncset.done $0x0  }
0x2e9: {  	s20 =	simm.s32 $0x380;
	[sflag:s29] =	ssyncadd.s32 $0xFFFFC000  }
0x2ea: {  	[tilespmem:s30], [sflag:$0x2] =	stream.indirect.gather [hbm4b:s4+s28], $0x80, s20, s28, $0xb8;
	[tilespmem:$0x1E000] =	vst v63  }
0x2eb: {  	s1 =	simm.s32 $0xB00  }
0x2ec: {  	[spmem:s2] =	stream.indirect.scatter.add.f32 [tilespmem:s22], [sflag:$0x5], $0x80, s1, s28, $0xb8;
	[tilespmem:$0x1E000] =	vst v63  }
0x2ed: {  	_ =	swait.ge [sflag:s23], $0x4000  }
0x2ee: {  	[sflag:s23] =	ssyncset.done $0x0  }
0x2ef: {  	[sflag:s23] =	ssyncadd.s32 $0xFFFFC000  }
0x2f0: {  	_ =	swait.ge [sflag:s31], $0x4000  }
0x2f1: {  	[sflag:s31] =	ssyncset.done $0x0  }
0x2f2: {  	s18 =	simm.s32 $0x400;
	[sflag:s31] =	ssyncadd.s32 $0xFFFFC000  }
0x2f3: {  	[tilespmem:s22], [sflag:$0x1] =	stream.indirect.gather [hbm4b:s4+s28], $0x80, s18, s28, $0xb8;
	[tilespmem:$0x1E000] =	vst v63  }
0x2f4: {  	s19 =	simm.s32 $0xB80  }
0x2f5: {  	[spmem:s2] =	stream.indirect.scatter.add.f32 [tilespmem:s30], [sflag:$0x5], $0x80, s19, s28, $0xb8;
	[tilespmem:$0x1E000] =	vst v63  }
0x2f6: {  	_ =	swait.ge [sflag:s23], $0x4000  }
0x2f7: {  	[sflag:s23] =	ssyncset.done $0x0  }
0x2f8: {  	[sflag:s23] =	ssyncadd.s32 $0xFFFFC000  }
0x2f9: {  	_ =	swait.ge [sflag:s29], $0x4000  }
0x2fa: {  	[sflag:s29] =	ssyncset.done $0x0  }
0x2fb: {  	s20 =	simm.s32 $0x480;
	[sflag:s29] =	ssyncadd.s32 $0xFFFFC000  }
0x2fc: {  	[tilespmem:s30], [sflag:$0x2] =	stream.indirect.gather [hbm4b:s4+s28], $0x80, s20, s28, $0xb8;
	[tilespmem:$0x1E000] =	vst v63  }
0x2fd: {  	s1 =	simm.s32 $0xC00  }
0x2fe: {  	[spmem:s2] =	stream.indirect.scatter.add.f32 [tilespmem:s22], [sflag:$0x5], $0x80, s1, s28, $0xb8;
	[tilespmem:$0x1E000] =	vst v63  }
0x2ff: {  	_ =	swait.ge [sflag:s23], $0x4000  }
0x300: {  	[sflag:s23] =	ssyncset.done $0x0  }
0x301: {  	[sflag:s23] =	ssyncadd.s32 $0xFFFFC000  }
0x302: {  	_ =	swait.ge [sflag:s31], $0x4000  }
0x303: {  	[sflag:s31] =	ssyncset.done $0x0  }
0x304: {  	s18 =	simm.s32 $0x500;
	[sflag:s31] =	ssyncadd.s32 $0xFFFFC000  }
0x305: {  	[tilespmem:s22], [sflag:$0x1] =	stream.indirect.gather [hbm4b:s4+s28], $0x80, s18, s28, $0xb8;
	[tilespmem:$0x1E000] =	vst v63  }
0x306: {  	s19 =	simm.s32 $0xC80  }
0x307: {  	[spmem:s2] =	stream.indirect.scatter.add.f32 [tilespmem:s30], [sflag:$0x5], $0x80, s19, s28, $0xb8;
	[tilespmem:$0x1E000] =	vst v63  }
0x308: {  	_ =	swait.ge [sflag:s23], $0x4000  }
0x309: {  	[sflag:s23] =	ssyncset.done $0x0  }
0x30a: {  	[sflag:s23] =	ssyncadd.s32 $0xFFFFC000  }
0x30b: {  	_ =	swait.ge [sflag:s29], $0x4000  }
0x30c: {  	[sflag:s29] =	ssyncset.done $0x0  }
0x30d: {  	s20 =	simm.s32 $0x580;
	[sflag:s29] =	ssyncadd.s32 $0xFFFFC000  }
0x30e: {  	[tilespmem:s30], [sflag:$0x2] =	stream.indirect.gather [hbm4b:s4+s28], $0x80, s20, s28, $0xb8;
	[tilespmem:$0x1E000] =	vst v63  }
0x30f: {  	s1 =	simm.s32 $0xD00  }
0x310: {  	[spmem:s2] =	stream.indirect.scatter.add.f32 [tilespmem:s22], [sflag:$0x5], $0x80, s1, s28, $0xb8;
	[tilespmem:$0x1E000] =	vst v63  }
0x311: {  	_ =	swait.ge [sflag:s23], $0x4000  }
0x312: {  	[sflag:s23] =	ssyncset.done $0x0  }
0x313: {  	[sflag:s23] =	ssyncadd.s32 $0xFFFFC000  }
0x314: {  	_ =	swait.ge [sflag:s31], $0x4000  }
0x315: {  	[sflag:s31] =	ssyncset.done $0x0  }
0x316: {  	s18 =	simm.s32 $0x600;
	[sflag:s31] =	ssyncadd.s32 $0xFFFFC000  }
0x317: {  	[tilespmem:s22], [sflag:$0x1] =	stream.indirect.gather [hbm4b:s4+s28], $0x80, s18, s28, $0xb8;
	[tilespmem:$0x1E000] =	vst v63  }
0x318: {  	s19 =	simm.s32 $0xD80  }
0x319: {  	[spmem:s2] =	stream.indirect.scatter.add.f32 [tilespmem:s30], [sflag:$0x5], $0x80, s19, s28, $0xb8;
	[tilespmem:$0x1E000] =	vst v63  }
0x31a: {  	_ =	swait.ge [sflag:s23], $0x4000  }
0x31b: {  	[sflag:s23] =	ssyncset.done $0x0  }
0x31c: {  	[sflag:s23] =	ssyncadd.s32 $0xFFFFC000  }
0x31d: {  	_ =	swait.ge [sflag:s29], $0x4000  }
0x31e: {  	[sflag:s29] =	ssyncset.done $0x0  }
0x31f: {  	s20 =	simm.s32 $0x680;
	[sflag:s29] =	ssyncadd.s32 $0xFFFFC000  }
0x320: {  	[tilespmem:s30], [sflag:$0x2] =	stream.indirect.gather [hbm4b:s4+s28], $0x80, s20, s28, $0xb8;
	[tilespmem:$0x1E000] =	vst v63  }
0x321: {  	s1 =	simm.s32 $0xE00  }
0x322: {  	[spmem:s2] =	stream.indirect.scatter.add.f32 [tilespmem:s22], [sflag:$0x5], $0x80, s1, s28, $0xb8;
	[tilespmem:$0x1E000] =	vst v63  }
0x323: {  	_ =	swait.ge [sflag:s23], $0x4000  }
0x324: {  	[sflag:s23] =	ssyncset.done $0x0  }
0x325: {  	[sflag:s23] =	ssyncadd.s32 $0xFFFFC000  }
0x326: {  	_ =	swait.ge [sflag:s31], $0x4000  }
0x327: {  	[sflag:s31] =	ssyncset.done $0x0  }
0x328: {  	s18 =	simm.s32 $0x700;
	[sflag:s31] =	ssyncadd.s32 $0xFFFFC000  }
0x329: {  	[tilespmem:s22], [sflag:$0x1] =	stream.indirect.gather [hbm4b:s4+s28], $0x80, s18, s28, $0xb8;
	[tilespmem:$0x1E000] =	vst v63  }
0x32a: {  	s19 =	simm.s32 $0xE80  }
0x32b: {  	[spmem:s2] =	stream.indirect.scatter.add.f32 [tilespmem:s30], [sflag:$0x5], $0x80, s19, s28, $0xb8;
	[tilespmem:$0x1E000] =	vst v63  }
0x32c: {  	_ =	swait.ge [sflag:s23], $0x4000  }
0x32d: {  	[sflag:s23] =	ssyncset.done $0x0  }
0x32e: {  	[sflag:s23] =	ssyncadd.s32 $0xFFFFC000  }
0x32f: {  	_ =	swait.ge [sflag:s29], $0x4000  }
0x330: {  	[sflag:s29] =	ssyncset.done $0x0  }
0x331: {  	s20 =	simm.s32 $0x780;
	[sflag:s29] =	ssyncadd.s32 $0xFFFFC000  }
0x332: {  	[tilespmem:s30], [sflag:$0x2] =	stream.indirect.gather [hbm4b:s4+s28], $0x80, s20, s28, $0xb8;
	[tilespmem:$0x1E000] =	vst v63  }
0x333: {  	s1 =	simm.s32 $0xF00  }
0x334: {  	[spmem:s2] =	stream.indirect.scatter.add.f32 [tilespmem:s22], [sflag:$0x5], $0x80, s1, s28, $0xb8;
	[tilespmem:$0x1E000] =	vst v63  }
0x335: {  	_ =	swait.ge [sflag:s23], $0x4000  }
0x336: {  	[sflag:s23] =	ssyncset.done $0x0  }
0x337: {  	[sflag:s23] =	ssyncadd.s32 $0xFFFFC000  }
0x338: {  	_ =	swait.ge [sflag:s31], $0x4000  }
0x339: {  	[sflag:s31] =	ssyncset.done $0x0  }
0x33a: {  	s18 =	simm.s32 $0xF80;
	[sflag:s31] =	ssyncadd.s32 $0xFFFFC000  }
0x33b: {  	[spmem:s2] =	stream.indirect.scatter.add.f32 [tilespmem:s30], [sflag:$0x5], $0x80, s18, s28, $0xb8;
	[tilespmem:$0x1E000] =	vst v63  }
0x33c: {  	_ =	swait.ge [sflag:s23], $0x4000  }
0x33d: {  	[sflag:s23] =	ssyncset.done $0x0  }
0x33e: {  	[sflag:s23] =	ssyncadd.s32 $0xFFFFC000  }
0x33f: {  	s19 =	stileid.u32;
	[bflag:$0x0] =	sbarrier.arrive $0xFFFF  }
0x340: {  	s18 =	sshll.u32 s19, $0x6;
	s20 =	rddreg [dreg:$0x13]  }
0x341: {  	s18 =	sor.u32 $0x1C05, s18;
	s1 =	rddreg [dreg:$0x11];
	s0 =	sshrl.u32 s20, $0x3  }
0x342: {  	[hbm:s1], [sflag:s18] =	dma.local [spmem:s0], $0x2800  }
0x343: {  	_ =	swait.ge [sflag:s23], $0x2800  }
0x344: {  	s17 =	sadd.s32 $0x1, s17;
	s20 =	rddreg [dreg:$0x12]  }
0x345: {  	p0 =	sne.s32 s17, s20  }
.Ltmp1:
0x346: {  	_ = 	snop;
	(pc) =	sbr.rel @p0 .LBB2_1-.Ltmp1, $3  }
0x347: {  	_ =	sdelay $0x1  }
0x348: {  	[sflag:s23] =	ssyncset.done $0x0  }
0x349: {  	[sflag:s23] =	ssyncadd.s32 $0xFFFFD800  }
0x34a: {  	_ =	sfence.sel $0x180000  }
0x34b: {  	[bflag:$0x0] =	sbarrier.arrive $0xFFFF  }
0x34c: {  	_ =	strace $0x9000004A  }
0x34d: {  	s0 =	stileid.u32;
	[bflag:$0x2] =	sbarrier.arrive $0xFFFF  }
0x34e: {  	p0 =	sne.s32 s0, $0x0;
	s0 =	rddreg [dreg:$0x2]  }
0x34f: {  	s0 =	sadd.s32 @!p0 $0x100000, s0  }
0x350: {  	[sflag:s0] =	ssyncadd.tile.s32 @!p0 $0x1;
	_ =	shalt  }
.Lfunc_end2:
_tile_overlayer_lowered:
.L_overlay_start_2:
0x351: {  	(tag) =	ssettag $0x2  }
0x352: {  	s0 =	rddreg [dreg:$0x0];
	s2 =	stileid.u32  }
0x353: {  	s1 =	rddreg [dreg:$0x1];
	p0 =	sne.s32 s2, $0x0  }
0x354: {  	s3 =	rddreg [dreg:$0x2];
	[bflag:$0x3] =	sbarrier.arrive $0xFFFF;
	s2 =	simm.s32 @!p0 $0x1C05  }
0x355: {  	[timem:s3], [sflag:s2] =	dma.local @!p0 [hbm:s0], s1  }
0x356: {  	s0 =	simm.s32 @!p0 $0x5  }
0x357: {  	_ =	swait.ge @!p0 [sflag:s0], s1  }
0x358: {  	s1 =	ssub.s32 @!p0 $0x0, s1;
	[sflag:s0] =	ssyncset.done @!p0 $0x0  }
0x359: {  	[sflag:s0] =	ssyncadd.s32 @!p0 s1  }
0x35a: {  	[bflag:$0x3] =	sbarrier.arrive $0xFFFF  }
0x35b: {  	_ =	shalt  }

// kernel: kernel.14.cloned.1.call-start
scs
__scs_entry_jumppad:
0x0: {  	(pc) =	sbr.rel $0x88, $3  }
0x1: {  	(tag) =	ssettag $0x0;
	lr =	simm.s32 $0x1  }
0x2: {  	[smem:$0x3F98] =	sst lr;
	_ =	strace $0xD0000000  }
0x3: {  	_ = 	snop  }
0x4: {  	_ = 	snop  }
0x5: {  	_ = 	snop  }
0x6: {  	_ = 	snop  }
0x7: {  	_ = 	snop  }
__scs_overlays_trampoline_lowered:
0x8: {  	[smem:$0x3FA7] =	sst s0  }
0x9: {  	[smem:$0x3FA8] =	sst s1  }
0xa: {  	[smem:$0x3FA9] =	sst s2  }
0xb: {  	[smem:$0x3FAA] =	sst s3  }
0xc: {  	[smem:$0x3FAB] =	sst s4  }
0xd: {  	[smem:$0x3FAC] =	sst s5  }
0xe: {  	[smem:$0x3FAD] =	sst s6  }
0xf: {  	[smem:$0x3FAE] =	sst s7  }
0x10: {  	[smem:$0x3FAF] =	sst s8  }
0x11: {  	[smem:$0x3FB0] =	sst s9;
	s0 =	simm.s32 @!p0 $0x0  }
0x12: {  	s1 =	sld [smem:$0x3F96];
	s0 =	simm.s32 @p0 $0x1  }
0x13: {  	[smem:$0x3FB1] =	sst s0;
	s0 =	simm.s32 @!p1 $0x0  }
0x14: {  	s2 =	sld [smem:$0x3F95];
	s0 =	simm.s32 @p1 $0x1  }
0x15: {  	[smem:$0x3FB2] =	sst s0;
	s0 =	simm.s32 @!p2 $0x0  }
0x16: {  	s3 =	sld [smem:$0x3FDB];
	s0 =	simm.s32 @p2 $0x1  }
0x17: {  	s4 =	simm.s32 $0x1BF5;
	[smem:$0x3FB4] =	sst s0  }
0x18: {  	s0 =	sld [smem:$0x3F97];
	_ =	swait.ge [sflag:s4], $0x0  }
0x19: {  	s7 =	sld [smem:$0x3F98]  }
0x1a: {  	s8 =	sadd.s32 $0xFFFFE003, lr  }
0x1b: {  	s9 =	sadd.s32 $0xFFFFFEF7, lr;
	s5 =	simm.s32 $0xFFFFFFFF;
	p2 =	slt.u32 s8, $0xFFFFF086  }
0x1c: {  	p1 =	slt.u32 s9, $0xF7A;
	s5 =	simm.s32 @!p2 $0x0  }
0x1d: {  	s5 =	simm.s32 @p1 $0x1;
	p0 =	seq.s32 s7, s2  }
0x1e: {  	s7 =	smul.u32 @!p0 $0xF7A, s2;
	p2 =	seq.s32 @!p0 s5, $0x0  }
0x1f: {  	s9 =	smul.u32 $0xF7A, s1;
	s8 =	simm.s32 @!p0 $0x1BF5;
	p2 =	por !p2, p0  }
0x20: {  	[sflag:s8] =	ssyncset.s32 @!p0 $0xFFFFF086;
	s6 =	sadd.s32 @!p0 s3, s7;
	s7 =	simm.s32 @!p0 $0x108  }
0x21: {  	s3 =	sadd.s32 s3, s9;
	s6 =	sadd.s32 @!p0 $0x88, s6;
	s7 =	simm.s32 @p2 $0x1082  }
0x22: {  	[simem:s7], [sflag:s8] =	dma.local @!p0 [hbm:s6], $0xF7A  }
0x23: {  	s9 =	sor.u32 $0xD0000000, s2;
	s6 =	simm.s32 $0x108;
	_ =	swait.ge @!p0 [sflag:s8], $0x0  }
0x24: {  	s3 =	sadd.s32 $0x88, s3;
	s6 =	simm.s32 @!p1 $0x1082;
	[sflag:s4] =	ssyncset.s32 $0xFFFFF086  }
0x25: {  	[simem:s6], [sflag:s4] =	dma.local [hbm:s3], $0xF7A  }
0x26: {  	[smem:$0x3F98] =	sst s1;
	(tag) =	ssettag s2;
	_ =	strace s9  }
0x27: {  	s1 =	sld [smem:$0x3FA8]  }
0x28: {  	s2 =	sld [smem:$0x3FA9]  }
0x29: {  	s4 =	sld [smem:$0x3FAB]  }
0x2a: {  	p0 =	seq.s32 s5, $0x0;
	s5 =	sld [smem:$0x3FAC]  }
0x2b: {  	s6 =	sld [smem:$0x3FAD]  }
0x2c: {  	s7 =	sld [smem:$0x3FAE]  }
0x2d: {  	s3 =	simm.s32 $0x108;
	s8 =	sld [smem:$0x3FAF]  }
0x2e: {  	s3 =	simm.s32 @!p0 $0x1082;
	s9 =	sld [smem:$0x3FB0]  }
0x2f: {  	lr =	sadd.s32 s0, s3;
	s0 =	sld [smem:$0x3FA7]  }
0x30: {  	s3 =	sld [smem:$0x3FAA]  }
0x31: {  	[smem:$0x3FB3] =	sst s10  }
0x32: {  	s10 =	sld [smem:$0x3FB1];
	_ =	sdelay $0x3  }
0x33: {  	p0 =	seq.s32 s10, $0x1;
	s10 =	sld [smem:$0x3FB3];
	_ =	sdelay $0x3  }
0x34: {  	[smem:$0x3FB3] =	sst s10  }
0x35: {  	s10 =	sld [smem:$0x3FB2];
	_ =	sdelay $0x3  }
0x36: {  	p1 =	seq.s32 s10, $0x1;
	s10 =	sld [smem:$0x3FB3];
	_ =	sdelay $0x3  }
0x37: {  	[smem:$0x3FB3] =	sst s10  }
0x38: {  	s10 =	sld [smem:$0x3FB4]  }
0x39: {  	_ = 	snop;
	(pc) =	sbr.ind lr, $3  }
0x3a: {  	_ = 	snop  }
0x3b: {  	_ = 	snop  }
0x3c: {  	p2 =	seq.s32 s10, $0x1;
	s10 =	sld [smem:$0x3FB3]  }
0x3d: {  	_ =	shalt  }
0x3e: {  	_ =	shalt  }
0x3f: {  	_ =	shalt  }
0x40: {  	_ =	shalt  }
0x41: {  	_ =	shalt  }
0x42: {  	_ =	shalt  }
0x43: {  	_ =	shalt  }
0x44: {  	_ =	shalt  }
0x45: {  	_ =	shalt  }
0x46: {  	_ =	shalt  }
0x47: {  	_ =	shalt  }
0x48: {  	_ =	shalt  }
0x49: {  	_ =	shalt  }
0x4a: {  	_ =	shalt  }
0x4b: {  	_ =	shalt  }
0x4c: {  	_ =	shalt  }
0x4d: {  	_ =	shalt  }
0x4e: {  	_ =	shalt  }
0x4f: {  	_ =	shalt  }
0x50: {  	_ =	shalt  }
0x51: {  	_ =	shalt  }
0x52: {  	_ =	shalt  }
0x53: {  	_ =	shalt  }
0x54: {  	_ =	shalt  }
0x55: {  	_ =	shalt  }
0x56: {  	_ =	shalt  }
0x57: {  	_ =	shalt  }
0x58: {  	_ =	shalt  }
0x59: {  	_ =	shalt  }
0x5a: {  	_ =	shalt  }
0x5b: {  	_ =	shalt  }
0x5c: {  	_ =	shalt  }
0x5d: {  	_ =	shalt  }
0x5e: {  	_ =	shalt  }
0x5f: {  	_ =	shalt  }
0x60: {  	_ =	shalt  }
0x61: {  	_ =	shalt  }
0x62: {  	_ =	shalt  }
0x63: {  	_ =	shalt  }
0x64: {  	_ =	shalt  }
0x65: {  	_ =	shalt  }
0x66: {  	_ =	shalt  }
0x67: {  	_ =	shalt  }
0x68: {  	_ =	shalt  }
0x69: {  	_ =	shalt  }
0x6a: {  	_ =	shalt  }
0x6b: {  	_ =	shalt  }
0x6c: {  	_ =	shalt  }
0x6d: {  	_ =	shalt  }
0x6e: {  	_ =	shalt  }
0x6f: {  	_ =	shalt  }
0x70: {  	_ =	shalt  }
0x71: {  	_ =	shalt  }
0x72: {  	_ =	shalt  }
0x73: {  	_ =	shalt  }
0x74: {  	_ =	shalt  }
0x75: {  	_ =	shalt  }
0x76: {  	_ =	shalt  }
0x77: {  	_ =	shalt  }
0x78: {  	_ =	shalt  }
0x79: {  	_ =	shalt  }
0x7a: {  	_ =	shalt  }
0x7b: {  	_ =	shalt  }
0x7c: {  	_ =	shalt  }
0x7d: {  	_ =	shalt  }
0x7e: {  	_ =	shalt  }
0x7f: {  	_ =	shalt  }
0x80: {  	_ =	shalt  }
0x81: {  	_ =	shalt  }
0x82: {  	_ =	shalt  }
0x83: {  	_ =	shalt  }
0x84: {  	_ =	shalt  }
0x85: {  	_ =	shalt  }
0x86: {  	_ =	shalt  }
0x87: {  	_ =	shalt  }
.Lfunc_end0:
.L_simem_size_0:
called_computation.2_lowered:
.L_overlay_start_0:
0x88: {  	s2 =	sld [smem:$0x3FD9]  }
0x89: {  	s3 =	sld [smem:$0x3FFE];
	_ =	sdelay $0x1  }
0x8a: {  	s1 =	srdreg.scid  }
0x8b: {  	s0 =	sand.u32 $0x1, s1  }
0x8c: {  	s16 =	sshll.u32 s0, $0xA;
	s2 =	sadd.s32 s3, s2  }
0x8d: {  	s2 =	sadd.s32 s2, s16  }
0x8e: {  	[smem:$0x3FBF] =	sst s2  }
0x8f: {  	_ = 	snop  }
0x90: {  	(tm) =	ssettm $0x1  }
0x91: {  	s17 =	sld [smem:$0x3FFB];
	_ =	sdelay $0x3  }
0x92: {  	_ =	strace s17  }
0x93: {  	s2 =	sld [smem:$0x3FFC];
	_ =	sdelay $0x3  }
0x94: {  	_ =	strace s2  }
0x95: {  	s2 =	sld [smem:$0x3FFD];
	_ =	sdelay $0x3  }
0x96: {  	_ =	strace s2  }
0x97: {  	_ =	strace $0x8FFFFFFF  }
0x98: {  	s18 =	sld [smem:$0x3FDB];
	_ =	sdelay $0x1  }
0x99: {  	s19 =	simm.s32 $_scs_section_size  }
0x9a: {  	s4 =	simm.s32 $_size__tile_overlayer_lowered;
	s5 =	simm.s32 $_tile_overlayer_lowered  }
0x9b: {  	s22 =	simm.s32 $0x1BFF;
	s21 =	sshll.u32 s5, $0x1;
	s2 =	sadd.s32 s19, s18  }
0x9c: {  	s6 =	simm.s32 $0x0;
	s20 =	sshll.u32 s4, $0x1;
	s4 =	sadd.s32 s21, s2  }
0x9d: {  	[timem:s6], [sflag:s22] =	dma.local [hbm:s4], s20  }
0x9e: {  	_ =	swait.ge [sflag:s22], s20  }
0x9f: {  	s3 =	ssub.s32 $0x0, s20;
	[sflag:s22] =	ssyncset.done $0x0  }
0xa0: {  	[sflag:s22] =	ssyncadd.s32 s3;
	_ =	sdelay $0x1  }
0xa1: {  	s23 =	simm.s32 $0x1B8B  }
0xa2: {  	_ =	swait.ge [sflag:s23], $0x1  }
0xa3: {  	[sflag:s23] =	ssyncset.done $0x0  }
0xa4: {  	s25 =	simm.s32 $0x1B8E;
	s24 =	sld [smem:$0x3FFE];
	[sflag:s23] =	ssyncadd.s32 $0xFFFFFFFF  }
0xa5: {  	s26 =	simm.s32 $execute0_lowered;
	[smem:$0x3FD2] =	sst s25  }
0xa6: {  	s4 =	sshll.u32 s26, $0x1;
	_ =	strace $0x8000004C;
	[dreg:$0x1] =	wrdreg $0xFFFFFFFF  }
0xa7: {  	s28 =	simm.s32 $_size_execute0_lowered;
	s2 =	sadd.s32 s2, s4;
	[dreg:$0x0] =	wrdreg $0x0  }
0xa8: {  	s4 =	sshll.u32 s28, $0x1;
	[dreg:$0x2] =	wrdreg s2  }
0xa9: {  	[dreg:$0x3] =	wrdreg s4  }
0xaa: {  	[dreg:$0x4] =	wrdreg $0xC0  }
0xab: {  	_ =	task [dreg:s6], $0x5FFFF  }
0xac: {  	[dreg:$0x1] =	wrdreg $0xFFFFFFFF  }
0xad: {  	[dreg:$0x0] =	wrdreg $0x60  }
0xae: {  	[dreg:$0x2] =	wrdreg s24  }
0xaf: {  	[dreg:$0x3] =	wrdreg $0x90000  }
0xb0: {  	[dreg:$0x4] =	wrdreg $0x9  }
0xb1: {  	_ =	task.clear_ibuf [dreg:s6], $0x5FFFF;
	_ =	strace $0x9000004C  }
0xb2: {  	s29 =	simm.s32 $0x9;
	_ =	strace $0x8000004E  }
0xb3: {  	_ =	swait.ge [sflag:s29], $0x1  }
0xb4: {  	[sflag:s29] =	ssyncadd.s32 $0xFFFFFFFF  }
0xb5: {  	_ =	strace $0x9000004E  }
0xb6: {  	_ =	sfence  }
0xb7: {  	s30 =	sld [smem:$0x0];
	_ =	sdelay $0x2  }
0xb8: {  	s31 =	sshll.u32 s1, $0xD;
	s1 =	sshrl.u32 s1, $0x2  }
0xb9: {  	s3 =	sand.u32 $0x4000, s31;
	s1 =	sadd.s32 s1, s30  }
0xba: {  	s0 =	sor.u32 s3, s0;
	s1 =	sshll.u32 s1, $0x11  }
0xbb: {  	s0 =	sor.u32 s1, s0  }
0xbc: {  	s0 =	sadd.s32 $0x8F2B, s0  }
0xbd: {  	[sflag:s0] =	ssyncadd.remote.s32 $0x1  }
0xbe: {  	_ =	sfence.sel $0xFFFF  }
0xbf: {  	[dreg:$0x0] =	wrdreg $0xFFFFFFFF;
	(pc) =	sbr.abs _section_cstart, $3  }
0xc0: {  	[dreg:$0x1] =	wrdreg $0xFFFFFFFF  }
0xc1: {  	_ =	task.clear_ibuf [dreg:s6], $0x2FFFF;
	_ =	strace $0x9FFFFFFF  }
0xc2: {  	(tm) =	ssettm $0x7FFFFFFF  }
0xc3: {  	_ =	shalt  }
tec
execute0_lowered:
.L_overlay_start_1:
0x0: {  	(tag) =	ssettag $0x1  }
0x1: {  	s6 =	rddreg [dreg:$0x0]  }
0x2: {  	s0 =	srdreg.scid;
	s2 =	rddreg [dreg:$0x1];
	s3 =	simm.s32 $0x0  }
0x3: {  	s14 =	simm.s32 $0x5000;
	s15 =	simm.s32 $0x5;
	s16 =	simm.s32 $0x2800  }
0x4: {  	s17 =	simm.s32 $0x80;
	s18 =	simm.s32 $0x7000;
	s19 =	simm.s32 $0x1  }
0x5: {  	s20 =	simm.s32 $0x2;
	s21 =	simm.s32 $0x3;
	s22 =	simm.s32 $0x4  }
0x6: {  	s23 =	simm.s32 $0x4F00;
	s5 =	sand.u32 $0x1, s0;
	s0 =	stileid.u32  }
0x7: {  	s24 =	simm.s32 $0x4F80;
	[smem:$0x7FF] =	sst s3;
	s7 =	smul.u32 $0xA000, s0  }
0x8: {  	s1 =	sshll.u32 s5, $0x4;
	s8 =	smul.u32 $0xA0000, s5;
	s5 =	ssub.s32 $0x2, s5  }
0x9: {  	s10 =	smul.u32 $0x28000, s0;
	s1 =	sor.u32 s0, s1;
	s31 =	sshrl.u32 s5, $0x1  }
0xa: {  	s4 =	smul.u32 $0x2800, s1;
	s1 =	rddreg [dreg:$0x2];
	_ =	strace $0x8000004D  }
0xb: {  	s8 =	sadd.s32 s7, s8;
	s30 =	sshrl.u32 s10, $0x2;
	s13 =	ssub.s32 s5, s31  }
0xc: {  	s5 =	sadd.s32 s7, s2;
	s8 =	sshrl.u32 s8, $0x3;
	s13 =	smax.u32 s13, $0x1  }
0xd: {  	s9 =	sshrl.u32 s4, $0x3;
	s4 =	sadd.s32 $0x2A00, s6;
	s12 =	sadd.s32 s8, s6  }
0xe: {  	s11 =	sadd.s32 s9, s6;
	s9 =	sadd.s32 s30, s2;
	s12 =	sadd.s32 $0x16A00, s12  }
0xf: {  	s6 =	sadd.s32 $0x2000, s9;
	s7 =	sadd.s32 $0x4000, s9;
	s8 =	sadd.s32 $0x6000, s9  }
0x10: {  	v0 =	vimm.f32 $0.0e+00;
	s9 =	sadd.s32 $0x8000, s9;
	s10 =	sadd.s32 $0x8EA00, s11;
	s11 =	sadd.s32 $0x98A00, s11  }
.LBB2_1:
0x11: {  	s26 =	simm.s32 $0x100;
	s25 =	simm.s32 $0x0  }
.LBB2_2:
0x12: {  	p0 =	sne.s32 s26, $0x7F00;
	[tilespmem:s25+$0x5030] =	vst v0;
	s28 =	smov.u32 s26;
	s26 =	sadd.s32 $0x100, s26  }
.Ltmp0:
0x13: {  	[tilespmem:s25+$0x5020] =	vst v0;
	(pc) =	sbr.rel @p0 .LBB2_2-.Ltmp0, $3  }
0x14: {  	[tilespmem:s25+$0x5000] =	vst v0  }
0x15: {  	[tilespmem:s25+$0x5010] =	vst v0;
	_ =	sdelay $0x1  }
0x16: {  	s25 =	sshra.s32 s28, $0x2  }
0x17: {  	[tilespmem:s25+$0x5030] =	vst v0  }
0x18: {  	[tilespmem:s25+$0x5020] =	vst v0  }
0x19: {  	[tilespmem:s25+$0x5000] =	vst v0  }
0x1a: {  	[tilespmem:s25+$0x5010] =	vst v0  }
0x1b: {  	[spmem:s5] =	stream.linear.scatter [tilespmem:s14], [sflag:$0x5], $0x2000, $0x38;
	[tilespmem:$0x13000] =	vst v63  }
0x1c: {  	_ =	swait.ge [sflag:s15], $0x2000  }
0x1d: {  	[sflag:s15] =	ssyncset.done $0x0  }
0x1e: {  	[sflag:s15] =	ssyncadd.s32 $0xFFFFE000  }
0x1f: {  	[spmem:s6] =	stream.linear.scatter [tilespmem:s14], [sflag:$0x5], $0x2000, $0x38;
	[tilespmem:$0x13000] =	vst v63  }
0x20: {  	_ =	swait.ge [sflag:s15], $0x2000  }
0x21: {  	[sflag:s15] =	ssyncset.done $0x0  }
0x22: {  	[sflag:s15] =	ssyncadd.s32 $0xFFFFE000  }
0x23: {  	[spmem:s7] =	stream.linear.scatter [tilespmem:s14], [sflag:$0x5], $0x2000, $0x38;
	[tilespmem:$0x13000] =	vst v63  }
0x24: {  	_ =	swait.ge [sflag:s15], $0x2000  }
0x25: {  	[sflag:s15] =	ssyncset.done $0x0  }
0x26: {  	[sflag:s15] =	ssyncadd.s32 $0xFFFFE000  }
0x27: {  	[spmem:s8] =	stream.linear.scatter [tilespmem:s14], [sflag:$0x5], $0x2000, $0x38;
	[tilespmem:$0x13000] =	vst v63  }
0x28: {  	_ =	swait.ge [sflag:s15], $0x2000  }
0x29: {  	[sflag:s15] =	ssyncset.done $0x0  }
0x2a: {  	[sflag:s15] =	ssyncadd.s32 $0xFFFFE000  }
0x2b: {  	[spmem:s9] =	stream.linear.scatter [tilespmem:s14], [sflag:$0x5], $0x2000, $0x38;
	[tilespmem:$0x13000] =	vst v63  }
0x2c: {  	_ =	swait.ge [sflag:s15], $0x2000  }
0x2d: {  	[sflag:s15] =	ssyncset.done $0x0  }
0x2e: {  	[sflag:s15] =	ssyncadd.s32 $0xFFFFE000  }
0x2f: {  	s28 =	simm.s32 $0x0;
	[bflag:$0x0] =	sbarrier.arrive $0xFFFF  }
0x30: {  	[tilespmem:s28], [sflag:$0x5] =	stream.linear.gather [hbm4b:s10+s28], $0x2800, $0x38;
	[tilespmem:$0x13000] =	vst v63  }
0x31: {  	_ =	swait.ge [sflag:s15], $0x2800  }
0x32: {  	[sflag:s15] =	ssyncset.done $0x0  }
0x33: {  	[sflag:s15] =	ssyncadd.s32 $0xFFFFD800  }
0x34: {  	[tilespmem:s16], [sflag:$0x5] =	stream.linear.gather [hbm4b:s11+s28], $0x2800, $0x38;
	[tilespmem:$0x13000] =	vst v63  }
0x35: {  	_ =	swait.ge [sflag:s15], $0x2800  }
0x36: {  	[sflag:s15] =	ssyncset.done $0x0  }
0x37: {  	[sflag:s15] =	ssyncadd.s32 $0xFFFFD800  }
0x38: {  	[tilespmem:s14], [sflag:$0x1] =	stream.indirect.gather [hbm4b:s4+s17], $0x40, s28, s17, $0xb8;
	[tilespmem:$0x13000] =	vst v63  }
0x39: {  	_ = 	snop  }
0x3a: {  	[tilespmem:s18], [sflag:$0x2] =	stream.indirect.gather [hbm4b:s4+s17], $0x40, s17, s17, $0xb8;
	[tilespmem:$0x13000] =	vst v63  }
0x3b: {  	_ =	swait.ge [sflag:s19], $0x2000  }
0x3c: {  	[sflag:s19] =	ssyncset.done $0x0  }
0x3d: {  	s29 =	simm.s32 $0x2800;
	[sflag:s19] =	ssyncadd.s32 $0xFFFFE000  }
0x3e: {  	[spmem:s2] =	stream.indirect.scatter.add.f32 [tilespmem:s14], [sflag:$0x3], $0x40, s29, s17, $0xb8;
	[tilespmem:$0x13000] =	vst v63  }
0x3f: {  	_ =	swait.ge [sflag:s20], $0x2000  }
0x40: {  	[sflag:s20] =	ssyncset.done $0x0  }
0x41: {  	s30 =	simm.s32 $0x2880;
	[sflag:s20] =	ssyncadd.s32 $0xFFFFE000  }
0x42: {  	[spmem:s2] =	stream.indirect.scatter.add.f32 [tilespmem:s18], [sflag:$0x4], $0x40, s30, s17, $0xb8;
	[tilespmem:$0x13000] =	vst v63  }
0x43: {  	_ =	swait.ge [sflag:s21], $0x2000  }
0x44: {  	[sflag:s21] =	ssyncset.done $0x0  }
0x45: {  	s31 =	simm.s32 $0x100;
	[sflag:s21] =	ssyncadd.s32 $0xFFFFE000  }
0x46: {  	[tilespmem:s14], [sflag:$0x1] =	stream.indirect.gather [hbm4b:s4+s17], $0x40, s31, s17, $0xb8;
	[tilespmem:$0x13000] =	vst v63  }
0x47: {  	_ =	swait.ge [sflag:s22], $0x2000  }
0x48: {  	[sflag:s22] =	ssyncset.done $0x0  }
0x49: {  	s25 =	simm.s32 $0x400;
	s26 =	simm.s32 $0x180;
	[sflag:s22] =	ssyncadd.s32 $0xFFFFE000  }
.LBB2_4:
0x4a: {  	[tilespmem:s18], [sflag:$0x2] =	stream.indirect.gather [hbm4b:s4+s17], $0x40, s26, s17, $0xb8;
	[tilespmem:$0x13000] =	vst v63  }
0x4b: {  	s26 =	smov.u32 s25  }
0x4c: {  	p0 =	sne.s32 s25, $0x9800;
	s25 =	sadd.s32 $0x400, s25;
	_ =	swait.ge [sflag:s19], $0x2000  }
0x4d: {  	s26 =	sshra.s32 s26, $0x2;
	[sflag:s19] =	ssyncset.done $0x0  }
0x4e: {  	s28 =	sadd.s32 $0x2800, s26;
	[sflag:s19] =	ssyncadd.s32 $0xFFFFE000  }
0x4f: {  	[spmem:s2] =	stream.indirect.scatter.add.f32 [tilespmem:s14], [sflag:$0x3], $0x40, s28, s17, $0xb8;
	[tilespmem:$0x13000] =	vst v63  }
0x50: {  	_ =	swait.ge [sflag:s20], $0x2000  }
0x51: {  	[sflag:s20] =	ssyncset.done $0x0  }
0x52: {  	s28 =	sadd.s32 $0x2880, s26;
	[sflag:s20] =	ssyncadd.s32 $0xFFFFE000  }
0x53: {  	[spmem:s2] =	stream.indirect.scatter.add.f32 [tilespmem:s18], [sflag:$0x4], $0x40, s28, s17, $0xb8;
	[tilespmem:$0x13000] =	vst v63  }
0x54: {  	_ =	swait.ge [sflag:s21], $0x2000  }
0x55: {  	[sflag:s21] =	ssyncset.done $0x0  }
.Ltmp1:
0x56: {  	s28 =	sadd.s32 $0x100, s26;
	[sflag:s21] =	ssyncadd.s32 $0xFFFFE000;
	(pc) =	sbr.rel @p0 .LBB2_4-.Ltmp1, $4  }
0x57: {  	[tilespmem:s14], [sflag:$0x1] =	stream.indirect.gather [hbm4b:s4+s17], $0x40, s28, s17, $0xb8;
	[tilespmem:$0x13000] =	vst v63  }
0x58: {  	_ =	swait.ge [sflag:s22], $0x2000  }
0x59: {  	[sflag:s22] =	ssyncset.done $0x0  }
0x5a: {  	s26 =	sadd.s32 $0x180, s26;
	[sflag:s22] =	ssyncadd.s32 $0xFFFFE000  }
0x5b: {  	[tilespmem:s18], [sflag:$0x2] =	stream.indirect.gather [hbm4b:s4+s17], $0x40, s26, s17, $0xb8;
	[tilespmem:$0x13000] =	vst v63  }
0x5c: {  	_ =	swait.ge [sflag:s19], $0x2000  }
0x5d: {  	[sflag:s19] =	ssyncset.done $0x0  }
0x5e: {  	[sflag:s19] =	ssyncadd.s32 $0xFFFFE000  }
0x5f: {  	[spmem:s2] =	stream.indirect.scatter.add.f32 [tilespmem:s14], [sflag:$0x3], $0x40, s23, s17, $0xb8;
	[tilespmem:$0x13000] =	vst v63  }
0x60: {  	_ =	swait.ge [sflag:s20], $0x2000  }
0x61: {  	[sflag:s20] =	ssyncset.done $0x0  }
0x62: {  	[sflag:s20] =	ssyncadd.s32 $0xFFFFE000  }
0x63: {  	[spmem:s2] =	stream.indirect.scatter.add.f32 [tilespmem:s18], [sflag:$0x4], $0x40, s24, s17, $0xb8;
	[tilespmem:$0x13000] =	vst v63  }
0x64: {  	_ =	swait.ge [sflag:s21], $0x2000  }
0x65: {  	[sflag:s21] =	ssyncset.done $0x0  }
0x66: {  	[sflag:s21] =	ssyncadd.s32 $0xFFFFE000  }
0x67: {  	_ =	swait.ge [sflag:s22], $0x2000  }
0x68: {  	s25 =	sshll.u32 s0, $0x6;
	s3 =	sadd.s32 $0x1, s3;
	[sflag:s22] =	ssyncset.done $0x0  }
0x69: {  	s31 =	sshrl.u32 s5, $0x3;
	p0 =	sne.s32 s3, s13;
	[sflag:s22] =	ssyncadd.s32 $0xFFFFE000  }
.Ltmp2:
0x6a: {  	s25 =	sor.u32 $0x1C05, s25;
	[bflag:$0x0] =	sbarrier.arrive $0xFFFF;
	(pc) =	sbr.rel @p0 .LBB2_1-.Ltmp2, $4  }
0x6b: {  	[hbm:s12], [sflag:s25] =	dma.local [spmem:s31], $0x1400  }
0x6c: {  	_ =	swait.ge [sflag:s15], $0x1400  }
0x6d: {  	[sflag:s15] =	ssyncset.done $0x0  }
0x6e: {  	[sflag:s15] =	ssyncadd.s32 $0xFFFFEC00  }
0x6f: {  	_ =	sfence.sel $0x180000  }
0x70: {  	[bflag:$0x0] =	sbarrier.arrive $0xFFFF  }
0x71: {  	p0 =	sne.s32 s0, $0x0;
	_ =	strace $0x9000004D  }
0x72: {  	s0 =	sadd.s32 @!p0 $0x100000, s1;
	[bflag:$0x2] =	sbarrier.arrive $0xFFFF  }
0x73: {  	[sflag:s0] =	ssyncadd.tile.s32 @!p0 $0x1;
	_ =	shalt  }
.Lfunc_end2:
_tile_overlayer_lowered:
.L_overlay_start_2:
0x74: {  	(tag) =	ssettag $0x2  }
0x75: {  	s0 =	rddreg [dreg:$0x0];
	s2 =	stileid.u32  }
0x76: {  	s1 =	rddreg [dreg:$0x1];
	p0 =	sne.s32 s2, $0x0  }
0x77: {  	s3 =	rddreg [dreg:$0x2];
	[bflag:$0x3] =	sbarrier.arrive $0xFFFF;
	s2 =	simm.s32 @!p0 $0x1C05  }
0x78: {  	[timem:s3], [sflag:s2] =	dma.local @!p0 [hbm:s0], s1  }
0x79: {  	s0 =	simm.s32 @!p0 $0x5  }
0x7a: {  	_ =	swait.ge @!p0 [sflag:s0], s1  }
0x7b: {  	s1 =	ssub.s32 @!p0 $0x0, s1;
	[sflag:s0] =	ssyncset.done @!p0 $0x0  }
0x7c: {  	[sflag:s0] =	ssyncadd.s32 @!p0 s1  }
0x7d: {  	[bflag:$0x3] =	sbarrier.arrive $0xFFFF  }
0x7e: {  	_ =	shalt  }

// kernel: kernel.8.cloned.1.call-start
scs
__scs_entry_jumppad:
0x0: {  	(pc) =	sbr.rel $0x88, $3  }
0x1: {  	(tag) =	ssettag $0x0;
	lr =	simm.s32 $0x1  }
0x2: {  	[smem:$0x3F98] =	sst lr;
	_ =	strace $0xD0000000  }
0x3: {  	_ = 	snop  }
0x4: {  	_ = 	snop  }
0x5: {  	_ = 	snop  }
0x6: {  	_ = 	snop  }
0x7: {  	_ = 	snop  }
__scs_overlays_trampoline_lowered:
0x8: {  	[smem:$0x3FA7] =	sst s0  }
0x9: {  	[smem:$0x3FA8] =	sst s1  }
0xa: {  	[smem:$0x3FA9] =	sst s2  }
0xb: {  	[smem:$0x3FAA] =	sst s3  }
0xc: {  	[smem:$0x3FAB] =	sst s4  }
0xd: {  	[smem:$0x3FAC] =	sst s5  }
0xe: {  	[smem:$0x3FAD] =	sst s6  }
0xf: {  	[smem:$0x3FAE] =	sst s7  }
0x10: {  	[smem:$0x3FAF] =	sst s8  }
0x11: {  	[smem:$0x3FB0] =	sst s9;
	s0 =	simm.s32 @!p0 $0x0  }
0x12: {  	s1 =	sld [smem:$0x3F96];
	s0 =	simm.s32 @p0 $0x1  }
0x13: {  	[smem:$0x3FB1] =	sst s0;
	s0 =	simm.s32 @!p1 $0x0  }
0x14: {  	s2 =	sld [smem:$0x3F95];
	s0 =	simm.s32 @p1 $0x1  }
0x15: {  	[smem:$0x3FB2] =	sst s0;
	s0 =	simm.s32 @!p2 $0x0  }
0x16: {  	s3 =	sld [smem:$0x3FDB];
	s0 =	simm.s32 @p2 $0x1  }
0x17: {  	s4 =	simm.s32 $0x1BF5;
	[smem:$0x3FB4] =	sst s0  }
0x18: {  	s0 =	sld [smem:$0x3F97];
	_ =	swait.ge [sflag:s4], $0x0  }
0x19: {  	s7 =	sld [smem:$0x3F98]  }
0x1a: {  	s8 =	sadd.s32 $0xFFFFE003, lr  }
0x1b: {  	s9 =	sadd.s32 $0xFFFFFEF7, lr;
	s5 =	simm.s32 $0xFFFFFFFF;
	p2 =	slt.u32 s8, $0xFFFFF086  }
0x1c: {  	p1 =	slt.u32 s9, $0xF7A;
	s5 =	simm.s32 @!p2 $0x0  }
0x1d: {  	s5 =	simm.s32 @p1 $0x1;
	p0 =	seq.s32 s7, s2  }
0x1e: {  	s7 =	smul.u32 @!p0 $0xF7A, s2;
	p2 =	seq.s32 @!p0 s5, $0x0  }
0x1f: {  	s9 =	smul.u32 $0xF7A, s1;
	s8 =	simm.s32 @!p0 $0x1BF5;
	p2 =	por !p2, p0  }
0x20: {  	[sflag:s8] =	ssyncset.s32 @!p0 $0xFFFFF086;
	s6 =	sadd.s32 @!p0 s3, s7;
	s7 =	simm.s32 @!p0 $0x108  }
0x21: {  	s3 =	sadd.s32 s3, s9;
	s6 =	sadd.s32 @!p0 $0x88, s6;
	s7 =	simm.s32 @p2 $0x1082  }
0x22: {  	[simem:s7], [sflag:s8] =	dma.local @!p0 [hbm:s6], $0xF7A  }
0x23: {  	s9 =	sor.u32 $0xD0000000, s2;
	s6 =	simm.s32 $0x108;
	_ =	swait.ge @!p0 [sflag:s8], $0x0  }
0x24: {  	s3 =	sadd.s32 $0x88, s3;
	s6 =	simm.s32 @!p1 $0x1082;
	[sflag:s4] =	ssyncset.s32 $0xFFFFF086  }
0x25: {  	[simem:s6], [sflag:s4] =	dma.local [hbm:s3], $0xF7A  }
0x26: {  	[smem:$0x3F98] =	sst s1;
	(tag) =	ssettag s2;
	_ =	strace s9  }
0x27: {  	s1 =	sld [smem:$0x3FA8]  }
0x28: {  	s2 =	sld [smem:$0x3FA9]  }
0x29: {  	s4 =	sld [smem:$0x3FAB]  }
0x2a: {  	p0 =	seq.s32 s5, $0x0;
	s5 =	sld [smem:$0x3FAC]  }
0x2b: {  	s6 =	sld [smem:$0x3FAD]  }
0x2c: {  	s7 =	sld [smem:$0x3FAE]  }
0x2d: {  	s3 =	simm.s32 $0x108;
	s8 =	sld [smem:$0x3FAF]  }
0x2e: {  	s3 =	simm.s32 @!p0 $0x1082;
	s9 =	sld [smem:$0x3FB0]  }
0x2f: {  	lr =	sadd.s32 s0, s3;
	s0 =	sld [smem:$0x3FA7]  }
0x30: {  	s3 =	sld [smem:$0x3FAA]  }
0x31: {  	[smem:$0x3FB3] =	sst s10  }
0x32: {  	s10 =	sld [smem:$0x3FB1];
	_ =	sdelay $0x3  }
0x33: {  	p0 =	seq.s32 s10, $0x1;
	s10 =	sld [smem:$0x3FB3];
	_ =	sdelay $0x3  }
0x34: {  	[smem:$0x3FB3] =	sst s10  }
0x35: {  	s10 =	sld [smem:$0x3FB2];
	_ =	sdelay $0x3  }
0x36: {  	p1 =	seq.s32 s10, $0x1;
	s10 =	sld [smem:$0x3FB3];
	_ =	sdelay $0x3  }
0x37: {  	[smem:$0x3FB3] =	sst s10  }
0x38: {  	s10 =	sld [smem:$0x3FB4]  }
0x39: {  	_ = 	snop;
	(pc) =	sbr.ind lr, $3  }
0x3a: {  	_ = 	snop  }
0x3b: {  	_ = 	snop  }
0x3c: {  	p2 =	seq.s32 s10, $0x1;
	s10 =	sld [smem:$0x3FB3]  }
0x3d: {  	_ =	shalt  }
0x3e: {  	_ =	shalt  }
0x3f: {  	_ =	shalt  }
0x40: {  	_ =	shalt  }
0x41: {  	_ =	shalt  }
0x42: {  	_ =	shalt  }
0x43: {  	_ =	shalt  }
0x44: {  	_ =	shalt  }
0x45: {  	_ =	shalt  }
0x46: {  	_ =	shalt  }
0x47: {  	_ =	shalt  }
0x48: {  	_ =	shalt  }
0x49: {  	_ =	shalt  }
0x4a: {  	_ =	shalt  }
0x4b: {  	_ =	shalt  }
0x4c: {  	_ =	shalt  }
0x4d: {  	_ =	shalt  }
0x4e: {  	_ =	shalt  }
0x4f: {  	_ =	shalt  }
0x50: {  	_ =	shalt  }
0x51: {  	_ =	shalt  }
0x52: {  	_ =	shalt  }
0x53: {  	_ =	shalt  }
0x54: {  	_ =	shalt  }
0x55: {  	_ =	shalt  }
0x56: {  	_ =	shalt  }
0x57: {  	_ =	shalt  }
0x58: {  	_ =	shalt  }
0x59: {  	_ =	shalt  }
0x5a: {  	_ =	shalt  }
0x5b: {  	_ =	shalt  }
0x5c: {  	_ =	shalt  }
0x5d: {  	_ =	shalt  }
0x5e: {  	_ =	shalt  }
0x5f: {  	_ =	shalt  }
0x60: {  	_ =	shalt  }
0x61: {  	_ =	shalt  }
0x62: {  	_ =	shalt  }
0x63: {  	_ =	shalt  }
0x64: {  	_ =	shalt  }
0x65: {  	_ =	shalt  }
0x66: {  	_ =	shalt  }
0x67: {  	_ =	shalt  }
0x68: {  	_ =	shalt  }
0x69: {  	_ =	shalt  }
0x6a: {  	_ =	shalt  }
0x6b: {  	_ =	shalt  }
0x6c: {  	_ =	shalt  }
0x6d: {  	_ =	shalt  }
0x6e: {  	_ =	shalt  }
0x6f: {  	_ =	shalt  }
0x70: {  	_ =	shalt  }
0x71: {  	_ =	shalt  }
0x72: {  	_ =	shalt  }
0x73: {  	_ =	shalt  }
0x74: {  	_ =	shalt  }
0x75: {  	_ =	shalt  }
0x76: {  	_ =	shalt  }
0x77: {  	_ =	shalt  }
0x78: {  	_ =	shalt  }
0x79: {  	_ =	shalt  }
0x7a: {  	_ =	shalt  }
0x7b: {  	_ =	shalt  }
0x7c: {  	_ =	shalt  }
0x7d: {  	_ =	shalt  }
0x7e: {  	_ =	shalt  }
0x7f: {  	_ =	shalt  }
0x80: {  	_ =	shalt  }
0x81: {  	_ =	shalt  }
0x82: {  	_ =	shalt  }
0x83: {  	_ =	shalt  }
0x84: {  	_ =	shalt  }
0x85: {  	_ =	shalt  }
0x86: {  	_ =	shalt  }
0x87: {  	_ =	shalt  }
.Lfunc_end0:
.L_simem_size_0:
called_computation_lowered:
.L_overlay_start_0:
0x88: {  	s2 =	sld [smem:$0x3FD9]  }
0x89: {  	s3 =	sld [smem:$0x3FFE];
	_ =	sdelay $0x1  }
0x8a: {  	s1 =	srdreg.scid  }
0x8b: {  	s0 =	sand.u32 $0x1, s1  }
0x8c: {  	s16 =	sshll.u32 s0, $0xA;
	s2 =	sadd.s32 s3, s2  }
0x8d: {  	s2 =	sadd.s32 s2, s16  }
0x8e: {  	[smem:$0x3FBF] =	sst s2  }
0x8f: {  	_ = 	snop  }
0x90: {  	(tm) =	ssettm $0x1  }
0x91: {  	s17 =	sld [smem:$0x3FFB];
	_ =	sdelay $0x3  }
0x92: {  	_ =	strace s17  }
0x93: {  	s2 =	sld [smem:$0x3FFC];
	_ =	sdelay $0x3  }
0x94: {  	_ =	strace s2  }
0x95: {  	s2 =	sld [smem:$0x3FFD];
	_ =	sdelay $0x3  }
0x96: {  	_ =	strace s2  }
0x97: {  	_ =	strace $0x8FFFFFFF  }
0x98: {  	s18 =	sld [smem:$0x3FDB];
	_ =	sdelay $0x1  }
0x99: {  	s19 =	simm.s32 $_scs_section_size  }
0x9a: {  	s4 =	simm.s32 $_size__tile_overlayer_lowered;
	s5 =	simm.s32 $_tile_overlayer_lowered  }
0x9b: {  	s22 =	simm.s32 $0x1BFF;
	s21 =	sshll.u32 s5, $0x1;
	s2 =	sadd.s32 s19, s18  }
0x9c: {  	s6 =	simm.s32 $0x0;
	s20 =	sshll.u32 s4, $0x1;
	s4 =	sadd.s32 s21, s2  }
0x9d: {  	[timem:s6], [sflag:s22] =	dma.local [hbm:s4], s20  }
0x9e: {  	_ =	swait.ge [sflag:s22], s20  }
0x9f: {  	s3 =	ssub.s32 $0x0, s20;
	[sflag:s22] =	ssyncset.done $0x0  }
0xa0: {  	[sflag:s22] =	ssyncadd.s32 s3;
	_ =	sdelay $0x1  }
0xa1: {  	s23 =	simm.s32 $0x1B8B  }
0xa2: {  	_ =	swait.ge [sflag:s23], $0x1  }
0xa3: {  	[sflag:s23] =	ssyncset.done $0x0  }
0xa4: {  	s25 =	simm.s32 $0x1B8E;
	s24 =	sld [smem:$0x3FFE];
	[sflag:s23] =	ssyncadd.s32 $0xFFFFFFFF  }
0xa5: {  	s26 =	simm.s32 $execute0_lowered;
	[smem:$0x3FD2] =	sst s25  }
0xa6: {  	s4 =	sshll.u32 s26, $0x1;
	_ =	strace $0x80000046;
	[dreg:$0x1] =	wrdreg $0xFFFFFFFF  }
0xa7: {  	s28 =	simm.s32 $_size_execute0_lowered;
	s2 =	sadd.s32 s2, s4;
	[dreg:$0x0] =	wrdreg $0x0  }
0xa8: {  	s4 =	sshll.u32 s28, $0x1;
	[dreg:$0x2] =	wrdreg s2  }
0xa9: {  	[dreg:$0x3] =	wrdreg s4  }
0xaa: {  	[dreg:$0x4] =	wrdreg $0xC0  }
0xab: {  	_ =	task [dreg:s6], $0x5FFFF  }
0xac: {  	[dreg:$0x1] =	wrdreg $0xFFFFFFFF  }
0xad: {  	[dreg:$0x0] =	wrdreg $0x60  }
0xae: {  	[dreg:$0x2] =	wrdreg s24  }
0xaf: {  	[dreg:$0x3] =	wrdreg $0x2B000  }
0xb0: {  	[dreg:$0x4] =	wrdreg $0x9  }
0xb1: {  	_ =	task.clear_ibuf [dreg:s6], $0x5FFFF;
	_ =	strace $0x90000046  }
0xb2: {  	s29 =	simm.s32 $0x9;
	_ =	strace $0x80000048  }
0xb3: {  	_ =	swait.ge [sflag:s29], $0x1  }
0xb4: {  	[sflag:s29] =	ssyncadd.s32 $0xFFFFFFFF  }
0xb5: {  	_ =	strace $0x90000048  }
0xb6: {  	_ =	sfence  }
0xb7: {  	s30 =	sld [smem:$0x0];
	_ =	sdelay $0x2  }
0xb8: {  	s31 =	sshll.u32 s1, $0xD;
	s1 =	sshrl.u32 s1, $0x2  }
0xb9: {  	s3 =	sand.u32 $0x4000, s31;
	s1 =	sadd.s32 s1, s30  }
0xba: {  	s0 =	sor.u32 s3, s0;
	s1 =	sshll.u32 s1, $0x11  }
0xbb: {  	s0 =	sor.u32 s1, s0  }
0xbc: {  	s0 =	sadd.s32 $0x8F2B, s0  }
0xbd: {  	[sflag:s0] =	ssyncadd.remote.s32 $0x1  }
0xbe: {  	_ =	sfence.sel $0xFFFF  }
0xbf: {  	[dreg:$0x0] =	wrdreg $0xFFFFFFFF;
	(pc) =	sbr.abs _section_cstart, $3  }
0xc0: {  	[dreg:$0x1] =	wrdreg $0xFFFFFFFF  }
0xc1: {  	_ =	task.clear_ibuf [dreg:s6], $0x2FFFF;
	_ =	strace $0x9FFFFFFF  }
0xc2: {  	(tm) =	ssettm $0x7FFFFFFF  }
0xc3: {  	_ =	shalt  }
tec
execute0_lowered:
.L_overlay_start_1:
0x0: {  	(tag) =	ssettag $0x1  }
0x1: {  	s4 =	rddreg [dreg:$0x0];
	s0 =	srdreg.scid  }
0x2: {  	s2 =	rddreg [dreg:$0x1];
	s1 =	stileid.u32;
	s3 =	simm.s32 $0x0  }
0x3: {  	s10 =	simm.s32 $0x80;
	s11 =	simm.s32 $0x2800;
	s14 =	simm.s32 $0x20  }
0x4: {  	s15 =	simm.s32 $0x10;
	s5 =	sand.u32 $0x1, s0;
	s0 =	rddreg [dreg:$0x2]  }
0x5: {  	s16 =	simm.s32 $0x0;
	s6 =	smul.u32 $0x500, s1;
	[smem:$0x7FF] =	sst s3  }
0x6: {  	s29 =	smul.u32 $0xA00, s1;
	s12 =	sshll.u32 s1, $0x6;
	s7 =	sshll.u32 s5, $0x4  }
0x7: {  	s8 =	sshll.u32 s5, $0x7;
	_ =	strace $0x80000047;
	s5 =	ssub.s32 $0x2, s5  }
0x8: {  	s12 =	sor.u32 $0x1C01, s12;
	s7 =	sor.u32 s1, s7;
	s6 =	sor.u32 s8, s6  }
0x9: {  	s9 =	sshrl.u32 s5, $0x1;
	s30 =	sshrl.u32 s29, $0x2;
	s7 =	smul.u32 $0x2800, s7  }
0xa: {  	s8 =	simm.s32 $0x1;
	s6 =	sshrl.u32 s6, $0x3;
	s31 =	ssub.s32 s5, s9  }
0xb: {  	s5 =	sadd.s32 s30, s2;
	s9 =	simm.s32 $0x2880;
	s7 =	sshrl.u32 s7, $0x3  }
0xc: {  	s6 =	sadd.s32 s6, s4;
	s13 =	sshrl.u32 s5, $0x3;
	s4 =	sadd.s32 s4, s7  }
0xd: {  	v0 =	vimm.f32 $1.000000000e+00;
	v1 =	vimm.f32 $0.0e+00;
	s6 =	sadd.s32 $0x16A00, s6;
	s7 =	smax.u32 s31, $0x1;
	s4 =	sadd.s32 $0xCA00, s4  }
.LBB2_1:
0xe: {  	[tilespmem:s3], [sflag:$0x1] =	stream.linear.gather [hbm4b:s4+s3], $0x2800, $0x38;
	[tilespmem:$0x2D80] =	vst v63  }
0xf: {  	_ =	swait.ge [sflag:s8], $0x2800  }
0x10: {  	[sflag:s8] =	ssyncset.done $0x0  }
0x11: {  	[sflag:s8] =	ssyncadd.s32 $0xFFFFD800  }
0x12: {  	[tilespmem:$0x2800] =	vst v0  }
0x13: {  	[tilespmem:$0x2810] =	vst v0  }
0x14: {  	[tilespmem:$0x2820] =	vst v0  }
0x15: {  	[tilespmem:$0x2830] =	vst v0  }
0x16: {  	[tilespmem:$0x2840] =	vst v0  }
0x17: {  	[tilespmem:$0x2850] =	vst v0  }
0x18: {  	[tilespmem:$0x2860] =	vst v0  }
0x19: {  	[tilespmem:$0x2870] =	vst v0  }
0x1a: {  	[tilespmem:$0x2880] =	vst v1  }
0x1b: {  	[tilespmem:$0x2890] =	vst v1  }
0x1c: {  	[tilespmem:$0x28A0] =	vst v1  }
0x1d: {  	[tilespmem:$0x28B0] =	vst v1  }
0x1e: {  	[tilespmem:$0x28C0] =	vst v1  }
0x1f: {  	[tilespmem:$0x28D0] =	vst v1  }
0x20: {  	[tilespmem:$0x28E0] =	vst v1  }
0x21: {  	[tilespmem:$0x28F0] =	vst v1  }
0x22: {  	[tilespmem:$0x2900] =	vst v1  }
0x23: {  	[tilespmem:$0x2910] =	vst v1  }
0x24: {  	[tilespmem:$0x2920] =	vst v1  }
0x25: {  	[tilespmem:$0x2930] =	vst v1  }
0x26: {  	[tilespmem:$0x2940] =	vst v1  }
0x27: {  	[tilespmem:$0x2950] =	vst v1  }
0x28: {  	[tilespmem:$0x2960] =	vst v1  }
0x29: {  	[tilespmem:$0x2970] =	vst v1  }
0x2a: {  	[tilespmem:$0x2980] =	vst v1  }
0x2b: {  	[tilespmem:$0x2990] =	vst v1  }
0x2c: {  	[tilespmem:$0x29A0] =	vst v1  }
0x2d: {  	[tilespmem:$0x29B0] =	vst v1  }
0x2e: {  	[tilespmem:$0x29C0] =	vst v1  }
0x2f: {  	[tilespmem:$0x29D0] =	vst v1  }
0x30: {  	[tilespmem:$0x29E0] =	vst v1  }
0x31: {  	[tilespmem:$0x29F0] =	vst v1  }
0x32: {  	[tilespmem:$0x2A00] =	vst v1  }
0x33: {  	[tilespmem:$0x2A10] =	vst v1  }
0x34: {  	[tilespmem:$0x2A20] =	vst v1  }
0x35: {  	[tilespmem:$0x2A30] =	vst v1  }
0x36: {  	[tilespmem:$0x2A40] =	vst v1  }
0x37: {  	[tilespmem:$0x2A50] =	vst v1  }
0x38: {  	[tilespmem:$0x2A60] =	vst v1  }
0x39: {  	[tilespmem:$0x2A70] =	vst v1  }
0x3a: {  	[tilespmem:$0x2A80] =	vst v1  }
0x3b: {  	[tilespmem:$0x2A90] =	vst v1  }
0x3c: {  	[tilespmem:$0x2AA0] =	vst v1  }
0x3d: {  	[tilespmem:$0x2AB0] =	vst v1  }
0x3e: {  	[tilespmem:$0x2AC0] =	vst v1  }
0x3f: {  	[tilespmem:$0x2AD0] =	vst v1  }
0x40: {  	[tilespmem:$0x2AE0] =	vst v1  }
0x41: {  	[tilespmem:$0x2AF0] =	vst v1  }
0x42: {  	[spmem:s5] =	stream.linear.scatter [tilespmem:s9], [sflag:$0x1], $0x280, $0x38;
	[tilespmem:$0x2D80] =	vst v63  }
0x43: {  	_ =	swait.ge [sflag:s8], $0x280  }
0x44: {  	[sflag:s8] =	ssyncset.done $0x0  }
0x45: {  	[sflag:s8] =	ssyncadd.s32 $0xFFFFFD80  }
0x46: {  	s17 =	simm.s32 $0x0;
	[bflag:$0x0] =	sbarrier.arrive $0xFFFF  }
0x47: {  	[spmem:s2] =	stream.indirect.scatter.add.f32 [tilespmem:s11], [sflag:$0x1], $0x1, s17, s10, $0xb8;
	[tilespmem:$0x2D80] =	vst v63  }
0x48: {  	_ =	swait.ge [sflag:s8], $0x80  }
0x49: {  	s17 =	simm.s32 $0x200;
	[sflag:s8] =	ssyncset.done $0x0  }
.LBB2_2:
0x4a: {  	s18 =	sshra.s32 s17, $0x2;
	[sflag:s8] =	ssyncadd.s32 $0xFFFFFF80;
	p0 =	sne.s32 s17, $0x9E00  }
0x4b: {  	[spmem:s2] =	stream.indirect.scatter.add.f32 [tilespmem:s11], [sflag:$0x1], $0x1, s18, s10, $0xb8;
	[tilespmem:$0x2D80] =	vst v63  }
.Ltmp0:
0x4c: {  	_ = 	snop;
	(pc) =	sbr.rel @p0 .LBB2_2-.Ltmp0, $4  }
0x4d: {  	_ = 	snop  }
0x4e: {  	s17 =	sadd.s32 $0x200, s17  }
0x4f: {  	_ =	swait.ge [sflag:s8], $0x80  }
0x50: {  	[sflag:s8] =	ssyncset.done $0x0  }
0x51: {  	s16 =	sadd.s32 $0x1, s16  }
0x52: {  	[sflag:s8] =	ssyncadd.s32 $0xFFFFFF80;
	p0 =	sne.s32 s16, s7  }
.Ltmp1:
0x53: {  	[bflag:$0x0] =	sbarrier.arrive $0xFFFF;
	(pc) =	sbr.rel @p0 .LBB2_1-.Ltmp1, $4  }
0x54: {  	[hbm:s6@s14], [sflag:s12] =	dma.strided [spmem:s13@s15], $0x50, s8, $0x10   }
0x55: {  	_ =	swait.ge [sflag:s8], $0x50  }
0x56: {  	[sflag:s8] =	ssyncset.done $0x0  }
0x57: {  	[sflag:s8] =	ssyncadd.s32 $0xFFFFFFB0  }
0x58: {  	_ =	sfence.sel $0x180000  }
0x59: {  	[bflag:$0x0] =	sbarrier.arrive $0xFFFF  }
0x5a: {  	p0 =	sne.s32 s1, $0x0;
	_ =	strace $0x90000047  }
0x5b: {  	s0 =	sadd.s32 @!p0 $0x100000, s0;
	[bflag:$0x2] =	sbarrier.arrive $0xFFFF  }
0x5c: {  	[sflag:s0] =	ssyncadd.tile.s32 @!p0 $0x1;
	_ =	shalt  }
.Lfunc_end2:
_tile_overlayer_lowered:
.L_overlay_start_2:
0x5d: {  	(tag) =	ssettag $0x2  }
0x5e: {  	s0 =	rddreg [dreg:$0x0];
	s2 =	stileid.u32  }
0x5f: {  	s1 =	rddreg [dreg:$0x1];
	p0 =	sne.s32 s2, $0x0  }
0x60: {  	s3 =	rddreg [dreg:$0x2];
	[bflag:$0x3] =	sbarrier.arrive $0xFFFF;
	s2 =	simm.s32 @!p0 $0x1C01  }
0x61: {  	[timem:s3], [sflag:s2] =	dma.local @!p0 [hbm:s0], s1  }
0x62: {  	s0 =	simm.s32 @!p0 $0x1  }
0x63: {  	_ =	swait.ge @!p0 [sflag:s0], s1  }
0x64: {  	s1 =	ssub.s32 @!p0 $0x0, s1;
	[sflag:s0] =	ssyncset.done @!p0 $0x0  }
0x65: {  	[sflag:s0] =	ssyncadd.s32 @!p0 s1  }
0x66: {  	[bflag:$0x3] =	sbarrier.arrive $0xFFFF  }
0x67: {  	_ =	shalt  }

</sc_bundles>
